<compile_context>
chip_gen: v7x
topology: tpu7x:2x2x1
jax: 0.10.2.dev20260603
libtpu: 0.0.44.dev20260713+nightly
codegen_flags: <defaults>
</compile_context>

<pallas_src>
import functools

import jax
import jax.numpy as jnp
from jax import lax
from jax.experimental import pallas as pl
from jax.experimental.pallas import tpu as pltpu
from jax.experimental.pallas import tpu_sc as plsc

ROWS = 16384
COLS = 1000
L = 16
NC = 2
NS = 16
NW = NC * NS
G = 16
GC = G * COLS
NCH = COLS // L
TAIL = COLS - NCH * L

SC_ROWS = 1024
TC_ROWS = ROWS - SC_ROWS
TC_BLK = 1024

RPW = SC_ROWS // NW
NG = RPW // G

_mesh = plsc.VectorSubcoreMesh(core_axis_name="c", subcore_axis_name="s")


@functools.partial(
    pl.kernel,
    mesh=_mesh,
    compiler_params=pltpu.CompilerParams(needs_layout_passes=False),
    out_type=jax.ShapeDtypeStruct((NW, RPW * L), jnp.float32),
    scratch_types=[
        pltpu.VMEM((GC + L,), jnp.float32),
        pltpu.VMEM((GC + L,), jnp.float32),
        pltpu.VMEM((RPW,), jnp.int32),
        pltpu.VMEM((RPW * L,), jnp.float32),
        pltpu.SemaphoreType.DMA,
        pltpu.SemaphoreType.DMA,
    ],
)
def _sc_row_sums(pred_hbm, idx_hbm, out_hbm, buf_a, buf_b, tall, sums,
                 sem_a, sem_b):
    wid = lax.axis_index("s") * NC + lax.axis_index("c")
    base_row = wid * RPW
    lane = lax.iota(jnp.int32, L)

    pltpu.sync_copy(idx_hbm.at[pl.ds(base_row, RPW)], tall)

    def start_fetch(g, buf, sem):
        src = pred_hbm.at[pl.ds((base_row + g * G) * COLS, GC)]
        pltpu.make_async_copy(src, buf.at[pl.ds(0, GC)], sem).start()

    def wait_fetch(buf, sem):
        src = pred_hbm.at[pl.ds(0, GC)]
        pltpu.make_async_copy(src, buf.at[pl.ds(0, GC)], sem).wait()

    def process_group(g, buf):
        def row_body(r, carry):
            t_b = plsc.load_gather(tall, [jnp.full((L,), g * G + r, jnp.int32)])
            roff = r * COLS
            s_b = plsc.load_gather(buf, [t_b + roff])
            bits = plsc.bitcast(s_b, jnp.int32)
            up = jnp.where(s_b > 0.0, bits + 1,
                           jnp.where(s_b < 0.0, bits - 1,
                                     jnp.int32(0x00800000)))
            thr_hi = plsc.bitcast(up, jnp.float32)
            u = t_b - lane

            acc = jnp.zeros((L,), jnp.float32)
            for c in range(NCH):
                v = buf[pl.ds(roff + c * L, L)]
                thr = jnp.where(c * L >= u, thr_hi, s_b)
                acc = acc + jnp.where(v < thr, jnp.exp(v - s_b), 0.0)
            v = buf[pl.ds(roff + NCH * L, L)]
            thr = jnp.where(NCH * L >= u, thr_hi, s_b)
            m = (v < thr) & (lane < TAIL)
            acc = acc + jnp.where(m, jnp.exp(v - s_b), 0.0)

            sums[pl.ds((g * G + r) * L, L)] = acc
            return carry

        lax.fori_loop(0, G, row_body, 0)

    start_fetch(0, buf_a, sem_a)

    def pair_body(i, carry):
        g0 = i * 2
        wait_fetch(buf_a, sem_a)
        start_fetch(g0 + 1, buf_b, sem_b)
        process_group(g0, buf_a)
        wait_fetch(buf_b, sem_b)

        @pl.when(i < NG // 2 - 1)
        def _():
            start_fetch(g0 + 2, buf_a, sem_a)

        process_group(g0 + 1, buf_b)
        return carry

    lax.fori_loop(0, NG // 2, pair_body, 0)
    pltpu.sync_copy(sums, out_hbm.at[wid])


def _tc_body(x_ref, t_ref, o_ref):
    x = x_ref[...]
    t2 = t_ref[0, 0, :].reshape(TC_BLK, 1)
    cols = lax.broadcasted_iota(jnp.int32, (TC_BLK, COLS), 1)
    s_t = jnp.sum(jnp.where(cols == t2, x, 0.0), axis=1, keepdims=True)
    d = x - s_t
    dthr = jnp.where(cols >= t2, 1e-30, 0.0)
    rs = jnp.sum(jnp.where(d < dthr, jnp.exp(d), 0.0), axis=1)
    part = jnp.sum(jnp.log(rs))

    @pl.when(pl.program_id(0) == 0)
    def _():
        o_ref[0, 0] = 0.0

    o_ref[0, 0] += part


_TC_OFF = SC_ROWS // TC_BLK

_tc_partial = pl.pallas_call(
    _tc_body,
    grid=(TC_ROWS // TC_BLK,),
    in_specs=[
        pl.BlockSpec((TC_BLK, COLS), lambda i: (i + _TC_OFF, 0)),
        pl.BlockSpec((1, 1, TC_BLK), lambda i: (i + _TC_OFF, 0, 0)),
    ],
    out_specs=pl.BlockSpec(memory_space=pltpu.SMEM),
    out_shape=jax.ShapeDtypeStruct((1, 1), jnp.float32),
)


def _merge_body(s_ref, p_ref, o_ref):
    row_sums = jnp.sum(s_ref[...], axis=1)
    o_ref[0, 0] = (jnp.sum(jnp.log(row_sums)) + p_ref[0, 0]) / ROWS


_merge = pl.pallas_call(
    _merge_body,
    in_specs=[
        pl.BlockSpec((SC_ROWS, L), lambda: (0, 0)),
        pl.BlockSpec(memory_space=pltpu.SMEM),
    ],
    out_specs=pl.BlockSpec(memory_space=pltpu.SMEM),
    out_shape=jax.ShapeDtypeStruct((1, 1), jnp.float32),
)


@jax.jit
def kernel(pred_scores, true_indices):
    if pred_scores.ndim == 1:
        pred_scores = pred_scores[None, :]
    ti = true_indices.reshape(-1).astype(jnp.int32)
    ps_sc = pred_scores[:SC_ROWS].reshape(-1)
    ti_sc = ti[:SC_ROWS]
    ti_3d = ti.reshape(ROWS // TC_BLK, 1, TC_BLK)
    sc_sums = _sc_row_sums(ps_sc, ti_sc)
    tc_part = _tc_partial(pred_scores, ti_3d)
    return _merge(sc_sums.reshape(SC_ROWS, L), tc_part)[0, 0]

# --- scband reference (transcript-rebuilt; emitter-appended) ---
"""Pipeline reference for scband-list-mleranking-loss-4578435137649 (READ-ONLY COPY).

The authoritative reference and input builder live on the scoring server;
editing this copy changes nothing except your own understanding.
"""

import jax, jax.numpy as jnp
import numpy as np

EPS = 1e-12

def setup_inputs(seed: int = 0) -> dict:
    key = jax.random.key(seed)
    k1, k2 = jax.random.split(key)
    pred_scores = jax.random.normal(k1, (16384, 1000), dtype=jnp.float32)
    true_indices = jax.random.randint(k2, (16384,), 0, 1000, dtype=jnp.int64 if jax.config.read('jax_enable_x64') else jnp.int32).astype(jnp.int32)
    return {"pred_scores": pred_scores, "true_indices": true_indices}

def reference(pred_scores, true_indices):
    # ListMLE ranking loss (single relevant item per list)
    if pred_scores.ndim == 1:
        pred_scores = pred_scores[None, :]
    batch = pred_scores.shape[0]
    target = true_indices.reshape(-1)
    # sort descending; keep permutation indices
    sort_indices = jnp.argsort(-pred_scores, axis=-1)
    sorted_scores = jnp.take_along_axis(pred_scores, sort_indices, axis=-1)
    true_mask = sort_indices == target[:, None]
    shifted = sorted_scores - sorted_scores[:, :1]
    exp_scores = jnp.exp(shifted)
    cum_sums = jnp.flip(jnp.cumsum(jnp.flip(exp_scores, axis=-1), axis=-1), axis=-1)
    cum_sums = jnp.maximum(cum_sums, EPS)
    log_probs = shifted - jnp.log(cum_sums)
    # exactly one True per row -> masked mean over batch
    loss = -jnp.sum(jnp.where(true_mask, log_probs, 0.0)) / batch
    return loss

if __name__ == "__main__":
    import jax
    _d = setup_inputs()
    print(jax.jit(kernel)(*tuple(_d.values())))

</pallas_src>

<mosaic_0001>
#map = affine_map<(d0, d1) -> (0)>
#map1 = affine_map<(d0, d1) -> (0, 0)>
module attributes {stable_mosaic.version = 14 : i64} {
  func.func @_sc_row_sums(%arg0: i32, %arg1: i32, %arg2: memref<1024000xf32, #tpu.memory_space<hbm>>, %arg3: memref<1024xi32, #tpu.memory_space<hbm>>, %arg4: memref<32x512xf32, #tpu.memory_space<hbm>>, %arg5: memref<16016xf32, #tpu.memory_space<vmem>>, %arg6: memref<16016xf32, #tpu.memory_space<vmem>>, %arg7: memref<32xi32, #tpu.memory_space<vmem>>, %arg8: memref<512xf32, #tpu.memory_space<vmem>>, %arg9: memref<!tpu.dma_semaphore, #tpu.memory_space<semaphore_mem>>, %arg10: memref<!tpu.dma_semaphore, #tpu.memory_space<semaphore_mem>>) attributes {dimension_semantics = [#tpu.dimension_semantics<core_parallel>, #tpu.dimension_semantics<subcore_parallel>], iteration_bounds = array<i64: 2, 16>, scalar_prefetch = 0 : i64, scratch_operands = 6 : i64, tpu.core_type = #tpu.core_type<sc_vector_subcore>, window_params = [{transform_indices = #map}, {transform_indices = #map}, {transform_indices = #map1}]} {
    %mul3A = arith.constant 2 : i32
    %mul3A_0 = arith.muli %arg1, %mul3A : i32
    %add3A = arith.addi %mul3A_0, %arg0 : i32
    %mul3A_1 = arith.constant 32 : i32
    %mul3A_2 = arith.muli %add3A, %mul3A_1 : i32
    %iota3A = tpu.iota {dimensions = array<i32: 0>} : vector<16xi32>
    "tpu.region"() ({
      %run_scoped3A = tpu.sem_alloc : memref<!tpu.dma_semaphore, #tpu.memory_space<semaphore_mem>>
      %dma_start3A_60 = tpu.memref_slice %arg3[%mul3A_2] : memref<1024xi32, #tpu.memory_space<hbm>> -> memref<32xi32, #tpu.memory_space<hbm>>
      %dma_start3A_61 = tpu.memref_slice %arg3[%mul3A_2] : memref<1024xi32, #tpu.memory_space<hbm>> -> memref<32xi32, #tpu.memory_space<hbm>>
      tpu.enqueue_dma source(%dma_start3A_61 : memref<32xi32, #tpu.memory_space<hbm>>) target(%arg7 : memref<32xi32, #tpu.memory_space<vmem>>) target_semaphore(%run_scoped3A : memref<!tpu.dma_semaphore, #tpu.memory_space<semaphore_mem>>)
      %dma_wait3A_62 = tpu.memref_slice %arg3[%mul3A_2] : memref<1024xi32, #tpu.memory_space<hbm>> -> memref<32xi32, #tpu.memory_space<hbm>>
      %dma_wait3A_63 = tpu.memref_slice %arg3[%mul3A_2] : memref<1024xi32, #tpu.memory_space<hbm>> -> memref<32xi32, #tpu.memory_space<hbm>>
      tpu.wait_dma2 semaphore(%run_scoped3A : memref<!tpu.dma_semaphore, #tpu.memory_space<semaphore_mem>>) src(%dma_wait3A_63 : memref<32xi32, #tpu.memory_space<hbm>>) dst(%arg7 : memref<32xi32, #tpu.memory_space<vmem>>)
      tpu.yield
    }) : () -> ()
    %add3A_3 = arith.constant 0 : i32
    %add3A_4 = arith.addi %mul3A_2, %add3A_3 : i32
    %mul3A_5 = arith.constant 1000 : i32
    %mul3A_6 = arith.muli %add3A_4, %mul3A_5 : i32
    %dma_start3A = arith.constant 0 : i32
    %dma_start3A_7 = tpu.memref_slice %arg5[%dma_start3A] : memref<16016xf32, #tpu.memory_space<vmem>> -> memref<16000xf32, #tpu.memory_space<vmem>>
    %dma_start3A_8 = tpu.memref_slice %arg2[%mul3A_6] : memref<1024000xf32, #tpu.memory_space<hbm>> -> memref<16000xf32, #tpu.memory_space<hbm>>
    %dma_start3A_9 = arith.constant 0 : i32
    %dma_start3A_10 = tpu.memref_slice %arg5[%dma_start3A_9] : memref<16016xf32, #tpu.memory_space<vmem>> -> memref<16000xf32, #tpu.memory_space<vmem>>
    %dma_start3A_11 = tpu.memref_slice %arg2[%mul3A_6] : memref<1024000xf32, #tpu.memory_space<hbm>> -> memref<16000xf32, #tpu.memory_space<hbm>>
    tpu.enqueue_dma source(%dma_start3A_11 : memref<16000xf32, #tpu.memory_space<hbm>>) target(%dma_start3A_10 : memref<16000xf32, #tpu.memory_space<vmem>>) target_semaphore(%arg9 : memref<!tpu.dma_semaphore, #tpu.memory_space<semaphore_mem>>)
    %scan3A = arith.constant 0 : i32
    %scan3A_12 = arith.constant 0 : i32
    %mul3A_13 = arith.constant 2 : i32
    %mul3A_14 = arith.muli %scan3A_12, %mul3A_13 : i32
    %dma_wait3A = arith.constant 0 : i32
    %dma_wait3A_15 = tpu.memref_slice %arg5[%dma_wait3A] : memref<16016xf32, #tpu.memory_space<vmem>> -> memref<16000xf32, #tpu.memory_space<vmem>>
    %dma_wait3A_16 = arith.constant 0 : i32
    %dma_wait3A_17 = tpu.memref_slice %arg2[%dma_wait3A_16] : memref<1024000xf32, #tpu.memory_space<hbm>> -> memref<16000xf32, #tpu.memory_space<hbm>>
    %dma_wait3A_18 = arith.constant 0 : i32
    %dma_wait3A_19 = tpu.memref_slice %arg5[%dma_wait3A_18] : memref<16016xf32, #tpu.memory_space<vmem>> -> memref<16000xf32, #tpu.memory_space<vmem>>
    %dma_wait3A_20 = arith.constant 0 : i32
    %dma_wait3A_21 = tpu.memref_slice %arg2[%dma_wait3A_20] : memref<1024000xf32, #tpu.memory_space<hbm>> -> memref<16000xf32, #tpu.memory_space<hbm>>
    tpu.wait_dma2 semaphore(%arg9 : memref<!tpu.dma_semaphore, #tpu.memory_space<semaphore_mem>>) src(%dma_wait3A_21 : memref<16000xf32, #tpu.memory_space<hbm>>) dst(%dma_wait3A_19 : memref<16000xf32, #tpu.memory_space<vmem>>)
    %add3A_22 = arith.constant 1 : i32
    %add3A_23 = arith.addi %mul3A_14, %add3A_22 : i32
    %mul3A_24 = arith.constant 16 : i32
    %mul3A_25 = arith.muli %add3A_23, %mul3A_24 : i32
    %add3A_26 = arith.addi %mul3A_2, %mul3A_25 : i32
    %mul3A_27 = arith.constant 1000 : i32
    %mul3A_28 = arith.muli %add3A_26, %mul3A_27 : i32
    %dma_start3A_29 = arith.constant 0 : i32
    %dma_start3A_30 = tpu.memref_slice %arg6[%dma_start3A_29] : memref<16016xf32, #tpu.memory_space<vmem>> -> memref<16000xf32, #tpu.memory_space<vmem>>
    %dma_start3A_31 = tpu.memref_slice %arg2[%mul3A_28] : memref<1024000xf32, #tpu.memory_space<hbm>> -> memref<16000xf32, #tpu.memory_space<hbm>>
    %dma_start3A_32 = arith.constant 0 : i32
    %dma_start3A_33 = tpu.memref_slice %arg6[%dma_start3A_32] : memref<16016xf32, #tpu.memory_space<vmem>> -> memref<16000xf32, #tpu.memory_space<vmem>>
    %dma_start3A_34 = tpu.memref_slice %arg2[%mul3A_28] : memref<1024000xf32, #tpu.memory_space<hbm>> -> memref<16000xf32, #tpu.memory_space<hbm>>
    tpu.enqueue_dma source(%dma_start3A_34 : memref<16000xf32, #tpu.memory_space<hbm>>) target(%dma_start3A_33 : memref<16000xf32, #tpu.memory_space<vmem>>) target_semaphore(%arg10 : memref<!tpu.dma_semaphore, #tpu.memory_space<semaphore_mem>>)
    %scan3A_35 = arith.constant 0 : i32
    %scan3A_36 = arith.constant 0 : i32
    %scan3A_37 = arith.constant 16 : i32
    %scan3A_38 = arith.addi %scan3A_36, %scan3A_37 : i32
    %scan3A_39 = arith.constant 1 : i32
    scf.for %scan3A_60 = %scan3A_36 to %scan3A_38 step %scan3A_39  : i32 {
      %mul3A_61 = arith.constant 16 : i32
      %mul3A_62 = arith.muli %mul3A_14, %mul3A_61 : i32
      %add3A_63 = arith.addi %mul3A_62, %scan3A_60 : i32
      %broadcast_in_dim3A = vector.broadcast %add3A_63 : i32 to vector<16xi32>
      %gather3A = tpu.vector_load_idx %arg7[%broadcast_in_dim3A] : memref<32xi32, #tpu.memory_space<vmem>>[vector<16xi32>], vector<16xi32>,
      %mul3A_64 = arith.constant 1000 : i32
      %mul3A_65 = arith.muli %scan3A_60, %mul3A_64 : i32
      %add3A_66 = vector.broadcast %mul3A_65 : i32 to vector<16xi32>
      %add3A_67 = arith.addi %gather3A, %add3A_66 : vector<16xi32>
      %gather3A_68 = tpu.vector_load_idx %arg5[%add3A_67] : memref<16016xf32, #tpu.memory_space<vmem>>[vector<16xi32>], vector<16xf32>,
      %bitcast3A = vector.bitcast %gather3A_68 : vector<16xf32> to vector<16xi32>
      %gt3A = arith.constant 0.000000e+00 : f32
      %gt3A_69 = vector.broadcast %gt3A : f32 to vector<16xf32>
      %gt3A_70 = arith.cmpf ogt, %gather3A_68, %gt3A_69 : vector<16xf32>
      %add3A_71 = arith.constant 1 : i32
      %add3A_72 = vector.broadcast %add3A_71 : i32 to vector<16xi32>
      %add3A_73 = arith.addi %bitcast3A, %add3A_72 : vector<16xi32>
      %lt3A_74 = arith.constant 0.000000e+00 : f32
      %lt3A_75 = vector.broadcast %lt3A_74 : f32 to vector<16xf32>
      %lt3A_76 = arith.cmpf olt, %gather3A_68, %lt3A_75 : vector<16xf32>
      %sub3A = arith.constant 1 : i32
      %sub3A_77 = vector.broadcast %sub3A : i32 to vector<16xi32>
      %sub3A_78 = arith.subi %bitcast3A, %sub3A_77 : vector<16xi32>
      %jit3A = arith.constant 8388608 : i32
      %broadcast_in_dim3A_79 = vector.broadcast %jit3A : i32 to vector<16xi32>
      %select_n3A = arith.select %lt3A_76, %sub3A_78, %broadcast_in_dim3A_79 : vector<16xi1>, vector<16xi32>
      %select_n3A_80 = arith.select %gt3A_70, %add3A_73, %select_n3A : vector<16xi1>, vector<16xi32>
      %bitcast3A_81 = vector.bitcast %select_n3A_80 : vector<16xi32> to vector<16xf32>
      %sub3A_82 = arith.subi %gather3A, %iota3A : vector<16xi32>
      %broadcast_in_dim3A_83 = arith.constant 0.000000e+00 : f32
      %broadcast_in_dim3A_84 = vector.broadcast %broadcast_in_dim3A_83 : f32 to vector<16xf32>
      %add3A_85 = arith.constant 0 : i32
      %add3A_86 = arith.addi %mul3A_65, %add3A_85 : i32
      %get3A = arith.index_cast %add3A_86 : i32 to index
      %get3A_87 = tpu.vector_load %arg5[%get3A] {strides = array<i32>} : memref<16016xf32, #tpu.memory_space<vmem>>, vector<16xf32>,
      %le3A = arith.constant 0 : i32
      %le3A_88 = vector.broadcast %le3A : i32 to vector<16xi32>
      %le3A_89 = arith.cmpi sle, %sub3A_82, %le3A_88 : vector<16xi32>
      %select_n3A_90 = arith.select %le3A_89, %bitcast3A_81, %gather3A_68 : vector<16xi1>, vector<16xf32>
      %lt3A_91 = arith.cmpf olt, %get3A_87, %select_n3A_90 : vector<16xf32>
      %sub3A_92 = arith.subf %get3A_87, %gather3A_68 : vector<16xf32>
      %exp3A = math.exp %sub3A_92 : vector<16xf32>
      %jit3A_93 = arith.constant 0.000000e+00 : f32
      %broadcast_in_dim3A_94 = vector.broadcast %jit3A_93 : f32 to vector<16xf32>
      %select_n3A_95 = arith.select %lt3A_91, %exp3A, %broadcast_in_dim3A_94 : vector<16xi1>, vector<16xf32>
      %add3A_96 = arith.addf %broadcast_in_dim3A_84, %select_n3A_95 : vector<16xf32>
      %add3A_97 = arith.constant 16 : i32
      %add3A_98 = arith.addi %mul3A_65, %add3A_97 : i32
      %get3A_99 = arith.index_cast %add3A_98 : i32 to index
      %get3A_100 = tpu.vector_load %arg5[%get3A_99] {strides = array<i32>} : memref<16016xf32, #tpu.memory_space<vmem>>, vector<16xf32>,
      %le3A_101 = arith.constant 16 : i32
      %le3A_102 = vector.broadcast %le3A_101 : i32 to vector<16xi32>
      %le3A_103 = arith.cmpi sle, %sub3A_82, %le3A_102 : vector<16xi32>
      %select_n3A_104 = arith.select %le3A_103, %bitcast3A_81, %gather3A_68 : vector<16xi1>, vector<16xf32>
      %lt3A_105 = arith.cmpf olt, %get3A_100, %select_n3A_104 : vector<16xf32>
      %sub3A_106 = arith.subf %get3A_100, %gather3A_68 : vector<16xf32>
      %exp3A_107 = math.exp %sub3A_106 : vector<16xf32>
      %jit3A_108 = arith.constant 0.000000e+00 : f32
      %broadcast_in_dim3A_109 = vector.broadcast %jit3A_108 : f32 to vector<16xf32>
      %select_n3A_110 = arith.select %lt3A_105, %exp3A_107, %broadcast_in_dim3A_109 : vector<16xi1>, vector<16xf32>
      %add3A_111 = arith.addf %add3A_96, %select_n3A_110 : vector<16xf32>
      %add3A_112 = arith.constant 32 : i32
      %add3A_113 = arith.addi %mul3A_65, %add3A_112 : i32
      %get3A_114 = arith.index_cast %add3A_113 : i32 to index
      %get3A_115 = tpu.vector_load %arg5[%get3A_114] {strides = array<i32>} : memref<16016xf32, #tpu.memory_space<vmem>>, vector<16xf32>,
      %le3A_116 = arith.constant 32 : i32
      %le3A_117 = vector.broadcast %le3A_116 : i32 to vector<16xi32>
      %le3A_118 = arith.cmpi sle, %sub3A_82, %le3A_117 : vector<16xi32>
      %select_n3A_119 = arith.select %le3A_118, %bitcast3A_81, %gather3A_68 : vector<16xi1>, vector<16xf32>
      %lt3A_120 = arith.cmpf olt, %get3A_115, %select_n3A_119 : vector<16xf32>
      %sub3A_121 = arith.subf %get3A_115, %gather3A_68 : vector<16xf32>
      %exp3A_122 = math.exp %sub3A_121 : vector<16xf32>
      %jit3A_123 = arith.constant 0.000000e+00 : f32
      %broadcast_in_dim3A_124 = vector.broadcast %jit3A_123 : f32 to vector<16xf32>
      %select_n3A_125 = arith.select %lt3A_120, %exp3A_122, %broadcast_in_dim3A_124 : vector<16xi1>, vector<16xf32>
      %add3A_126 = arith.addf %add3A_111, %select_n3A_125 : vector<16xf32>
      %add3A_127 = arith.constant 48 : i32
      %add3A_128 = arith.addi %mul3A_65, %add3A_127 : i32
      %get3A_129 = arith.index_cast %add3A_128 : i32 to index
      %get3A_130 = tpu.vector_load %arg5[%get3A_129] {strides = array<i32>} : memref<16016xf32, #tpu.memory_space<vmem>>, vector<16xf32>,
      %le3A_131 = arith.constant 48 : i32
      %le3A_132 = vector.broadcast %le3A_131 : i32 to vector<16xi32>
      %le3A_133 = arith.cmpi sle, %sub3A_82, %le3A_132 : vector<16xi32>
      %select_n3A_134 = arith.select %le3A_133, %bitcast3A_81, %gather3A_68 : vector<16xi1>, vector<16xf32>
      %lt3A_135 = arith.cmpf olt, %get3A_130, %select_n3A_134 : vector<16xf32>
      %sub3A_136 = arith.subf %get3A_130, %gather3A_68 : vector<16xf32>
      %exp3A_137 = math.exp %sub3A_136 : vector<16xf32>
      %jit3A_138 = arith.constant 0.000000e+00 : f32
      %broadcast_in_dim3A_139 = vector.broadcast %jit3A_138 : f32 to vector<16xf32>
      %select_n3A_140 = arith.select %lt3A_135, %exp3A_137, %broadcast_in_dim3A_139 : vector<16xi1>, vector<16xf32>
      %add3A_141 = arith.addf %add3A_126, %select_n3A_140 : vector<16xf32>
      %add3A_142 = arith.constant 64 : i32
      %add3A_143 = arith.addi %mul3A_65, %add3A_142 : i32
      %get3A_144 = arith.index_cast %add3A_143 : i32 to index
      %get3A_145 = tpu.vector_load %arg5[%get3A_144] {strides = array<i32>} : memref<16016xf32, #tpu.memory_space<vmem>>, vector<16xf32>,
      %le3A_146 = arith.constant 64 : i32
      %le3A_147 = vector.broadcast %le3A_146 : i32 to vector<16xi32>
      %le3A_148 = arith.cmpi sle, %sub3A_82, %le3A_147 : vector<16xi32>
      %select_n3A_149 = arith.select %le3A_148, %bitcast3A_81, %gather3A_68 : vector<16xi1>, vector<16xf32>
      %lt3A_150 = arith.cmpf olt, %get3A_145, %select_n3A_149 : vector<16xf32>
      %sub3A_151 = arith.subf %get3A_145, %gather3A_68 : vector<16xf32>
      %exp3A_152 = math.exp %sub3A_151 : vector<16xf32>
      %jit3A_153 = arith.constant 0.000000e+00 : f32
      %broadcast_in_dim3A_154 = vector.broadcast %jit3A_153 : f32 to vector<16xf32>
      %select_n3A_155 = arith.select %lt3A_150, %exp3A_152, %broadcast_in_dim3A_154 : vector<16xi1>, vector<16xf32>
      %add3A_156 = arith.addf %add3A_141, %select_n3A_155 : vector<16xf32>
      %add3A_157 = arith.constant 80 : i32
      %add3A_158 = arith.addi %mul3A_65, %add3A_157 : i32
      %get3A_159 = arith.index_cast %add3A_158 : i32 to index
      %get3A_160 = tpu.vector_load %arg5[%get3A_159] {strides = array<i32>} : memref<16016xf32, #tpu.memory_space<vmem>>, vector<16xf32>,
      %le3A_161 = arith.constant 80 : i32
      %le3A_162 = vector.broadcast %le3A_161 : i32 to vector<16xi32>
      %le3A_163 = arith.cmpi sle, %sub3A_82, %le3A_162 : vector<16xi32>
      %select_n3A_164 = arith.select %le3A_163, %bitcast3A_81, %gather3A_68 : vector<16xi1>, vector<16xf32>
      %lt3A_165 = arith.cmpf olt, %get3A_160, %select_n3A_164 : vector<16xf32>
      %sub3A_166 = arith.subf %get3A_160, %gather3A_68 : vector<16xf32>
      %exp3A_167 = math.exp %sub3A_166 : vector<16xf32>
      %jit3A_168 = arith.constant 0.000000e+00 : f32
      %broadcast_in_dim3A_169 = vector.broadcast %jit3A_168 : f32 to vector<16xf32>
      %select_n3A_170 = arith.select %lt3A_165, %exp3A_167, %broadcast_in_dim3A_169 : vector<16xi1>, vector<16xf32>
      %add3A_171 = arith.addf %add3A_156, %select_n3A_170 : vector<16xf32>
      %add3A_172 = arith.constant 96 : i32
      %add3A_173 = arith.addi %mul3A_65, %add3A_172 : i32
      %get3A_174 = arith.index_cast %add3A_173 : i32 to index
      %get3A_175 = tpu.vector_load %arg5[%get3A_174] {strides = array<i32>} : memref<16016xf32, #tpu.memory_space<vmem>>, vector<16xf32>,
      %le3A_176 = arith.constant 96 : i32
      %le3A_177 = vector.broadcast %le3A_176 : i32 to vector<16xi32>
      %le3A_178 = arith.cmpi sle, %sub3A_82, %le3A_177 : vector<16xi32>
      %select_n3A_179 = arith.select %le3A_178, %bitcast3A_81, %gather3A_68 : vector<16xi1>, vector<16xf32>
      %lt3A_180 = arith.cmpf olt, %get3A_175, %select_n3A_179 : vector<16xf32>
      %sub3A_181 = arith.subf %get3A_175, %gather3A_68 : vector<16xf32>
      %exp3A_182 = math.exp %sub3A_181 : vector<16xf32>
      %jit3A_183 = arith.constant 0.000000e+00 : f32
      %broadcast_in_dim3A_184 = vector.broadcast %jit3A_183 : f32 to vector<16xf32>
      %select_n3A_185 = arith.select %lt3A_180, %exp3A_182, %broadcast_in_dim3A_184 : vector<16xi1>, vector<16xf32>
      %add3A_186 = arith.addf %add3A_171, %select_n3A_185 : vector<16xf32>
      %add3A_187 = arith.constant 112 : i32
      %add3A_188 = arith.addi %mul3A_65, %add3A_187 : i32
      %get3A_189 = arith.index_cast %add3A_188 : i32 to index
      %get3A_190 = tpu.vector_load %arg5[%get3A_189] {strides = array<i32>} : memref<16016xf32, #tpu.memory_space<vmem>>, vector<16xf32>,
      %le3A_191 = arith.constant 112 : i32
      %le3A_192 = vector.broadcast %le3A_191 : i32 to vector<16xi32>
      %le3A_193 = arith.cmpi sle, %sub3A_82, %le3A_192 : vector<16xi32>
      %select_n3A_194 = arith.select %le3A_193, %bitcast3A_81, %gather3A_68 : vector<16xi1>, vector<16xf32>
      %lt3A_195 = arith.cmpf olt, %get3A_190, %select_n3A_194 : vector<16xf32>
      %sub3A_196 = arith.subf %get3A_190, %gather3A_68 : vector<16xf32>
      %exp3A_197 = math.exp %sub3A_196 : vector<16xf32>
      %jit3A_198 = arith.constant 0.000000e+00 : f32
      %broadcast_in_dim3A_199 = vector.broadcast %jit3A_198 : f32 to vector<16xf32>
      %select_n3A_200 = arith.select %lt3A_195, %exp3A_197, %broadcast_in_dim3A_199 : vector<16xi1>, vector<16xf32>
      %add3A_201 = arith.addf %add3A_186, %select_n3A_200 : vector<16xf32>
      %add3A_202 = arith.constant 128 : i32
      %add3A_203 = arith.addi %mul3A_65, %add3A_202 : i32
      %get3A_204 = arith.index_cast %add3A_203 : i32 to index
      %get3A_205 = tpu.vector_load %arg5[%get3A_204] {strides = array<i32>} : memref<16016xf32, #tpu.memory_space<vmem>>, vector<16xf32>,
      %le3A_206 = arith.constant 128 : i32
      %le3A_207 = vector.broadcast %le3A_206 : i32 to vector<16xi32>
      %le3A_208 = arith.cmpi sle, %sub3A_82, %le3A_207 : vector<16xi32>
      %select_n3A_209 = arith.select %le3A_208, %bitcast3A_81, %gather3A_68 : vector<16xi1>, vector<16xf32>
      %lt3A_210 = arith.cmpf olt, %get3A_205, %select_n3A_209 : vector<16xf32>
      %sub3A_211 = arith.subf %get3A_205, %gather3A_68 : vector<16xf32>
      %exp3A_212 = math.exp %sub3A_211 : vector<16xf32>
      %jit3A_213 = arith.constant 0.000000e+00 : f32
      %broadcast_in_dim3A_214 = vector.broadcast %jit3A_213 : f32 to vector<16xf32>
      %select_n3A_215 = arith.select %lt3A_210, %exp3A_212, %broadcast_in_dim3A_214 : vector<16xi1>, vector<16xf32>
      %add3A_216 = arith.addf %add3A_201, %select_n3A_215 : vector<16xf32>
      %add3A_217 = arith.constant 144 : i32
      %add3A_218 = arith.addi %mul3A_65, %add3A_217 : i32
      %get3A_219 = arith.index_cast %add3A_218 : i32 to index
      %get3A_220 = tpu.vector_load %arg5[%get3A_219] {strides = array<i32>} : memref<16016xf32, #tpu.memory_space<vmem>>, vector<16xf32>,
      %le3A_221 = arith.constant 144 : i32
      %le3A_222 = vector.broadcast %le3A_221 : i32 to vector<16xi32>
      %le3A_223 = arith.cmpi sle, %sub3A_82, %le3A_222 : vector<16xi32>
      %select_n3A_224 = arith.select %le3A_223, %bitcast3A_81, %gather3A_68 : vector<16xi1>, vector<16xf32>
      %lt3A_225 = arith.cmpf olt, %get3A_220, %select_n3A_224 : vector<16xf32>
      %sub3A_226 = arith.subf %get3A_220, %gather3A_68 : vector<16xf32>
      %exp3A_227 = math.exp %sub3A_226 : vector<16xf32>
      %jit3A_228 = arith.constant 0.000000e+00 : f32
      %broadcast_in_dim3A_229 = vector.broadcast %jit3A_228 : f32 to vector<16xf32>
      %select_n3A_230 = arith.select %lt3A_225, %exp3A_227, %broadcast_in_dim3A_229 : vector<16xi1>, vector<16xf32>
      %add3A_231 = arith.addf %add3A_216, %select_n3A_230 : vector<16xf32>
      %add3A_232 = arith.constant 160 : i32
      %add3A_233 = arith.addi %mul3A_65, %add3A_232 : i32
      %get3A_234 = arith.index_cast %add3A_233 : i32 to index
      %get3A_235 = tpu.vector_load %arg5[%get3A_234] {strides = array<i32>} : memref<16016xf32, #tpu.memory_space<vmem>>, vector<16xf32>,
      %le3A_236 = arith.constant 160 : i32
      %le3A_237 = vector.broadcast %le3A_236 : i32 to vector<16xi32>
      %le3A_238 = arith.cmpi sle, %sub3A_82, %le3A_237 : vector<16xi32>
      %select_n3A_239 = arith.select %le3A_238, %bitcast3A_81, %gather3A_68 : vector<16xi1>, vector<16xf32>
      %lt3A_240 = arith.cmpf olt, %get3A_235, %select_n3A_239 : vector<16xf32>
      %sub3A_241 = arith.subf %get3A_235, %gather3A_68 : vector<16xf32>
      %exp3A_242 = math.exp %sub3A_241 : vector<16xf32>
      %jit3A_243 = arith.constant 0.000000e+00 : f32
      %broadcast_in_dim3A_244 = vector.broadcast %jit3A_243 : f32 to vector<16xf32>
      %select_n3A_245 = arith.select %lt3A_240, %exp3A_242, %broadcast_in_dim3A_244 : vector<16xi1>, vector<16xf32>
      %add3A_246 = arith.addf %add3A_231, %select_n3A_245 : vector<16xf32>
      %add3A_247 = arith.constant 176 : i32
      %add3A_248 = arith.addi %mul3A_65, %add3A_247 : i32
      %get3A_249 = arith.index_cast %add3A_248 : i32 to index
      %get3A_250 = tpu.vector_load %arg5[%get3A_249] {strides = array<i32>} : memref<16016xf32, #tpu.memory_space<vmem>>, vector<16xf32>,
      %le3A_251 = arith.constant 176 : i32
      %le3A_252 = vector.broadcast %le3A_251 : i32 to vector<16xi32>
      %le3A_253 = arith.cmpi sle, %sub3A_82, %le3A_252 : vector<16xi32>
      %select_n3A_254 = arith.select %le3A_253, %bitcast3A_81, %gather3A_68 : vector<16xi1>, vector<16xf32>
      %lt3A_255 = arith.cmpf olt, %get3A_250, %select_n3A_254 : vector<16xf32>
      %sub3A_256 = arith.subf %get3A_250, %gather3A_68 : vector<16xf32>
      %exp3A_257 = math.exp %sub3A_256 : vector<16xf32>
      %jit3A_258 = arith.constant 0.000000e+00 : f32
      %broadcast_in_dim3A_259 = vector.broadcast %jit3A_258 : f32 to vector<16xf32>
      %select_n3A_260 = arith.select %lt3A_255, %exp3A_257, %broadcast_in_dim3A_259 : vector<16xi1>, vector<16xf32>
      %add3A_261 = arith.addf %add3A_246, %select_n3A_260 : vector<16xf32>
      %add3A_262 = arith.constant 192 : i32
      %add3A_263 = arith.addi %mul3A_65, %add3A_262 : i32
      %get3A_264 = arith.index_cast %add3A_263 : i32 to index
      %get3A_265 = tpu.vector_load %arg5[%get3A_264] {strides = array<i32>} : memref<16016xf32, #tpu.memory_space<vmem>>, vector<16xf32>,
      %le3A_266 = arith.constant 192 : i32
      %le3A_267 = vector.broadcast %le3A_266 : i32 to vector<16xi32>
      %le3A_268 = arith.cmpi sle, %sub3A_82, %le3A_267 : vector<16xi32>
      %select_n3A_269 = arith.select %le3A_268, %bitcast3A_81, %gather3A_68 : vector<16xi1>, vector<16xf32>
      %lt3A_270 = arith.cmpf olt, %get3A_265, %select_n3A_269 : vector<16xf32>
      %sub3A_271 = arith.subf %get3A_265, %gather3A_68 : vector<16xf32>
      %exp3A_272 = math.exp %sub3A_271 : vector<16xf32>
      %jit3A_273 = arith.constant 0.000000e+00 : f32
      %broadcast_in_dim3A_274 = vector.broadcast %jit3A_273 : f32 to vector<16xf32>
      %select_n3A_275 = arith.select %lt3A_270, %exp3A_272, %broadcast_in_dim3A_274 : vector<16xi1>, vector<16xf32>
      %add3A_276 = arith.addf %add3A_261, %select_n3A_275 : vector<16xf32>
      %add3A_277 = arith.constant 208 : i32
      %add3A_278 = arith.addi %mul3A_65, %add3A_277 : i32
      %get3A_279 = arith.index_cast %add3A_278 : i32 to index
      %get3A_280 = tpu.vector_load %arg5[%get3A_279] {strides = array<i32>} : memref<16016xf32, #tpu.memory_space<vmem>>, vector<16xf32>,
      %le3A_281 = arith.constant 208 : i32
      %le3A_282 = vector.broadcast %le3A_281 : i32 to vector<16xi32>
      %le3A_283 = arith.cmpi sle, %sub3A_82, %le3A_282 : vector<16xi32>
      %select_n3A_284 = arith.select %le3A_283, %bitcast3A_81, %gather3A_68 : vector<16xi1>, vector<16xf32>
      %lt3A_285 = arith.cmpf olt, %get3A_280, %select_n3A_284 : vector<16xf32>
      %sub3A_286 = arith.subf %get3A_280, %gather3A_68 : vector<16xf32>
      %exp3A_287 = math.exp %sub3A_286 : vector<16xf32>
      %jit3A_288 = arith.constant 0.000000e+00 : f32
      %broadcast_in_dim3A_289 = vector.broadcast %jit3A_288 : f32 to vector<16xf32>
      %select_n3A_290 = arith.select %lt3A_285, %exp3A_287, %broadcast_in_dim3A_289 : vector<16xi1>, vector<16xf32>
      %add3A_291 = arith.addf %add3A_276, %select_n3A_290 : vector<16xf32>
      %add3A_292 = arith.constant 224 : i32
      %add3A_293 = arith.addi %mul3A_65, %add3A_292 : i32
      %get3A_294 = arith.index_cast %add3A_293 : i32 to index
      %get3A_295 = tpu.vector_load %arg5[%get3A_294] {strides = array<i32>} : memref<16016xf32, #tpu.memory_space<vmem>>, vector<16xf32>,
      %le3A_296 = arith.constant 224 : i32
      %le3A_297 = vector.broadcast %le3A_296 : i32 to vector<16xi32>
      %le3A_298 = arith.cmpi sle, %sub3A_82, %le3A_297 : vector<16xi32>
      %select_n3A_299 = arith.select %le3A_298, %bitcast3A_81, %gather3A_68 : vector<16xi1>, vector<16xf32>
      %lt3A_300 = arith.cmpf olt, %get3A_295, %select_n3A_299 : vector<16xf32>
      %sub3A_301 = arith.subf %get3A_295, %gather3A_68 : vector<16xf32>
      %exp3A_302 = math.exp %sub3A_301 : vector<16xf32>
      %jit3A_303 = arith.constant 0.000000e+00 : f32
      %broadcast_in_dim3A_304 = vector.broadcast %jit3A_303 : f32 to vector<16xf32>
      %select_n3A_305 = arith.select %lt3A_300, %exp3A_302, %broadcast_in_dim3A_304 : vector<16xi1>, vector<16xf32>
      %add3A_306 = arith.addf %add3A_291, %select_n3A_305 : vector<16xf32>
      %add3A_307 = arith.constant 240 : i32
      %add3A_308 = arith.addi %mul3A_65, %add3A_307 : i32
      %get3A_309 = arith.index_cast %add3A_308 : i32 to index
      %get3A_310 = tpu.vector_load %arg5[%get3A_309] {strides = array<i32>} : memref<16016xf32, #tpu.memory_space<vmem>>, vector<16xf32>,
      %le3A_311 = arith.constant 240 : i32
      %le3A_312 = vector.broadcast %le3A_311 : i32 to vector<16xi32>
      %le3A_313 = arith.cmpi sle, %sub3A_82, %le3A_312 : vector<16xi32>
      %select_n3A_314 = arith.select %le3A_313, %bitcast3A_81, %gather3A_68 : vector<16xi1>, vector<16xf32>
      %lt3A_315 = arith.cmpf olt, %get3A_310, %select_n3A_314 : vector<16xf32>
      %sub3A_316 = arith.subf %get3A_310, %gather3A_68 : vector<16xf32>
      %exp3A_317 = math.exp %sub3A_316 : vector<16xf32>
      %jit3A_318 = arith.constant 0.000000e+00 : f32
      %broadcast_in_dim3A_319 = vector.broadcast %jit3A_318 : f32 to vector<16xf32>
      %select_n3A_320 = arith.select %lt3A_315, %exp3A_317, %broadcast_in_dim3A_319 : vector<16xi1>, vector<16xf32>
      %add3A_321 = arith.addf %add3A_306, %select_n3A_320 : vector<16xf32>
      %add3A_322 = arith.constant 256 : i32
      %add3A_323 = arith.addi %mul3A_65, %add3A_322 : i32
      %get3A_324 = arith.index_cast %add3A_323 : i32 to index
      %get3A_325 = tpu.vector_load %arg5[%get3A_324] {strides = array<i32>} : memref<16016xf32, #tpu.memory_space<vmem>>, vector<16xf32>,
      %le3A_326 = arith.constant 256 : i32
      %le3A_327 = vector.broadcast %le3A_326 : i32 to vector<16xi32>
      %le3A_328 = arith.cmpi sle, %sub3A_82, %le3A_327 : vector<16xi32>
      %select_n3A_329 = arith.select %le3A_328, %bitcast3A_81, %gather3A_68 : vector<16xi1>, vector<16xf32>
      %lt3A_330 = arith.cmpf olt, %get3A_325, %select_n3A_329 : vector<16xf32>
      %sub3A_331 = arith.subf %get3A_325, %gather3A_68 : vector<16xf32>
      %exp3A_332 = math.exp %sub3A_331 : vector<16xf32>
      %jit3A_333 = arith.constant 0.000000e+00 : f32
      %broadcast_in_dim3A_334 = vector.broadcast %jit3A_333 : f32 to vector<16xf32>
      %select_n3A_335 = arith.select %lt3A_330, %exp3A_332, %broadcast_in_dim3A_334 : vector<16xi1>, vector<16xf32>
      %add3A_336 = arith.addf %add3A_321, %select_n3A_335 : vector<16xf32>
      %add3A_337 = arith.constant 272 : i32
      %add3A_338 = arith.addi %mul3A_65, %add3A_337 : i32
      %get3A_339 = arith.index_cast %add3A_338 : i32 to index
      %get3A_340 = tpu.vector_load %arg5[%get3A_339] {strides = array<i32>} : memref<16016xf32, #tpu.memory_space<vmem>>, vector<16xf32>,
      %le3A_341 = arith.constant 272 : i32
      %le3A_342 = vector.broadcast %le3A_341 : i32 to vector<16xi32>
      %le3A_343 = arith.cmpi sle, %sub3A_82, %le3A_342 : vector<16xi32>
      %select_n3A_344 = arith.select %le3A_343, %bitcast3A_81, %gather3A_68 : vector<16xi1>, vector<16xf32>
      %lt3A_345 = arith.cmpf olt, %get3A_340, %select_n3A_344 : vector<16xf32>
      %sub3A_346 = arith.subf %get3A_340, %gather3A_68 : vector<16xf32>
      %exp3A_347 = math.exp %sub3A_346 : vector<16xf32>
      %jit3A_348 = arith.constant 0.000000e+00 : f32
      %broadcast_in_dim3A_349 = vector.broadcast %jit3A_348 : f32 to vector<16xf32>
      %select_n3A_350 = arith.select %lt3A_345, %exp3A_347, %broadcast_in_dim3A_349 : vector<16xi1>, vector<16xf32>
      %add3A_351 = arith.addf %add3A_336, %select_n3A_350 : vector<16xf32>
      %add3A_352 = arith.constant 288 : i32
      %add3A_353 = arith.addi %mul3A_65, %add3A_352 : i32
      %get3A_354 = arith.index_cast %add3A_353 : i32 to index
      %get3A_355 = tpu.vector_load %arg5[%get3A_354] {strides = array<i32>} : memref<16016xf32, #tpu.memory_space<vmem>>, vector<16xf32>,
      %le3A_356 = arith.constant 288 : i32
      %le3A_357 = vector.broadcast %le3A_356 : i32 to vector<16xi32>
      %le3A_358 = arith.cmpi sle, %sub3A_82, %le3A_357 : vector<16xi32>
      %select_n3A_359 = arith.select %le3A_358, %bitcast3A_81, %gather3A_68 : vector<16xi1>, vector<16xf32>
      %lt3A_360 = arith.cmpf olt, %get3A_355, %select_n3A_359 : vector<16xf32>
      %sub3A_361 = arith.subf %get3A_355, %gather3A_68 : vector<16xf32>
      %exp3A_362 = math.exp %sub3A_361 : vector<16xf32>
      %jit3A_363 = arith.constant 0.000000e+00 : f32
      %broadcast_in_dim3A_364 = vector.broadcast %jit3A_363 : f32 to vector<16xf32>
      %select_n3A_365 = arith.select %lt3A_360, %exp3A_362, %broadcast_in_dim3A_364 : vector<16xi1>, vector<16xf32>
      %add3A_366 = arith.addf %add3A_351, %select_n3A_365 : vector<16xf32>
      %add3A_367 = arith.constant 304 : i32
      %add3A_368 = arith.addi %mul3A_65, %add3A_367 : i32
      %get3A_369 = arith.index_cast %add3A_368 : i32 to index
      %get3A_370 = tpu.vector_load %arg5[%get3A_369] {strides = array<i32>} : memref<16016xf32, #tpu.memory_space<vmem>>, vector<16xf32>,
      %le3A_371 = arith.constant 304 : i32
      %le3A_372 = vector.broadcast %le3A_371 : i32 to vector<16xi32>
      %le3A_373 = arith.cmpi sle, %sub3A_82, %le3A_372 : vector<16xi32>
      %select_n3A_374 = arith.select %le3A_373, %bitcast3A_81, %gather3A_68 : vector<16xi1>, vector<16xf32>
      %lt3A_375 = arith.cmpf olt, %get3A_370, %select_n3A_374 : vector<16xf32>
      %sub3A_376 = arith.subf %get3A_370, %gather3A_68 : vector<16xf32>
      %exp3A_377 = math.exp %sub3A_376 : vector<16xf32>
      %jit3A_378 = arith.constant 0.000000e+00 : f32
      %broadcast_in_dim3A_379 = vector.broadcast %jit3A_378 : f32 to vector<16xf32>
      %select_n3A_380 = arith.select %lt3A_375, %exp3A_377, %broadcast_in_dim3A_379 : vector<16xi1>, vector<16xf32>
      %add3A_381 = arith.addf %add3A_366, %select_n3A_380 : vector<16xf32>
      %add3A_382 = arith.constant 320 : i32
      %add3A_383 = arith.addi %mul3A_65, %add3A_382 : i32
      %get3A_384 = arith.index_cast %add3A_383 : i32 to index
      %get3A_385 = tpu.vector_load %arg5[%get3A_384] {strides = array<i32>} : memref<16016xf32, #tpu.memory_space<vmem>>, vector<16xf32>,
      %le3A_386 = arith.constant 320 : i32
      %le3A_387 = vector.broadcast %le3A_386 : i32 to vector<16xi32>
      %le3A_388 = arith.cmpi sle, %sub3A_82, %le3A_387 : vector<16xi32>
      %select_n3A_389 = arith.select %le3A_388, %bitcast3A_81, %gather3A_68 : vector<16xi1>, vector<16xf32>
      %lt3A_390 = arith.cmpf olt, %get3A_385, %select_n3A_389 : vector<16xf32>
      %sub3A_391 = arith.subf %get3A_385, %gather3A_68 : vector<16xf32>
      %exp3A_392 = math.exp %sub3A_391 : vector<16xf32>
      %jit3A_393 = arith.constant 0.000000e+00 : f32
      %broadcast_in_dim3A_394 = vector.broadcast %jit3A_393 : f32 to vector<16xf32>
      %select_n3A_395 = arith.select %lt3A_390, %exp3A_392, %broadcast_in_dim3A_394 : vector<16xi1>, vector<16xf32>
      %add3A_396 = arith.addf %add3A_381, %select_n3A_395 : vector<16xf32>
      %add3A_397 = arith.constant 336 : i32
      %add3A_398 = arith.addi %mul3A_65, %add3A_397 : i32
      %get3A_399 = arith.index_cast %add3A_398 : i32 to index
      %get3A_400 = tpu.vector_load %arg5[%get3A_399] {strides = array<i32>} : memref<16016xf32, #tpu.memory_space<vmem>>, vector<16xf32>,
      %le3A_401 = arith.constant 336 : i32
      %le3A_402 = vector.broadcast %le3A_401 : i32 to vector<16xi32>
      %le3A_403 = arith.cmpi sle, %sub3A_82, %le3A_402 : vector<16xi32>
      %select_n3A_404 = arith.select %le3A_403, %bitcast3A_81, %gather3A_68 : vector<16xi1>, vector<16xf32>
      %lt3A_405 = arith.cmpf olt, %get3A_400, %select_n3A_404 : vector<16xf32>
      %sub3A_406 = arith.subf %get3A_400, %gather3A_68 : vector<16xf32>
      %exp3A_407 = math.exp %sub3A_406 : vector<16xf32>
      %jit3A_408 = arith.constant 0.000000e+00 : f32
      %broadcast_in_dim3A_409 = vector.broadcast %jit3A_408 : f32 to vector<16xf32>
      %select_n3A_410 = arith.select %lt3A_405, %exp3A_407, %broadcast_in_dim3A_409 : vector<16xi1>, vector<16xf32>
      %add3A_411 = arith.addf %add3A_396, %select_n3A_410 : vector<16xf32>
      %add3A_412 = arith.constant 352 : i32
      %add3A_413 = arith.addi %mul3A_65, %add3A_412 : i32
      %get3A_414 = arith.index_cast %add3A_413 : i32 to index
      %get3A_415 = tpu.vector_load %arg5[%get3A_414] {strides = array<i32>} : memref<16016xf32, #tpu.memory_space<vmem>>, vector<16xf32>,
      %le3A_416 = arith.constant 352 : i32
      %le3A_417 = vector.broadcast %le3A_416 : i32 to vector<16xi32>
      %le3A_418 = arith.cmpi sle, %sub3A_82, %le3A_417 : vector<16xi32>
      %select_n3A_419 = arith.select %le3A_418, %bitcast3A_81, %gather3A_68 : vector<16xi1>, vector<16xf32>
      %lt3A_420 = arith.cmpf olt, %get3A_415, %select_n3A_419 : vector<16xf32>
      %sub3A_421 = arith.subf %get3A_415, %gather3A_68 : vector<16xf32>
      %exp3A_422 = math.exp %sub3A_421 : vector<16xf32>
      %jit3A_423 = arith.constant 0.000000e+00 : f32
      %broadcast_in_dim3A_424 = vector.broadcast %jit3A_423 : f32 to vector<16xf32>
      %select_n3A_425 = arith.select %lt3A_420, %exp3A_422, %broadcast_in_dim3A_424 : vector<16xi1>, vector<16xf32>
      %add3A_426 = arith.addf %add3A_411, %select_n3A_425 : vector<16xf32>
      %add3A_427 = arith.constant 368 : i32
      %add3A_428 = arith.addi %mul3A_65, %add3A_427 : i32
      %get3A_429 = arith.index_cast %add3A_428 : i32 to index
      %get3A_430 = tpu.vector_load %arg5[%get3A_429] {strides = array<i32>} : memref<16016xf32, #tpu.memory_space<vmem>>, vector<16xf32>,
      %le3A_431 = arith.constant 368 : i32
      %le3A_432 = vector.broadcast %le3A_431 : i32 to vector<16xi32>
      %le3A_433 = arith.cmpi sle, %sub3A_82, %le3A_432 : vector<16xi32>
      %select_n3A_434 = arith.select %le3A_433, %bitcast3A_81, %gather3A_68 : vector<16xi1>, vector<16xf32>
      %lt3A_435 = arith.cmpf olt, %get3A_430, %select_n3A_434 : vector<16xf32>
      %sub3A_436 = arith.subf %get3A_430, %gather3A_68 : vector<16xf32>
      %exp3A_437 = math.exp %sub3A_436 : vector<16xf32>
      %jit3A_438 = arith.constant 0.000000e+00 : f32
      %broadcast_in_dim3A_439 = vector.broadcast %jit3A_438 : f32 to vector<16xf32>
      %select_n3A_440 = arith.select %lt3A_435, %exp3A_437, %broadcast_in_dim3A_439 : vector<16xi1>, vector<16xf32>
      %add3A_441 = arith.addf %add3A_426, %select_n3A_440 : vector<16xf32>
      %add3A_442 = arith.constant 384 : i32
      %add3A_443 = arith.addi %mul3A_65, %add3A_442 : i32
      %get3A_444 = arith.index_cast %add3A_443 : i32 to index
      %get3A_445 = tpu.vector_load %arg5[%get3A_444] {strides = array<i32>} : memref<16016xf32, #tpu.memory_space<vmem>>, vector<16xf32>,
      %le3A_446 = arith.constant 384 : i32
      %le3A_447 = vector.broadcast %le3A_446 : i32 to vector<16xi32>
      %le3A_448 = arith.cmpi sle, %sub3A_82, %le3A_447 : vector<16xi32>
      %select_n3A_449 = arith.select %le3A_448, %bitcast3A_81, %gather3A_68 : vector<16xi1>, vector<16xf32>
      %lt3A_450 = arith.cmpf olt, %get3A_445, %select_n3A_449 : vector<16xf32>
      %sub3A_451 = arith.subf %get3A_445, %gather3A_68 : vector<16xf32>
      %exp3A_452 = math.exp %sub3A_451 : vector<16xf32>
      %jit3A_453 = arith.constant 0.000000e+00 : f32
      %broadcast_in_dim3A_454 = vector.broadcast %jit3A_453 : f32 to vector<16xf32>
      %select_n3A_455 = arith.select %lt3A_450, %exp3A_452, %broadcast_in_dim3A_454 : vector<16xi1>, vector<16xf32>
      %add3A_456 = arith.addf %add3A_441, %select_n3A_455 : vector<16xf32>
      %add3A_457 = arith.constant 400 : i32
      %add3A_458 = arith.addi %mul3A_65, %add3A_457 : i32
      %get3A_459 = arith.index_cast %add3A_458 : i32 to index
      %get3A_460 = tpu.vector_load %arg5[%get3A_459] {strides = array<i32>} : memref<16016xf32, #tpu.memory_space<vmem>>, vector<16xf32>,
      %le3A_461 = arith.constant 400 : i32
      %le3A_462 = vector.broadcast %le3A_461 : i32 to vector<16xi32>
      %le3A_463 = arith.cmpi sle, %sub3A_82, %le3A_462 : vector<16xi32>
      %select_n3A_464 = arith.select %le3A_463, %bitcast3A_81, %gather3A_68 : vector<16xi1>, vector<16xf32>
      %lt3A_465 = arith.cmpf olt, %get3A_460, %select_n3A_464 : vector<16xf32>
      %sub3A_466 = arith.subf %get3A_460, %gather3A_68 : vector<16xf32>
      %exp3A_467 = math.exp %sub3A_466 : vector<16xf32>
      %jit3A_468 = arith.constant 0.000000e+00 : f32
      %broadcast_in_dim3A_469 = vector.broadcast %jit3A_468 : f32 to vector<16xf32>
      %select_n3A_470 = arith.select %lt3A_465, %exp3A_467, %broadcast_in_dim3A_469 : vector<16xi1>, vector<16xf32>
      %add3A_471 = arith.addf %add3A_456, %select_n3A_470 : vector<16xf32>
      %add3A_472 = arith.constant 416 : i32
      %add3A_473 = arith.addi %mul3A_65, %add3A_472 : i32
      %get3A_474 = arith.index_cast %add3A_473 : i32 to index
      %get3A_475 = tpu.vector_load %arg5[%get3A_474] {strides = array<i32>} : memref<16016xf32, #tpu.memory_space<vmem>>, vector<16xf32>,
      %le3A_476 = arith.constant 416 : i32
      %le3A_477 = vector.broadcast %le3A_476 : i32 to vector<16xi32>
      %le3A_478 = arith.cmpi sle, %sub3A_82, %le3A_477 : vector<16xi32>
      %select_n3A_479 = arith.select %le3A_478, %bitcast3A_81, %gather3A_68 : vector<16xi1>, vector<16xf32>
      %lt3A_480 = arith.cmpf olt, %get3A_475, %select_n3A_479 : vector<16xf32>
      %sub3A_481 = arith.subf %get3A_475, %gather3A_68 : vector<16xf32>
      %exp3A_482 = math.exp %sub3A_481 : vector<16xf32>
      %jit3A_483 = arith.constant 0.000000e+00 : f32
      %broadcast_in_dim3A_484 = vector.broadcast %jit3A_483 : f32 to vector<16xf32>
      %select_n3A_485 = arith.select %lt3A_480, %exp3A_482, %broadcast_in_dim3A_484 : vector<16xi1>, vector<16xf32>
      %add3A_486 = arith.addf %add3A_471, %select_n3A_485 : vector<16xf32>
      %add3A_487 = arith.constant 432 : i32
      %add3A_488 = arith.addi %mul3A_65, %add3A_487 : i32
      %get3A_489 = arith.index_cast %add3A_488 : i32 to index
      %get3A_490 = tpu.vector_load %arg5[%get3A_489] {strides = array<i32>} : memref<16016xf32, #tpu.memory_space<vmem>>, vector<16xf32>,
      %le3A_491 = arith.constant 432 : i32
      %le3A_492 = vector.broadcast %le3A_491 : i32 to vector<16xi32>
      %le3A_493 = arith.cmpi sle, %sub3A_82, %le3A_492 : vector<16xi32>
      %select_n3A_494 = arith.select %le3A_493, %bitcast3A_81, %gather3A_68 : vector<16xi1>, vector<16xf32>
      %lt3A_495 = arith.cmpf olt, %get3A_490, %select_n3A_494 : vector<16xf32>
      %sub3A_496 = arith.subf %get3A_490, %gather3A_68 : vector<16xf32>
      %exp3A_497 = math.exp %sub3A_496 : vector<16xf32>
      %jit3A_498 = arith.constant 0.000000e+00 : f32
      %broadcast_in_dim3A_499 = vector.broadcast %jit3A_498 : f32 to vector<16xf32>
      %select_n3A_500 = arith.select %lt3A_495, %exp3A_497, %broadcast_in_dim3A_499 : vector<16xi1>, vector<16xf32>
      %add3A_501 = arith.addf %add3A_486, %select_n3A_500 : vector<16xf32>
      %add3A_502 = arith.constant 448 : i32
      %add3A_503 = arith.addi %mul3A_65, %add3A_502 : i32
      %get3A_504 = arith.index_cast %add3A_503 : i32 to index
      %get3A_505 = tpu.vector_load %arg5[%get3A_504] {strides = array<i32>} : memref<16016xf32, #tpu.memory_space<vmem>>, vector<16xf32>,
      %le3A_506 = arith.constant 448 : i32
      %le3A_507 = vector.broadcast %le3A_506 : i32 to vector<16xi32>
      %le3A_508 = arith.cmpi sle, %sub3A_82, %le3A_507 : vector<16xi32>
      %select_n3A_509 = arith.select %le3A_508, %bitcast3A_81, %gather3A_68 : vector<16xi1>, vector<16xf32>
      %lt3A_510 = arith.cmpf olt, %get3A_505, %select_n3A_509 : vector<16xf32>
      %sub3A_511 = arith.subf %get3A_505, %gather3A_68 : vector<16xf32>
      %exp3A_512 = math.exp %sub3A_511 : vector<16xf32>
      %jit3A_513 = arith.constant 0.000000e+00 : f32
      %broadcast_in_dim3A_514 = vector.broadcast %jit3A_513 : f32 to vector<16xf32>
      %select_n3A_515 = arith.select %lt3A_510, %exp3A_512, %broadcast_in_dim3A_514 : vector<16xi1>, vector<16xf32>
      %add3A_516 = arith.addf %add3A_501, %select_n3A_515 : vector<16xf32>
      %add3A_517 = arith.constant 464 : i32
      %add3A_518 = arith.addi %mul3A_65, %add3A_517 : i32
      %get3A_519 = arith.index_cast %add3A_518 : i32 to index
      %get3A_520 = tpu.vector_load %arg5[%get3A_519] {strides = array<i32>} : memref<16016xf32, #tpu.memory_space<vmem>>, vector<16xf32>,
      %le3A_521 = arith.constant 464 : i32
      %le3A_522 = vector.broadcast %le3A_521 : i32 to vector<16xi32>
      %le3A_523 = arith.cmpi sle, %sub3A_82, %le3A_522 : vector<16xi32>
      %select_n3A_524 = arith.select %le3A_523, %bitcast3A_81, %gather3A_68 : vector<16xi1>, vector<16xf32>
      %lt3A_525 = arith.cmpf olt, %get3A_520, %select_n3A_524 : vector<16xf32>
      %sub3A_526 = arith.subf %get3A_520, %gather3A_68 : vector<16xf32>
      %exp3A_527 = math.exp %sub3A_526 : vector<16xf32>
      %jit3A_528 = arith.constant 0.000000e+00 : f32
      %broadcast_in_dim3A_529 = vector.broadcast %jit3A_528 : f32 to vector<16xf32>
      %select_n3A_530 = arith.select %lt3A_525, %exp3A_527, %broadcast_in_dim3A_529 : vector<16xi1>, vector<16xf32>
      %add3A_531 = arith.addf %add3A_516, %select_n3A_530 : vector<16xf32>
      %add3A_532 = arith.constant 480 : i32
      %add3A_533 = arith.addi %mul3A_65, %add3A_532 : i32
      %get3A_534 = arith.index_cast %add3A_533 : i32 to index
      %get3A_535 = tpu.vector_load %arg5[%get3A_534] {strides = array<i32>} : memref<16016xf32, #tpu.memory_space<vmem>>, vector<16xf32>,
      %le3A_536 = arith.constant 480 : i32
      %le3A_537 = vector.broadcast %le3A_536 : i32 to vector<16xi32>
      %le3A_538 = arith.cmpi sle, %sub3A_82, %le3A_537 : vector<16xi32>
      %select_n3A_539 = arith.select %le3A_538, %bitcast3A_81, %gather3A_68 : vector<16xi1>, vector<16xf32>
      %lt3A_540 = arith.cmpf olt, %get3A_535, %select_n3A_539 : vector<16xf32>
      %sub3A_541 = arith.subf %get3A_535, %gather3A_68 : vector<16xf32>
      %exp3A_542 = math.exp %sub3A_541 : vector<16xf32>
      %jit3A_543 = arith.constant 0.000000e+00 : f32
      %broadcast_in_dim3A_544 = vector.broadcast %jit3A_543 : f32 to vector<16xf32>
      %select_n3A_545 = arith.select %lt3A_540, %exp3A_542, %broadcast_in_dim3A_544 : vector<16xi1>, vector<16xf32>
      %add3A_546 = arith.addf %add3A_531, %select_n3A_545 : vector<16xf32>
      %add3A_547 = arith.constant 496 : i32
      %add3A_548 = arith.addi %mul3A_65, %add3A_547 : i32
      %get3A_549 = arith.index_cast %add3A_548 : i32 to index
      %get3A_550 = tpu.vector_load %arg5[%get3A_549] {strides = array<i32>} : memref<16016xf32, #tpu.memory_space<vmem>>, vector<16xf32>,
      %le3A_551 = arith.constant 496 : i32
      %le3A_552 = vector.broadcast %le3A_551 : i32 to vector<16xi32>
      %le3A_553 = arith.cmpi sle, %sub3A_82, %le3A_552 : vector<16xi32>
      %select_n3A_554 = arith.select %le3A_553, %bitcast3A_81, %gather3A_68 : vector<16xi1>, vector<16xf32>
      %lt3A_555 = arith.cmpf olt, %get3A_550, %select_n3A_554 : vector<16xf32>
      %sub3A_556 = arith.subf %get3A_550, %gather3A_68 : vector<16xf32>
      %exp3A_557 = math.exp %sub3A_556 : vector<16xf32>
      %jit3A_558 = arith.constant 0.000000e+00 : f32
      %broadcast_in_dim3A_559 = vector.broadcast %jit3A_558 : f32 to vector<16xf32>
      %select_n3A_560 = arith.select %lt3A_555, %exp3A_557, %broadcast_in_dim3A_559 : vector<16xi1>, vector<16xf32>
      %add3A_561 = arith.addf %add3A_546, %select_n3A_560 : vector<16xf32>
      %add3A_562 = arith.constant 512 : i32
      %add3A_563 = arith.addi %mul3A_65, %add3A_562 : i32
      %get3A_564 = arith.index_cast %add3A_563 : i32 to index
      %get3A_565 = tpu.vector_load %arg5[%get3A_564] {strides = array<i32>} : memref<16016xf32, #tpu.memory_space<vmem>>, vector<16xf32>,
      %le3A_566 = arith.constant 512 : i32
      %le3A_567 = vector.broadcast %le3A_566 : i32 to vector<16xi32>
      %le3A_568 = arith.cmpi sle, %sub3A_82, %le3A_567 : vector<16xi32>
      %select_n3A_569 = arith.select %le3A_568, %bitcast3A_81, %gather3A_68 : vector<16xi1>, vector<16xf32>
      %lt3A_570 = arith.cmpf olt, %get3A_565, %select_n3A_569 : vector<16xf32>
      %sub3A_571 = arith.subf %get3A_565, %gather3A_68 : vector<16xf32>
      %exp3A_572 = math.exp %sub3A_571 : vector<16xf32>
      %jit3A_573 = arith.constant 0.000000e+00 : f32
      %broadcast_in_dim3A_574 = vector.broadcast %jit3A_573 : f32 to vector<16xf32>
      %select_n3A_575 = arith.select %lt3A_570, %exp3A_572, %broadcast_in_dim3A_574 : vector<16xi1>, vector<16xf32>
      %add3A_576 = arith.addf %add3A_561, %select_n3A_575 : vector<16xf32>
      %add3A_577 = arith.constant 528 : i32
      %add3A_578 = arith.addi %mul3A_65, %add3A_577 : i32
      %get3A_579 = arith.index_cast %add3A_578 : i32 to index
      %get3A_580 = tpu.vector_load %arg5[%get3A_579] {strides = array<i32>} : memref<16016xf32, #tpu.memory_space<vmem>>, vector<16xf32>,
      %le3A_581 = arith.constant 528 : i32
      %le3A_582 = vector.broadcast %le3A_581 : i32 to vector<16xi32>
      %le3A_583 = arith.cmpi sle, %sub3A_82, %le3A_582 : vector<16xi32>
      %select_n3A_584 = arith.select %le3A_583, %bitcast3A_81, %gather3A_68 : vector<16xi1>, vector<16xf32>
      %lt3A_585 = arith.cmpf olt, %get3A_580, %select_n3A_584 : vector<16xf32>
      %sub3A_586 = arith.subf %get3A_580, %gather3A_68 : vector<16xf32>
      %exp3A_587 = math.exp %sub3A_586 : vector<16xf32>
      %jit3A_588 = arith.constant 0.000000e+00 : f32
      %broadcast_in_dim3A_589 = vector.broadcast %jit3A_588 : f32 to vector<16xf32>
      %select_n3A_590 = arith.select %lt3A_585, %exp3A_587, %broadcast_in_dim3A_589 : vector<16xi1>, vector<16xf32>
      %add3A_591 = arith.addf %add3A_576, %select_n3A_590 : vector<16xf32>
      %add3A_592 = arith.constant 544 : i32
      %add3A_593 = arith.addi %mul3A_65, %add3A_592 : i32
      %get3A_594 = arith.index_cast %add3A_593 : i32 to index
      %get3A_595 = tpu.vector_load %arg5[%get3A_594] {strides = array<i32>} : memref<16016xf32, #tpu.memory_space<vmem>>, vector<16xf32>,
      %le3A_596 = arith.constant 544 : i32
      %le3A_597 = vector.broadcast %le3A_596 : i32 to vector<16xi32>
      %le3A_598 = arith.cmpi sle, %sub3A_82, %le3A_597 : vector<16xi32>
      %select_n3A_599 = arith.select %le3A_598, %bitcast3A_81, %gather3A_68 : vector<16xi1>, vector<16xf32>
      %lt3A_600 = arith.cmpf olt, %get3A_595, %select_n3A_599 : vector<16xf32>
      %sub3A_601 = arith.subf %get3A_595, %gather3A_68 : vector<16xf32>
      %exp3A_602 = math.exp %sub3A_601 : vector<16xf32>
      %jit3A_603 = arith.constant 0.000000e+00 : f32
      %broadcast_in_dim3A_604 = vector.broadcast %jit3A_603 : f32 to vector<16xf32>
      %select_n3A_605 = arith.select %lt3A_600, %exp3A_602, %broadcast_in_dim3A_604 : vector<16xi1>, vector<16xf32>
      %add3A_606 = arith.addf %add3A_591, %select_n3A_605 : vector<16xf32>
      %add3A_607 = arith.constant 560 : i32
      %add3A_608 = arith.addi %mul3A_65, %add3A_607 : i32
      %get3A_609 = arith.index_cast %add3A_608 : i32 to index
      %get3A_610 = tpu.vector_load %arg5[%get3A_609] {strides = array<i32>} : memref<16016xf32, #tpu.memory_space<vmem>>, vector<16xf32>,
      %le3A_611 = arith.constant 560 : i32
      %le3A_612 = vector.broadcast %le3A_611 : i32 to vector<16xi32>
      %le3A_613 = arith.cmpi sle, %sub3A_82, %le3A_612 : vector<16xi32>
      %select_n3A_614 = arith.select %le3A_613, %bitcast3A_81, %gather3A_68 : vector<16xi1>, vector<16xf32>
      %lt3A_615 = arith.cmpf olt, %get3A_610, %select_n3A_614 : vector<16xf32>
      %sub3A_616 = arith.subf %get3A_610, %gather3A_68 : vector<16xf32>
      %exp3A_617 = math.exp %sub3A_616 : vector<16xf32>
      %jit3A_618 = arith.constant 0.000000e+00 : f32
      %broadcast_in_dim3A_619 = vector.broadcast %jit3A_618 : f32 to vector<16xf32>
      %select_n3A_620 = arith.select %lt3A_615, %exp3A_617, %broadcast_in_dim3A_619 : vector<16xi1>, vector<16xf32>
      %add3A_621 = arith.addf %add3A_606, %select_n3A_620 : vector<16xf32>
      %add3A_622 = arith.constant 576 : i32
      %add3A_623 = arith.addi %mul3A_65, %add3A_622 : i32
      %get3A_624 = arith.index_cast %add3A_623 : i32 to index
      %get3A_625 = tpu.vector_load %arg5[%get3A_624] {strides = array<i32>} : memref<16016xf32, #tpu.memory_space<vmem>>, vector<16xf32>,
      %le3A_626 = arith.constant 576 : i32
      %le3A_627 = vector.broadcast %le3A_626 : i32 to vector<16xi32>
      %le3A_628 = arith.cmpi sle, %sub3A_82, %le3A_627 : vector<16xi32>
      %select_n3A_629 = arith.select %le3A_628, %bitcast3A_81, %gather3A_68 : vector<16xi1>, vector<16xf32>
      %lt3A_630 = arith.cmpf olt, %get3A_625, %select_n3A_629 : vector<16xf32>
      %sub3A_631 = arith.subf %get3A_625, %gather3A_68 : vector<16xf32>
      %exp3A_632 = math.exp %sub3A_631 : vector<16xf32>
      %jit3A_633 = arith.constant 0.000000e+00 : f32
      %broadcast_in_dim3A_634 = vector.broadcast %jit3A_633 : f32 to vector<16xf32>
      %select_n3A_635 = arith.select %lt3A_630, %exp3A_632, %broadcast_in_dim3A_634 : vector<16xi1>, vector<16xf32>
      %add3A_636 = arith.addf %add3A_621, %select_n3A_635 : vector<16xf32>
      %add3A_637 = arith.constant 592 : i32
      %add3A_638 = arith.addi %mul3A_65, %add3A_637 : i32
      %get3A_639 = arith.index_cast %add3A_638 : i32 to index
      %get3A_640 = tpu.vector_load %arg5[%get3A_639] {strides = array<i32>} : memref<16016xf32, #tpu.memory_space<vmem>>, vector<16xf32>,
      %le3A_641 = arith.constant 592 : i32
      %le3A_642 = vector.broadcast %le3A_641 : i32 to vector<16xi32>
      %le3A_643 = arith.cmpi sle, %sub3A_82, %le3A_642 : vector<16xi32>
      %select_n3A_644 = arith.select %le3A_643, %bitcast3A_81, %gather3A_68 : vector<16xi1>, vector<16xf32>
      %lt3A_645 = arith.cmpf olt, %get3A_640, %select_n3A_644 : vector<16xf32>
      %sub3A_646 = arith.subf %get3A_640, %gather3A_68 : vector<16xf32>
      %exp3A_647 = math.exp %sub3A_646 : vector<16xf32>
      %jit3A_648 = arith.constant 0.000000e+00 : f32
      %broadcast_in_dim3A_649 = vector.broadcast %jit3A_648 : f32 to vector<16xf32>
      %select_n3A_650 = arith.select %lt3A_645, %exp3A_647, %broadcast_in_dim3A_649 : vector<16xi1>, vector<16xf32>
      %add3A_651 = arith.addf %add3A_636, %select_n3A_650 : vector<16xf32>
      %add3A_652 = arith.constant 608 : i32
      %add3A_653 = arith.addi %mul3A_65, %add3A_652 : i32
      %get3A_654 = arith.index_cast %add3A_653 : i32 to index
      %get3A_655 = tpu.vector_load %arg5[%get3A_654] {strides = array<i32>} : memref<16016xf32, #tpu.memory_space<vmem>>, vector<16xf32>,
      %le3A_656 = arith.constant 608 : i32
      %le3A_657 = vector.broadcast %le3A_656 : i32 to vector<16xi32>
      %le3A_658 = arith.cmpi sle, %sub3A_82, %le3A_657 : vector<16xi32>
      %select_n3A_659 = arith.select %le3A_658, %bitcast3A_81, %gather3A_68 : vector<16xi1>, vector<16xf32>
      %lt3A_660 = arith.cmpf olt, %get3A_655, %select_n3A_659 : vector<16xf32>
      %sub3A_661 = arith.subf %get3A_655, %gather3A_68 : vector<16xf32>
      %exp3A_662 = math.exp %sub3A_661 : vector<16xf32>
      %jit3A_663 = arith.constant 0.000000e+00 : f32
      %broadcast_in_dim3A_664 = vector.broadcast %jit3A_663 : f32 to vector<16xf32>
      %select_n3A_665 = arith.select %lt3A_660, %exp3A_662, %broadcast_in_dim3A_664 : vector<16xi1>, vector<16xf32>
      %add3A_666 = arith.addf %add3A_651, %select_n3A_665 : vector<16xf32>
      %add3A_667 = arith.constant 624 : i32
      %add3A_668 = arith.addi %mul3A_65, %add3A_667 : i32
      %get3A_669 = arith.index_cast %add3A_668 : i32 to index
      %get3A_670 = tpu.vector_load %arg5[%get3A_669] {strides = array<i32>} : memref<16016xf32, #tpu.memory_space<vmem>>, vector<16xf32>,
      %le3A_671 = arith.constant 624 : i32
      %le3A_672 = vector.broadcast %le3A_671 : i32 to vector<16xi32>
      %le3A_673 = arith.cmpi sle, %sub3A_82, %le3A_672 : vector<16xi32>
      %select_n3A_674 = arith.select %le3A_673, %bitcast3A_81, %gather3A_68 : vector<16xi1>, vector<16xf32>
      %lt3A_675 = arith.cmpf olt, %get3A_670, %select_n3A_674 : vector<16xf32>
      %sub3A_676 = arith.subf %get3A_670, %gather3A_68 : vector<16xf32>
      %exp3A_677 = math.exp %sub3A_676 : vector<16xf32>
      %jit3A_678 = arith.constant 0.000000e+00 : f32
      %broadcast_in_dim3A_679 = vector.broadcast %jit3A_678 : f32 to vector<16xf32>
      %select_n3A_680 = arith.select %lt3A_675, %exp3A_677, %broadcast_in_dim3A_679 : vector<16xi1>, vector<16xf32>
      %add3A_681 = arith.addf %add3A_666, %select_n3A_680 : vector<16xf32>
      %add3A_682 = arith.constant 640 : i32
      %add3A_683 = arith.addi %mul3A_65, %add3A_682 : i32
      %get3A_684 = arith.index_cast %add3A_683 : i32 to index
      %get3A_685 = tpu.vector_load %arg5[%get3A_684] {strides = array<i32>} : memref<16016xf32, #tpu.memory_space<vmem>>, vector<16xf32>,
      %le3A_686 = arith.constant 640 : i32
      %le3A_687 = vector.broadcast %le3A_686 : i32 to vector<16xi32>
      %le3A_688 = arith.cmpi sle, %sub3A_82, %le3A_687 : vector<16xi32>
      %select_n3A_689 = arith.select %le3A_688, %bitcast3A_81, %gather3A_68 : vector<16xi1>, vector<16xf32>
      %lt3A_690 = arith.cmpf olt, %get3A_685, %select_n3A_689 : vector<16xf32>
      %sub3A_691 = arith.subf %get3A_685, %gather3A_68 : vector<16xf32>
      %exp3A_692 = math.exp %sub3A_691 : vector<16xf32>
      %jit3A_693 = arith.constant 0.000000e+00 : f32
      %broadcast_in_dim3A_694 = vector.broadcast %jit3A_693 : f32 to vector<16xf32>
      %select_n3A_695 = arith.select %lt3A_690, %exp3A_692, %broadcast_in_dim3A_694 : vector<16xi1>, vector<16xf32>
      %add3A_696 = arith.addf %add3A_681, %select_n3A_695 : vector<16xf32>
      %add3A_697 = arith.constant 656 : i32
      %add3A_698 = arith.addi %mul3A_65, %add3A_697 : i32
      %get3A_699 = arith.index_cast %add3A_698 : i32 to index
      %get3A_700 = tpu.vector_load %arg5[%get3A_699] {strides = array<i32>} : memref<16016xf32, #tpu.memory_space<vmem>>, vector<16xf32>,
      %le3A_701 = arith.constant 656 : i32
      %le3A_702 = vector.broadcast %le3A_701 : i32 to vector<16xi32>
      %le3A_703 = arith.cmpi sle, %sub3A_82, %le3A_702 : vector<16xi32>
      %select_n3A_704 = arith.select %le3A_703, %bitcast3A_81, %gather3A_68 : vector<16xi1>, vector<16xf32>
      %lt3A_705 = arith.cmpf olt, %get3A_700, %select_n3A_704 : vector<16xf32>
      %sub3A_706 = arith.subf %get3A_700, %gather3A_68 : vector<16xf32>
      %exp3A_707 = math.exp %sub3A_706 : vector<16xf32>
      %jit3A_708 = arith.constant 0.000000e+00 : f32
      %broadcast_in_dim3A_709 = vector.broadcast %jit3A_708 : f32 to vector<16xf32>
      %select_n3A_710 = arith.select %lt3A_705, %exp3A_707, %broadcast_in_dim3A_709 : vector<16xi1>, vector<16xf32>
      %add3A_711 = arith.addf %add3A_696, %select_n3A_710 : vector<16xf32>
      %add3A_712 = arith.constant 672 : i32
      %add3A_713 = arith.addi %mul3A_65, %add3A_712 : i32
      %get3A_714 = arith.index_cast %add3A_713 : i32 to index
      %get3A_715 = tpu.vector_load %arg5[%get3A_714] {strides = array<i32>} : memref<16016xf32, #tpu.memory_space<vmem>>, vector<16xf32>,
      %le3A_716 = arith.constant 672 : i32
      %le3A_717 = vector.broadcast %le3A_716 : i32 to vector<16xi32>
      %le3A_718 = arith.cmpi sle, %sub3A_82, %le3A_717 : vector<16xi32>
      %select_n3A_719 = arith.select %le3A_718, %bitcast3A_81, %gather3A_68 : vector<16xi1>, vector<16xf32>
      %lt3A_720 = arith.cmpf olt, %get3A_715, %select_n3A_719 : vector<16xf32>
      %sub3A_721 = arith.subf %get3A_715, %gather3A_68 : vector<16xf32>
      %exp3A_722 = math.exp %sub3A_721 : vector<16xf32>
      %jit3A_723 = arith.constant 0.000000e+00 : f32
      %broadcast_in_dim3A_724 = vector.broadcast %jit3A_723 : f32 to vector<16xf32>
      %select_n3A_725 = arith.select %lt3A_720, %exp3A_722, %broadcast_in_dim3A_724 : vector<16xi1>, vector<16xf32>
      %add3A_726 = arith.addf %add3A_711, %select_n3A_725 : vector<16xf32>
      %add3A_727 = arith.constant 688 : i32
      %add3A_728 = arith.addi %mul3A_65, %add3A_727 : i32
      %get3A_729 = arith.index_cast %add3A_728 : i32 to index
      %get3A_730 = tpu.vector_load %arg5[%get3A_729] {strides = array<i32>} : memref<16016xf32, #tpu.memory_space<vmem>>, vector<16xf32>,
      %le3A_731 = arith.constant 688 : i32
      %le3A_732 = vector.broadcast %le3A_731 : i32 to vector<16xi32>
      %le3A_733 = arith.cmpi sle, %sub3A_82, %le3A_732 : vector<16xi32>
      %select_n3A_734 = arith.select %le3A_733, %bitcast3A_81, %gather3A_68 : vector<16xi1>, vector<16xf32>
      %lt3A_735 = arith.cmpf olt, %get3A_730, %select_n3A_734 : vector<16xf32>
      %sub3A_736 = arith.subf %get3A_730, %gather3A_68 : vector<16xf32>
      %exp3A_737 = math.exp %sub3A_736 : vector<16xf32>
      %jit3A_738 = arith.constant 0.000000e+00 : f32
      %broadcast_in_dim3A_739 = vector.broadcast %jit3A_738 : f32 to vector<16xf32>
      %select_n3A_740 = arith.select %lt3A_735, %exp3A_737, %broadcast_in_dim3A_739 : vector<16xi1>, vector<16xf32>
      %add3A_741 = arith.addf %add3A_726, %select_n3A_740 : vector<16xf32>
      %add3A_742 = arith.constant 704 : i32
      %add3A_743 = arith.addi %mul3A_65, %add3A_742 : i32
      %get3A_744 = arith.index_cast %add3A_743 : i32 to index
      %get3A_745 = tpu.vector_load %arg5[%get3A_744] {strides = array<i32>} : memref<16016xf32, #tpu.memory_space<vmem>>, vector<16xf32>,
      %le3A_746 = arith.constant 704 : i32
      %le3A_747 = vector.broadcast %le3A_746 : i32 to vector<16xi32>
      %le3A_748 = arith.cmpi sle, %sub3A_82, %le3A_747 : vector<16xi32>
      %select_n3A_749 = arith.select %le3A_748, %bitcast3A_81, %gather3A_68 : vector<16xi1>, vector<16xf32>
      %lt3A_750 = arith.cmpf olt, %get3A_745, %select_n3A_749 : vector<16xf32>
      %sub3A_751 = arith.subf %get3A_745, %gather3A_68 : vector<16xf32>
      %exp3A_752 = math.exp %sub3A_751 : vector<16xf32>
      %jit3A_753 = arith.constant 0.000000e+00 : f32
      %broadcast_in_dim3A_754 = vector.broadcast %jit3A_753 : f32 to vector<16xf32>
      %select_n3A_755 = arith.select %lt3A_750, %exp3A_752, %broadcast_in_dim3A_754 : vector<16xi1>, vector<16xf32>
      %add3A_756 = arith.addf %add3A_741, %select_n3A_755 : vector<16xf32>
      %add3A_757 = arith.constant 720 : i32
      %add3A_758 = arith.addi %mul3A_65, %add3A_757 : i32
      %get3A_759 = arith.index_cast %add3A_758 : i32 to index
      %get3A_760 = tpu.vector_load %arg5[%get3A_759] {strides = array<i32>} : memref<16016xf32, #tpu.memory_space<vmem>>, vector<16xf32>,
      %le3A_761 = arith.constant 720 : i32
      %le3A_762 = vector.broadcast %le3A_761 : i32 to vector<16xi32>
      %le3A_763 = arith.cmpi sle, %sub3A_82, %le3A_762 : vector<16xi32>
      %select_n3A_764 = arith.select %le3A_763, %bitcast3A_81, %gather3A_68 : vector<16xi1>, vector<16xf32>
      %lt3A_765 = arith.cmpf olt, %get3A_760, %select_n3A_764 : vector<16xf32>
      %sub3A_766 = arith.subf %get3A_760, %gather3A_68 : vector<16xf32>
      %exp3A_767 = math.exp %sub3A_766 : vector<16xf32>
      %jit3A_768 = arith.constant 0.000000e+00 : f32
      %broadcast_in_dim3A_769 = vector.broadcast %jit3A_768 : f32 to vector<16xf32>
      %select_n3A_770 = arith.select %lt3A_765, %exp3A_767, %broadcast_in_dim3A_769 : vector<16xi1>, vector<16xf32>
      %add3A_771 = arith.addf %add3A_756, %select_n3A_770 : vector<16xf32>
      %add3A_772 = arith.constant 736 : i32
      %add3A_773 = arith.addi %mul3A_65, %add3A_772 : i32
      %get3A_774 = arith.index_cast %add3A_773 : i32 to index
      %get3A_775 = tpu.vector_load %arg5[%get3A_774] {strides = array<i32>} : memref<16016xf32, #tpu.memory_space<vmem>>, vector<16xf32>,
      %le3A_776 = arith.constant 736 : i32
      %le3A_777 = vector.broadcast %le3A_776 : i32 to vector<16xi32>
      %le3A_778 = arith.cmpi sle, %sub3A_82, %le3A_777 : vector<16xi32>
      %select_n3A_779 = arith.select %le3A_778, %bitcast3A_81, %gather3A_68 : vector<16xi1>, vector<16xf32>
      %lt3A_780 = arith.cmpf olt, %get3A_775, %select_n3A_779 : vector<16xf32>
      %sub3A_781 = arith.subf %get3A_775, %gather3A_68 : vector<16xf32>
      %exp3A_782 = math.exp %sub3A_781 : vector<16xf32>
      %jit3A_783 = arith.constant 0.000000e+00 : f32
      %broadcast_in_dim3A_784 = vector.broadcast %jit3A_783 : f32 to vector<16xf32>
      %select_n3A_785 = arith.select %lt3A_780, %exp3A_782, %broadcast_in_dim3A_784 : vector<16xi1>, vector<16xf32>
      %add3A_786 = arith.addf %add3A_771, %select_n3A_785 : vector<16xf32>
      %add3A_787 = arith.constant 752 : i32
      %add3A_788 = arith.addi %mul3A_65, %add3A_787 : i32
      %get3A_789 = arith.index_cast %add3A_788 : i32 to index
      %get3A_790 = tpu.vector_load %arg5[%get3A_789] {strides = array<i32>} : memref<16016xf32, #tpu.memory_space<vmem>>, vector<16xf32>,
      %le3A_791 = arith.constant 752 : i32
      %le3A_792 = vector.broadcast %le3A_791 : i32 to vector<16xi32>
      %le3A_793 = arith.cmpi sle, %sub3A_82, %le3A_792 : vector<16xi32>
      %select_n3A_794 = arith.select %le3A_793, %bitcast3A_81, %gather3A_68 : vector<16xi1>, vector<16xf32>
      %lt3A_795 = arith.cmpf olt, %get3A_790, %select_n3A_794 : vector<16xf32>
      %sub3A_796 = arith.subf %get3A_790, %gather3A_68 : vector<16xf32>
      %exp3A_797 = math.exp %sub3A_796 : vector<16xf32>
      %jit3A_798 = arith.constant 0.000000e+00 : f32
      %broadcast_in_dim3A_799 = vector.broadcast %jit3A_798 : f32 to vector<16xf32>
      %select_n3A_800 = arith.select %lt3A_795, %exp3A_797, %broadcast_in_dim3A_799 : vector<16xi1>, vector<16xf32>
      %add3A_801 = arith.addf %add3A_786, %select_n3A_800 : vector<16xf32>
      %add3A_802 = arith.constant 768 : i32
      %add3A_803 = arith.addi %mul3A_65, %add3A_802 : i32
      %get3A_804 = arith.index_cast %add3A_803 : i32 to index
      %get3A_805 = tpu.vector_load %arg5[%get3A_804] {strides = array<i32>} : memref<16016xf32, #tpu.memory_space<vmem>>, vector<16xf32>,
      %le3A_806 = arith.constant 768 : i32
      %le3A_807 = vector.broadcast %le3A_806 : i32 to vector<16xi32>
      %le3A_808 = arith.cmpi sle, %sub3A_82, %le3A_807 : vector<16xi32>
      %select_n3A_809 = arith.select %le3A_808, %bitcast3A_81, %gather3A_68 : vector<16xi1>, vector<16xf32>
      %lt3A_810 = arith.cmpf olt, %get3A_805, %select_n3A_809 : vector<16xf32>
      %sub3A_811 = arith.subf %get3A_805, %gather3A_68 : vector<16xf32>
      %exp3A_812 = math.exp %sub3A_811 : vector<16xf32>
      %jit3A_813 = arith.constant 0.000000e+00 : f32
      %broadcast_in_dim3A_814 = vector.broadcast %jit3A_813 : f32 to vector<16xf32>
      %select_n3A_815 = arith.select %lt3A_810, %exp3A_812, %broadcast_in_dim3A_814 : vector<16xi1>, vector<16xf32>
      %add3A_816 = arith.addf %add3A_801, %select_n3A_815 : vector<16xf32>
      %add3A_817 = arith.constant 784 : i32
      %add3A_818 = arith.addi %mul3A_65, %add3A_817 : i32
      %get3A_819 = arith.index_cast %add3A_818 : i32 to index
      %get3A_820 = tpu.vector_load %arg5[%get3A_819] {strides = array<i32>} : memref<16016xf32, #tpu.memory_space<vmem>>, vector<16xf32>,
      %le3A_821 = arith.constant 784 : i32
      %le3A_822 = vector.broadcast %le3A_821 : i32 to vector<16xi32>
      %le3A_823 = arith.cmpi sle, %sub3A_82, %le3A_822 : vector<16xi32>
      %select_n3A_824 = arith.select %le3A_823, %bitcast3A_81, %gather3A_68 : vector<16xi1>, vector<16xf32>
      %lt3A_825 = arith.cmpf olt, %get3A_820, %select_n3A_824 : vector<16xf32>
      %sub3A_826 = arith.subf %get3A_820, %gather3A_68 : vector<16xf32>
      %exp3A_827 = math.exp %sub3A_826 : vector<16xf32>
      %jit3A_828 = arith.constant 0.000000e+00 : f32
      %broadcast_in_dim3A_829 = vector.broadcast %jit3A_828 : f32 to vector<16xf32>
      %select_n3A_830 = arith.select %lt3A_825, %exp3A_827, %broadcast_in_dim3A_829 : vector<16xi1>, vector<16xf32>
      %add3A_831 = arith.addf %add3A_816, %select_n3A_830 : vector<16xf32>
      %add3A_832 = arith.constant 800 : i32
      %add3A_833 = arith.addi %mul3A_65, %add3A_832 : i32
      %get3A_834 = arith.index_cast %add3A_833 : i32 to index
      %get3A_835 = tpu.vector_load %arg5[%get3A_834] {strides = array<i32>} : memref<16016xf32, #tpu.memory_space<vmem>>, vector<16xf32>,
      %le3A_836 = arith.constant 800 : i32
      %le3A_837 = vector.broadcast %le3A_836 : i32 to vector<16xi32>
      %le3A_838 = arith.cmpi sle, %sub3A_82, %le3A_837 : vector<16xi32>
      %select_n3A_839 = arith.select %le3A_838, %bitcast3A_81, %gather3A_68 : vector<16xi1>, vector<16xf32>
      %lt3A_840 = arith.cmpf olt, %get3A_835, %select_n3A_839 : vector<16xf32>
      %sub3A_841 = arith.subf %get3A_835, %gather3A_68 : vector<16xf32>
      %exp3A_842 = math.exp %sub3A_841 : vector<16xf32>
      %jit3A_843 = arith.constant 0.000000e+00 : f32
      %broadcast_in_dim3A_844 = vector.broadcast %jit3A_843 : f32 to vector<16xf32>
      %select_n3A_845 = arith.select %lt3A_840, %exp3A_842, %broadcast_in_dim3A_844 : vector<16xi1>, vector<16xf32>
      %add3A_846 = arith.addf %add3A_831, %select_n3A_845 : vector<16xf32>
      %add3A_847 = arith.constant 816 : i32
      %add3A_848 = arith.addi %mul3A_65, %add3A_847 : i32
      %get3A_849 = arith.index_cast %add3A_848 : i32 to index
      %get3A_850 = tpu.vector_load %arg5[%get3A_849] {strides = array<i32>} : memref<16016xf32, #tpu.memory_space<vmem>>, vector<16xf32>,
      %le3A_851 = arith.constant 816 : i32
      %le3A_852 = vector.broadcast %le3A_851 : i32 to vector<16xi32>
      %le3A_853 = arith.cmpi sle, %sub3A_82, %le3A_852 : vector<16xi32>
      %select_n3A_854 = arith.select %le3A_853, %bitcast3A_81, %gather3A_68 : vector<16xi1>, vector<16xf32>
      %lt3A_855 = arith.cmpf olt, %get3A_850, %select_n3A_854 : vector<16xf32>
      %sub3A_856 = arith.subf %get3A_850, %gather3A_68 : vector<16xf32>
      %exp3A_857 = math.exp %sub3A_856 : vector<16xf32>
      %jit3A_858 = arith.constant 0.000000e+00 : f32
      %broadcast_in_dim3A_859 = vector.broadcast %jit3A_858 : f32 to vector<16xf32>
      %select_n3A_860 = arith.select %lt3A_855, %exp3A_857, %broadcast_in_dim3A_859 : vector<16xi1>, vector<16xf32>
      %add3A_861 = arith.addf %add3A_846, %select_n3A_860 : vector<16xf32>
      %add3A_862 = arith.constant 832 : i32
      %add3A_863 = arith.addi %mul3A_65, %add3A_862 : i32
      %get3A_864 = arith.index_cast %add3A_863 : i32 to index
      %get3A_865 = tpu.vector_load %arg5[%get3A_864] {strides = array<i32>} : memref<16016xf32, #tpu.memory_space<vmem>>, vector<16xf32>,
      %le3A_866 = arith.constant 832 : i32
      %le3A_867 = vector.broadcast %le3A_866 : i32 to vector<16xi32>
      %le3A_868 = arith.cmpi sle, %sub3A_82, %le3A_867 : vector<16xi32>
      %select_n3A_869 = arith.select %le3A_868, %bitcast3A_81, %gather3A_68 : vector<16xi1>, vector<16xf32>
      %lt3A_870 = arith.cmpf olt, %get3A_865, %select_n3A_869 : vector<16xf32>
      %sub3A_871 = arith.subf %get3A_865, %gather3A_68 : vector<16xf32>
      %exp3A_872 = math.exp %sub3A_871 : vector<16xf32>
      %jit3A_873 = arith.constant 0.000000e+00 : f32
      %broadcast_in_dim3A_874 = vector.broadcast %jit3A_873 : f32 to vector<16xf32>
      %select_n3A_875 = arith.select %lt3A_870, %exp3A_872, %broadcast_in_dim3A_874 : vector<16xi1>, vector<16xf32>
      %add3A_876 = arith.addf %add3A_861, %select_n3A_875 : vector<16xf32>
      %add3A_877 = arith.constant 848 : i32
      %add3A_878 = arith.addi %mul3A_65, %add3A_877 : i32
      %get3A_879 = arith.index_cast %add3A_878 : i32 to index
      %get3A_880 = tpu.vector_load %arg5[%get3A_879] {strides = array<i32>} : memref<16016xf32, #tpu.memory_space<vmem>>, vector<16xf32>,
      %le3A_881 = arith.constant 848 : i32
      %le3A_882 = vector.broadcast %le3A_881 : i32 to vector<16xi32>
      %le3A_883 = arith.cmpi sle, %sub3A_82, %le3A_882 : vector<16xi32>
      %select_n3A_884 = arith.select %le3A_883, %bitcast3A_81, %gather3A_68 : vector<16xi1>, vector<16xf32>
      %lt3A_885 = arith.cmpf olt, %get3A_880, %select_n3A_884 : vector<16xf32>
      %sub3A_886 = arith.subf %get3A_880, %gather3A_68 : vector<16xf32>
      %exp3A_887 = math.exp %sub3A_886 : vector<16xf32>
      %jit3A_888 = arith.constant 0.000000e+00 : f32
      %broadcast_in_dim3A_889 = vector.broadcast %jit3A_888 : f32 to vector<16xf32>
      %select_n3A_890 = arith.select %lt3A_885, %exp3A_887, %broadcast_in_dim3A_889 : vector<16xi1>, vector<16xf32>
      %add3A_891 = arith.addf %add3A_876, %select_n3A_890 : vector<16xf32>
      %add3A_892 = arith.constant 864 : i32
      %add3A_893 = arith.addi %mul3A_65, %add3A_892 : i32
      %get3A_894 = arith.index_cast %add3A_893 : i32 to index
      %get3A_895 = tpu.vector_load %arg5[%get3A_894] {strides = array<i32>} : memref<16016xf32, #tpu.memory_space<vmem>>, vector<16xf32>,
      %le3A_896 = arith.constant 864 : i32
      %le3A_897 = vector.broadcast %le3A_896 : i32 to vector<16xi32>
      %le3A_898 = arith.cmpi sle, %sub3A_82, %le3A_897 : vector<16xi32>
      %select_n3A_899 = arith.select %le3A_898, %bitcast3A_81, %gather3A_68 : vector<16xi1>, vector<16xf32>
      %lt3A_900 = arith.cmpf olt, %get3A_895, %select_n3A_899 : vector<16xf32>
      %sub3A_901 = arith.subf %get3A_895, %gather3A_68 : vector<16xf32>
      %exp3A_902 = math.exp %sub3A_901 : vector<16xf32>
      %jit3A_903 = arith.constant 0.000000e+00 : f32
      %broadcast_in_dim3A_904 = vector.broadcast %jit3A_903 : f32 to vector<16xf32>
      %select_n3A_905 = arith.select %lt3A_900, %exp3A_902, %broadcast_in_dim3A_904 : vector<16xi1>, vector<16xf32>
      %add3A_906 = arith.addf %add3A_891, %select_n3A_905 : vector<16xf32>
      %add3A_907 = arith.constant 880 : i32
      %add3A_908 = arith.addi %mul3A_65, %add3A_907 : i32
      %get3A_909 = arith.index_cast %add3A_908 : i32 to index
      %get3A_910 = tpu.vector_load %arg5[%get3A_909] {strides = array<i32>} : memref<16016xf32, #tpu.memory_space<vmem>>, vector<16xf32>,
      %le3A_911 = arith.constant 880 : i32
      %le3A_912 = vector.broadcast %le3A_911 : i32 to vector<16xi32>
      %le3A_913 = arith.cmpi sle, %sub3A_82, %le3A_912 : vector<16xi32>
      %select_n3A_914 = arith.select %le3A_913, %bitcast3A_81, %gather3A_68 : vector<16xi1>, vector<16xf32>
      %lt3A_915 = arith.cmpf olt, %get3A_910, %select_n3A_914 : vector<16xf32>
      %sub3A_916 = arith.subf %get3A_910, %gather3A_68 : vector<16xf32>
      %exp3A_917 = math.exp %sub3A_916 : vector<16xf32>
      %jit3A_918 = arith.constant 0.000000e+00 : f32
      %broadcast_in_dim3A_919 = vector.broadcast %jit3A_918 : f32 to vector<16xf32>
      %select_n3A_920 = arith.select %lt3A_915, %exp3A_917, %broadcast_in_dim3A_919 : vector<16xi1>, vector<16xf32>
      %add3A_921 = arith.addf %add3A_906, %select_n3A_920 : vector<16xf32>
      %add3A_922 = arith.constant 896 : i32
      %add3A_923 = arith.addi %mul3A_65, %add3A_922 : i32
      %get3A_924 = arith.index_cast %add3A_923 : i32 to index
      %get3A_925 = tpu.vector_load %arg5[%get3A_924] {strides = array<i32>} : memref<16016xf32, #tpu.memory_space<vmem>>, vector<16xf32>,
      %le3A_926 = arith.constant 896 : i32
      %le3A_927 = vector.broadcast %le3A_926 : i32 to vector<16xi32>
      %le3A_928 = arith.cmpi sle, %sub3A_82, %le3A_927 : vector<16xi32>
      %select_n3A_929 = arith.select %le3A_928, %bitcast3A_81, %gather3A_68 : vector<16xi1>, vector<16xf32>
      %lt3A_930 = arith.cmpf olt, %get3A_925, %select_n3A_929 : vector<16xf32>
      %sub3A_931 = arith.subf %get3A_925, %gather3A_68 : vector<16xf32>
      %exp3A_932 = math.exp %sub3A_931 : vector<16xf32>
      %jit3A_933 = arith.constant 0.000000e+00 : f32
      %broadcast_in_dim3A_934 = vector.broadcast %jit3A_933 : f32 to vector<16xf32>
      %select_n3A_935 = arith.select %lt3A_930, %exp3A_932, %broadcast_in_dim3A_934 : vector<16xi1>, vector<16xf32>
      %add3A_936 = arith.addf %add3A_921, %select_n3A_935 : vector<16xf32>
      %add3A_937 = arith.constant 912 : i32
      %add3A_938 = arith.addi %mul3A_65, %add3A_937 : i32
      %get3A_939 = arith.index_cast %add3A_938 : i32 to index
      %get3A_940 = tpu.vector_load %arg5[%get3A_939] {strides = array<i32>} : memref<16016xf32, #tpu.memory_space<vmem>>, vector<16xf32>,
      %le3A_941 = arith.constant 912 : i32
      %le3A_942 = vector.broadcast %le3A_941 : i32 to vector<16xi32>
      %le3A_943 = arith.cmpi sle, %sub3A_82, %le3A_942 : vector<16xi32>
      %select_n3A_944 = arith.select %le3A_943, %bitcast3A_81, %gather3A_68 : vector<16xi1>, vector<16xf32>
      %lt3A_945 = arith.cmpf olt, %get3A_940, %select_n3A_944 : vector<16xf32>
      %sub3A_946 = arith.subf %get3A_940, %gather3A_68 : vector<16xf32>
      %exp3A_947 = math.exp %sub3A_946 : vector<16xf32>
      %jit3A_948 = arith.constant 0.000000e+00 : f32
      %broadcast_in_dim3A_949 = vector.broadcast %jit3A_948 : f32 to vector<16xf32>
      %select_n3A_950 = arith.select %lt3A_945, %exp3A_947, %broadcast_in_dim3A_949 : vector<16xi1>, vector<16xf32>
      %add3A_951 = arith.addf %add3A_936, %select_n3A_950 : vector<16xf32>
      %add3A_952 = arith.constant 928 : i32
      %add3A_953 = arith.addi %mul3A_65, %add3A_952 : i32
      %get3A_954 = arith.index_cast %add3A_953 : i32 to index
      %get3A_955 = tpu.vector_load %arg5[%get3A_954] {strides = array<i32>} : memref<16016xf32, #tpu.memory_space<vmem>>, vector<16xf32>,
      %le3A_956 = arith.constant 928 : i32
      %le3A_957 = vector.broadcast %le3A_956 : i32 to vector<16xi32>
      %le3A_958 = arith.cmpi sle, %sub3A_82, %le3A_957 : vector<16xi32>
      %select_n3A_959 = arith.select %le3A_958, %bitcast3A_81, %gather3A_68 : vector<16xi1>, vector<16xf32>
      %lt3A_960 = arith.cmpf olt, %get3A_955, %select_n3A_959 : vector<16xf32>
      %sub3A_961 = arith.subf %get3A_955, %gather3A_68 : vector<16xf32>
      %exp3A_962 = math.exp %sub3A_961 : vector<16xf32>
      %jit3A_963 = arith.constant 0.000000e+00 : f32
      %broadcast_in_dim3A_964 = vector.broadcast %jit3A_963 : f32 to vector<16xf32>
      %select_n3A_965 = arith.select %lt3A_960, %exp3A_962, %broadcast_in_dim3A_964 : vector<16xi1>, vector<16xf32>
      %add3A_966 = arith.addf %add3A_951, %select_n3A_965 : vector<16xf32>
      %add3A_967 = arith.constant 944 : i32
      %add3A_968 = arith.addi %mul3A_65, %add3A_967 : i32
      %get3A_969 = arith.index_cast %add3A_968 : i32 to index
      %get3A_970 = tpu.vector_load %arg5[%get3A_969] {strides = array<i32>} : memref<16016xf32, #tpu.memory_space<vmem>>, vector<16xf32>,
      %le3A_971 = arith.constant 944 : i32
      %le3A_972 = vector.broadcast %le3A_971 : i32 to vector<16xi32>
      %le3A_973 = arith.cmpi sle, %sub3A_82, %le3A_972 : vector<16xi32>
      %select_n3A_974 = arith.select %le3A_973, %bitcast3A_81, %gather3A_68 : vector<16xi1>, vector<16xf32>
      %lt3A_975 = arith.cmpf olt, %get3A_970, %select_n3A_974 : vector<16xf32>
      %sub3A_976 = arith.subf %get3A_970, %gather3A_68 : vector<16xf32>
      %exp3A_977 = math.exp %sub3A_976 : vector<16xf32>
      %jit3A_978 = arith.constant 0.000000e+00 : f32
      %broadcast_in_dim3A_979 = vector.broadcast %jit3A_978 : f32 to vector<16xf32>
      %select_n3A_980 = arith.select %lt3A_975, %exp3A_977, %broadcast_in_dim3A_979 : vector<16xi1>, vector<16xf32>
      %add3A_981 = arith.addf %add3A_966, %select_n3A_980 : vector<16xf32>
      %add3A_982 = arith.constant 960 : i32
      %add3A_983 = arith.addi %mul3A_65, %add3A_982 : i32
      %get3A_984 = arith.index_cast %add3A_983 : i32 to index
      %get3A_985 = tpu.vector_load %arg5[%get3A_984] {strides = array<i32>} : memref<16016xf32, #tpu.memory_space<vmem>>, vector<16xf32>,
      %le3A_986 = arith.constant 960 : i32
      %le3A_987 = vector.broadcast %le3A_986 : i32 to vector<16xi32>
      %le3A_988 = arith.cmpi sle, %sub3A_82, %le3A_987 : vector<16xi32>
      %select_n3A_989 = arith.select %le3A_988, %bitcast3A_81, %gather3A_68 : vector<16xi1>, vector<16xf32>
      %lt3A_990 = arith.cmpf olt, %get3A_985, %select_n3A_989 : vector<16xf32>
      %sub3A_991 = arith.subf %get3A_985, %gather3A_68 : vector<16xf32>
      %exp3A_992 = math.exp %sub3A_991 : vector<16xf32>
      %jit3A_993 = arith.constant 0.000000e+00 : f32
      %broadcast_in_dim3A_994 = vector.broadcast %jit3A_993 : f32 to vector<16xf32>
      %select_n3A_995 = arith.select %lt3A_990, %exp3A_992, %broadcast_in_dim3A_994 : vector<16xi1>, vector<16xf32>
      %add3A_996 = arith.addf %add3A_981, %select_n3A_995 : vector<16xf32>
      %add3A_997 = arith.constant 976 : i32
      %add3A_998 = arith.addi %mul3A_65, %add3A_997 : i32
      %get3A_999 = arith.index_cast %add3A_998 : i32 to index
      %get3A_1000 = tpu.vector_load %arg5[%get3A_999] {strides = array<i32>} : memref<16016xf32, #tpu.memory_space<vmem>>, vector<16xf32>,
      %le3A_1001 = arith.constant 976 : i32
      %le3A_1002 = vector.broadcast %le3A_1001 : i32 to vector<16xi32>
      %le3A_1003 = arith.cmpi sle, %sub3A_82, %le3A_1002 : vector<16xi32>
      %select_n3A_1004 = arith.select %le3A_1003, %bitcast3A_81, %gather3A_68 : vector<16xi1>, vector<16xf32>
      %lt3A_1005 = arith.cmpf olt, %get3A_1000, %select_n3A_1004 : vector<16xf32>
      %sub3A_1006 = arith.subf %get3A_1000, %gather3A_68 : vector<16xf32>
      %exp3A_1007 = math.exp %sub3A_1006 : vector<16xf32>
      %jit3A_1008 = arith.constant 0.000000e+00 : f32
      %broadcast_in_dim3A_1009 = vector.broadcast %jit3A_1008 : f32 to vector<16xf32>
      %select_n3A_1010 = arith.select %lt3A_1005, %exp3A_1007, %broadcast_in_dim3A_1009 : vector<16xi1>, vector<16xf32>
      %add3A_1011 = arith.addf %add3A_996, %select_n3A_1010 : vector<16xf32>
      %add3A_1012 = arith.constant 992 : i32
      %add3A_1013 = arith.addi %mul3A_65, %add3A_1012 : i32
      %get3A_1014 = arith.index_cast %add3A_1013 : i32 to index
      %get3A_1015 = tpu.vector_load %arg5[%get3A_1014] {strides = array<i32>} : memref<16016xf32, #tpu.memory_space<vmem>>, vector<16xf32>,
      %le3A_1016 = arith.constant 992 : i32
      %le3A_1017 = vector.broadcast %le3A_1016 : i32 to vector<16xi32>
      %le3A_1018 = arith.cmpi sle, %sub3A_82, %le3A_1017 : vector<16xi32>
      %select_n3A_1019 = arith.select %le3A_1018, %bitcast3A_81, %gather3A_68 : vector<16xi1>, vector<16xf32>
      %lt3A_1020 = arith.cmpf olt, %get3A_1015, %select_n3A_1019 : vector<16xf32>
      %lt3A_1021 = arith.constant 8 : i32
      %lt3A_1022 = vector.broadcast %lt3A_1021 : i32 to vector<16xi32>
      %lt3A_1023 = arith.cmpi slt, %iota3A, %lt3A_1022 : vector<16xi32>
      %and3A = arith.andi %lt3A_1020, %lt3A_1023 : vector<16xi1>
      %sub3A_1024 = arith.subf %get3A_1015, %gather3A_68 : vector<16xf32>
      %exp3A_1025 = math.exp %sub3A_1024 : vector<16xf32>
      %jit3A_1026 = arith.constant 0.000000e+00 : f32
      %broadcast_in_dim3A_1027 = vector.broadcast %jit3A_1026 : f32 to vector<16xf32>
      %select_n3A_1028 = arith.select %and3A, %exp3A_1025, %broadcast_in_dim3A_1027 : vector<16xi1>, vector<16xf32>
      %add3A_1029 = arith.addf %add3A_1011, %select_n3A_1028 : vector<16xf32>
      %mul3A_1030 = arith.constant 16 : i32
      %mul3A_1031 = arith.muli %mul3A_14, %mul3A_1030 : i32
      %add3A_1032 = arith.addi %mul3A_1031, %scan3A_60 : i32
      %mul3A_1033 = arith.constant 16 : i32
      %mul3A_1034 = arith.muli %add3A_1032, %mul3A_1033 : i32
      %swap3A = arith.index_cast %mul3A_1034 : i32 to index
      %swap3A_1035 = tpu.vector_load %arg8[%swap3A] {strides = array<i32>} : memref<512xf32, #tpu.memory_space<vmem>>, vector<16xf32>,
      tpu.vector_store %arg8[%swap3A], %add3A_1029 {strides = array<i32>} : memref<512xf32, #tpu.memory_space<vmem>>, vector<16xf32>,
    }
    %scan3A_40 = arith.constant 16 : i32
    %dma_wait3A_41 = arith.constant 0 : i32
    %dma_wait3A_42 = tpu.memref_slice %arg6[%dma_wait3A_41] : memref<16016xf32, #tpu.memory_space<vmem>> -> memref<16000xf32, #tpu.memory_space<vmem>>
    %dma_wait3A_43 = arith.constant 0 : i32
    %dma_wait3A_44 = tpu.memref_slice %arg2[%dma_wait3A_43] : memref<1024000xf32, #tpu.memory_space<hbm>> -> memref<16000xf32, #tpu.memory_space<hbm>>
    %dma_wait3A_45 = arith.constant 0 : i32
    %dma_wait3A_46 = tpu.memref_slice %arg6[%dma_wait3A_45] : memref<16016xf32, #tpu.memory_space<vmem>> -> memref<16000xf32, #tpu.memory_space<vmem>>
    %dma_wait3A_47 = arith.constant 0 : i32
    %dma_wait3A_48 = tpu.memref_slice %arg2[%dma_wait3A_47] : memref<1024000xf32, #tpu.memory_space<hbm>> -> memref<16000xf32, #tpu.memory_space<hbm>>
    tpu.wait_dma2 semaphore(%arg10 : memref<!tpu.dma_semaphore, #tpu.memory_space<semaphore_mem>>) src(%dma_wait3A_48 : memref<16000xf32, #tpu.memory_space<hbm>>) dst(%dma_wait3A_46 : memref<16000xf32, #tpu.memory_space<vmem>>)
    %lt3A = arith.constant 0 : i32
    %lt3A_49 = arith.cmpi slt, %scan3A_12, %lt3A : i32
    %convert_element_type3A = arith.extui %lt3A_49 : i1 to i32
    %cond3A = arith.constant 0 : i32
    %cond3A_50 = arith.cmpi ne, %convert_element_type3A, %cond3A : i32
    scf.if %cond3A_50 {
      %add3A_60 = arith.constant 2 : i32
      %add3A_61 = arith.addi %mul3A_14, %add3A_60 : i32
      %mul3A_62 = arith.constant 16 : i32
      %mul3A_63 = arith.muli %add3A_61, %mul3A_62 : i32
      %add3A_64 = arith.addi %mul3A_2, %mul3A_63 : i32
      %mul3A_65 = arith.constant 1000 : i32
      %mul3A_66 = arith.muli %add3A_64, %mul3A_65 : i32
      %dma_start3A_67 = arith.constant 0 : i32
      %dma_start3A_68 = tpu.memref_slice %arg5[%dma_start3A_67] : memref<16016xf32, #tpu.memory_space<vmem>> -> memref<16000xf32, #tpu.memory_space<vmem>>
      %dma_start3A_69 = tpu.memref_slice %arg2[%mul3A_66] : memref<1024000xf32, #tpu.memory_space<hbm>> -> memref<16000xf32, #tpu.memory_space<hbm>>
      %dma_start3A_70 = arith.constant 0 : i32
      %dma_start3A_71 = tpu.memref_slice %arg5[%dma_start3A_70] : memref<16016xf32, #tpu.memory_space<vmem>> -> memref<16000xf32, #tpu.memory_space<vmem>>
      %dma_start3A_72 = tpu.memref_slice %arg2[%mul3A_66] : memref<1024000xf32, #tpu.memory_space<hbm>> -> memref<16000xf32, #tpu.memory_space<hbm>>
      tpu.enqueue_dma source(%dma_start3A_72 : memref<16000xf32, #tpu.memory_space<hbm>>) target(%dma_start3A_71 : memref<16000xf32, #tpu.memory_space<vmem>>) target_semaphore(%arg9 : memref<!tpu.dma_semaphore, #tpu.memory_space<semaphore_mem>>)
    } else {
    }
    %add3A_51 = arith.constant 1 : i32
    %add3A_52 = arith.addi %mul3A_14, %add3A_51 : i32
    %scan3A_53 = arith.constant 0 : i32
    %scan3A_54 = arith.constant 0 : i32
    %scan3A_55 = arith.constant 16 : i32
    %scan3A_56 = arith.addi %scan3A_54, %scan3A_55 : i32
    %scan3A_57 = arith.constant 1 : i32
    scf.for %scan3A_60 = %scan3A_54 to %scan3A_56 step %scan3A_57  : i32 {
      %mul3A_61 = arith.constant 16 : i32
      %mul3A_62 = arith.muli %add3A_52, %mul3A_61 : i32
      %add3A_63 = arith.addi %mul3A_62, %scan3A_60 : i32
      %broadcast_in_dim3A = vector.broadcast %add3A_63 : i32 to vector<16xi32>
      %gather3A = tpu.vector_load_idx %arg7[%broadcast_in_dim3A] : memref<32xi32, #tpu.memory_space<vmem>>[vector<16xi32>], vector<16xi32>,
      %mul3A_64 = arith.constant 1000 : i32
      %mul3A_65 = arith.muli %scan3A_60, %mul3A_64 : i32
      %add3A_66 = vector.broadcast %mul3A_65 : i32 to vector<16xi32>
      %add3A_67 = arith.addi %gather3A, %add3A_66 : vector<16xi32>
      %gather3A_68 = tpu.vector_load_idx %arg6[%add3A_67] : memref<16016xf32, #tpu.memory_space<vmem>>[vector<16xi32>], vector<16xf32>,
      %bitcast3A = vector.bitcast %gather3A_68 : vector<16xf32> to vector<16xi32>
      %gt3A = arith.constant 0.000000e+00 : f32
      %gt3A_69 = vector.broadcast %gt3A : f32 to vector<16xf32>
      %gt3A_70 = arith.cmpf ogt, %gather3A_68, %gt3A_69 : vector<16xf32>
      %add3A_71 = arith.constant 1 : i32
      %add3A_72 = vector.broadcast %add3A_71 : i32 to vector<16xi32>
      %add3A_73 = arith.addi %bitcast3A, %add3A_72 : vector<16xi32>
      %lt3A_74 = arith.constant 0.000000e+00 : f32
      %lt3A_75 = vector.broadcast %lt3A_74 : f32 to vector<16xf32>
      %lt3A_76 = arith.cmpf olt, %gather3A_68, %lt3A_75 : vector<16xf32>
      %sub3A = arith.constant 1 : i32
      %sub3A_77 = vector.broadcast %sub3A : i32 to vector<16xi32>
      %sub3A_78 = arith.subi %bitcast3A, %sub3A_77 : vector<16xi32>
      %jit3A = arith.constant 8388608 : i32
      %broadcast_in_dim3A_79 = vector.broadcast %jit3A : i32 to vector<16xi32>
      %select_n3A = arith.select %lt3A_76, %sub3A_78, %broadcast_in_dim3A_79 : vector<16xi1>, vector<16xi32>
      %select_n3A_80 = arith.select %gt3A_70, %add3A_73, %select_n3A : vector<16xi1>, vector<16xi32>
      %bitcast3A_81 = vector.bitcast %select_n3A_80 : vector<16xi32> to vector<16xf32>
      %sub3A_82 = arith.subi %gather3A, %iota3A : vector<16xi32>
      %broadcast_in_dim3A_83 = arith.constant 0.000000e+00 : f32
      %broadcast_in_dim3A_84 = vector.broadcast %broadcast_in_dim3A_83 : f32 to vector<16xf32>
      %add3A_85 = arith.constant 0 : i32
      %add3A_86 = arith.addi %mul3A_65, %add3A_85 : i32
      %get3A = arith.index_cast %add3A_86 : i32 to index
      %get3A_87 = tpu.vector_load %arg6[%get3A] {strides = array<i32>} : memref<16016xf32, #tpu.memory_space<vmem>>, vector<16xf32>,
      %le3A = arith.constant 0 : i32
      %le3A_88 = vector.broadcast %le3A : i32 to vector<16xi32>
      %le3A_89 = arith.cmpi sle, %sub3A_82, %le3A_88 : vector<16xi32>
      %select_n3A_90 = arith.select %le3A_89, %bitcast3A_81, %gather3A_68 : vector<16xi1>, vector<16xf32>
      %lt3A_91 = arith.cmpf olt, %get3A_87, %select_n3A_90 : vector<16xf32>
      %sub3A_92 = arith.subf %get3A_87, %gather3A_68 : vector<16xf32>
      %exp3A = math.exp %sub3A_92 : vector<16xf32>
      %jit3A_93 = arith.constant 0.000000e+00 : f32
      %broadcast_in_dim3A_94 = vector.broadcast %jit3A_93 : f32 to vector<16xf32>
      %select_n3A_95 = arith.select %lt3A_91, %exp3A, %broadcast_in_dim3A_94 : vector<16xi1>, vector<16xf32>
      %add3A_96 = arith.addf %broadcast_in_dim3A_84, %select_n3A_95 : vector<16xf32>
      %add3A_97 = arith.constant 16 : i32
      %add3A_98 = arith.addi %mul3A_65, %add3A_97 : i32
      %get3A_99 = arith.index_cast %add3A_98 : i32 to index
      %get3A_100 = tpu.vector_load %arg6[%get3A_99] {strides = array<i32>} : memref<16016xf32, #tpu.memory_space<vmem>>, vector<16xf32>,
      %le3A_101 = arith.constant 16 : i32
      %le3A_102 = vector.broadcast %le3A_101 : i32 to vector<16xi32>
      %le3A_103 = arith.cmpi sle, %sub3A_82, %le3A_102 : vector<16xi32>
      %select_n3A_104 = arith.select %le3A_103, %bitcast3A_81, %gather3A_68 : vector<16xi1>, vector<16xf32>
      %lt3A_105 = arith.cmpf olt, %get3A_100, %select_n3A_104 : vector<16xf32>
      %sub3A_106 = arith.subf %get3A_100, %gather3A_68 : vector<16xf32>
      %exp3A_107 = math.exp %sub3A_106 : vector<16xf32>
      %jit3A_108 = arith.constant 0.000000e+00 : f32
      %broadcast_in_dim3A_109 = vector.broadcast %jit3A_108 : f32 to vector<16xf32>
      %select_n3A_110 = arith.select %lt3A_105, %exp3A_107, %broadcast_in_dim3A_109 : vector<16xi1>, vector<16xf32>
      %add3A_111 = arith.addf %add3A_96, %select_n3A_110 : vector<16xf32>
      %add3A_112 = arith.constant 32 : i32
      %add3A_113 = arith.addi %mul3A_65, %add3A_112 : i32
      %get3A_114 = arith.index_cast %add3A_113 : i32 to index
      %get3A_115 = tpu.vector_load %arg6[%get3A_114] {strides = array<i32>} : memref<16016xf32, #tpu.memory_space<vmem>>, vector<16xf32>,
      %le3A_116 = arith.constant 32 : i32
      %le3A_117 = vector.broadcast %le3A_116 : i32 to vector<16xi32>
      %le3A_118 = arith.cmpi sle, %sub3A_82, %le3A_117 : vector<16xi32>
      %select_n3A_119 = arith.select %le3A_118, %bitcast3A_81, %gather3A_68 : vector<16xi1>, vector<16xf32>
      %lt3A_120 = arith.cmpf olt, %get3A_115, %select_n3A_119 : vector<16xf32>
      %sub3A_121 = arith.subf %get3A_115, %gather3A_68 : vector<16xf32>
      %exp3A_122 = math.exp %sub3A_121 : vector<16xf32>
      %jit3A_123 = arith.constant 0.000000e+00 : f32
      %broadcast_in_dim3A_124 = vector.broadcast %jit3A_123 : f32 to vector<16xf32>
      %select_n3A_125 = arith.select %lt3A_120, %exp3A_122, %broadcast_in_dim3A_124 : vector<16xi1>, vector<16xf32>
      %add3A_126 = arith.addf %add3A_111, %select_n3A_125 : vector<16xf32>
      %add3A_127 = arith.constant 48 : i32
      %add3A_128 = arith.addi %mul3A_65, %add3A_127 : i32
      %get3A_129 = arith.index_cast %add3A_128 : i32 to index
      %get3A_130 = tpu.vector_load %arg6[%get3A_129] {strides = array<i32>} : memref<16016xf32, #tpu.memory_space<vmem>>, vector<16xf32>,
      %le3A_131 = arith.constant 48 : i32
      %le3A_132 = vector.broadcast %le3A_131 : i32 to vector<16xi32>
      %le3A_133 = arith.cmpi sle, %sub3A_82, %le3A_132 : vector<16xi32>
      %select_n3A_134 = arith.select %le3A_133, %bitcast3A_81, %gather3A_68 : vector<16xi1>, vector<16xf32>
      %lt3A_135 = arith.cmpf olt, %get3A_130, %select_n3A_134 : vector<16xf32>
      %sub3A_136 = arith.subf %get3A_130, %gather3A_68 : vector<16xf32>
      %exp3A_137 = math.exp %sub3A_136 : vector<16xf32>
      %jit3A_138 = arith.constant 0.000000e+00 : f32
      %broadcast_in_dim3A_139 = vector.broadcast %jit3A_138 : f32 to vector<16xf32>
      %select_n3A_140 = arith.select %lt3A_135, %exp3A_137, %broadcast_in_dim3A_139 : vector<16xi1>, vector<16xf32>
      %add3A_141 = arith.addf %add3A_126, %select_n3A_140 : vector<16xf32>
      %add3A_142 = arith.constant 64 : i32
      %add3A_143 = arith.addi %mul3A_65, %add3A_142 : i32
      %get3A_144 = arith.index_cast %add3A_143 : i32 to index
      %get3A_145 = tpu.vector_load %arg6[%get3A_144] {strides = array<i32>} : memref<16016xf32, #tpu.memory_space<vmem>>, vector<16xf32>,
      %le3A_146 = arith.constant 64 : i32
      %le3A_147 = vector.broadcast %le3A_146 : i32 to vector<16xi32>
      %le3A_148 = arith.cmpi sle, %sub3A_82, %le3A_147 : vector<16xi32>
      %select_n3A_149 = arith.select %le3A_148, %bitcast3A_81, %gather3A_68 : vector<16xi1>, vector<16xf32>
      %lt3A_150 = arith.cmpf olt, %get3A_145, %select_n3A_149 : vector<16xf32>
      %sub3A_151 = arith.subf %get3A_145, %gather3A_68 : vector<16xf32>
      %exp3A_152 = math.exp %sub3A_151 : vector<16xf32>
      %jit3A_153 = arith.constant 0.000000e+00 : f32
      %broadcast_in_dim3A_154 = vector.broadcast %jit3A_153 : f32 to vector<16xf32>
      %select_n3A_155 = arith.select %lt3A_150, %exp3A_152, %broadcast_in_dim3A_154 : vector<16xi1>, vector<16xf32>
      %add3A_156 = arith.addf %add3A_141, %select_n3A_155 : vector<16xf32>
      %add3A_157 = arith.constant 80 : i32
      %add3A_158 = arith.addi %mul3A_65, %add3A_157 : i32
      %get3A_159 = arith.index_cast %add3A_158 : i32 to index
      %get3A_160 = tpu.vector_load %arg6[%get3A_159] {strides = array<i32>} : memref<16016xf32, #tpu.memory_space<vmem>>, vector<16xf32>,
      %le3A_161 = arith.constant 80 : i32
      %le3A_162 = vector.broadcast %le3A_161 : i32 to vector<16xi32>
      %le3A_163 = arith.cmpi sle, %sub3A_82, %le3A_162 : vector<16xi32>
      %select_n3A_164 = arith.select %le3A_163, %bitcast3A_81, %gather3A_68 : vector<16xi1>, vector<16xf32>
      %lt3A_165 = arith.cmpf olt, %get3A_160, %select_n3A_164 : vector<16xf32>
      %sub3A_166 = arith.subf %get3A_160, %gather3A_68 : vector<16xf32>
      %exp3A_167 = math.exp %sub3A_166 : vector<16xf32>
      %jit3A_168 = arith.constant 0.000000e+00 : f32
      %broadcast_in_dim3A_169 = vector.broadcast %jit3A_168 : f32 to vector<16xf32>
      %select_n3A_170 = arith.select %lt3A_165, %exp3A_167, %broadcast_in_dim3A_169 : vector<16xi1>, vector<16xf32>
      %add3A_171 = arith.addf %add3A_156, %select_n3A_170 : vector<16xf32>
      %add3A_172 = arith.constant 96 : i32
      %add3A_173 = arith.addi %mul3A_65, %add3A_172 : i32
      %get3A_174 = arith.index_cast %add3A_173 : i32 to index
      %get3A_175 = tpu.vector_load %arg6[%get3A_174] {strides = array<i32>} : memref<16016xf32, #tpu.memory_space<vmem>>, vector<16xf32>,
      %le3A_176 = arith.constant 96 : i32
      %le3A_177 = vector.broadcast %le3A_176 : i32 to vector<16xi32>
      %le3A_178 = arith.cmpi sle, %sub3A_82, %le3A_177 : vector<16xi32>
      %select_n3A_179 = arith.select %le3A_178, %bitcast3A_81, %gather3A_68 : vector<16xi1>, vector<16xf32>
      %lt3A_180 = arith.cmpf olt, %get3A_175, %select_n3A_179 : vector<16xf32>
      %sub3A_181 = arith.subf %get3A_175, %gather3A_68 : vector<16xf32>
      %exp3A_182 = math.exp %sub3A_181 : vector<16xf32>
      %jit3A_183 = arith.constant 0.000000e+00 : f32
      %broadcast_in_dim3A_184 = vector.broadcast %jit3A_183 : f32 to vector<16xf32>
      %select_n3A_185 = arith.select %lt3A_180, %exp3A_182, %broadcast_in_dim3A_184 : vector<16xi1>, vector<16xf32>
      %add3A_186 = arith.addf %add3A_171, %select_n3A_185 : vector<16xf32>
      %add3A_187 = arith.constant 112 : i32
      %add3A_188 = arith.addi %mul3A_65, %add3A_187 : i32
      %get3A_189 = arith.index_cast %add3A_188 : i32 to index
      %get3A_190 = tpu.vector_load %arg6[%get3A_189] {strides = array<i32>} : memref<16016xf32, #tpu.memory_space<vmem>>, vector<16xf32>,
      %le3A_191 = arith.constant 112 : i32
      %le3A_192 = vector.broadcast %le3A_191 : i32 to vector<16xi32>
      %le3A_193 = arith.cmpi sle, %sub3A_82, %le3A_192 : vector<16xi32>
      %select_n3A_194 = arith.select %le3A_193, %bitcast3A_81, %gather3A_68 : vector<16xi1>, vector<16xf32>
      %lt3A_195 = arith.cmpf olt, %get3A_190, %select_n3A_194 : vector<16xf32>
      %sub3A_196 = arith.subf %get3A_190, %gather3A_68 : vector<16xf32>
      %exp3A_197 = math.exp %sub3A_196 : vector<16xf32>
      %jit3A_198 = arith.constant 0.000000e+00 : f32
      %broadcast_in_dim3A_199 = vector.broadcast %jit3A_198 : f32 to vector<16xf32>
      %select_n3A_200 = arith.select %lt3A_195, %exp3A_197, %broadcast_in_dim3A_199 : vector<16xi1>, vector<16xf32>
      %add3A_201 = arith.addf %add3A_186, %select_n3A_200 : vector<16xf32>
      %add3A_202 = arith.constant 128 : i32
      %add3A_203 = arith.addi %mul3A_65, %add3A_202 : i32
      %get3A_204 = arith.index_cast %add3A_203 : i32 to index
      %get3A_205 = tpu.vector_load %arg6[%get3A_204] {strides = array<i32>} : memref<16016xf32, #tpu.memory_space<vmem>>, vector<16xf32>,
      %le3A_206 = arith.constant 128 : i32
      %le3A_207 = vector.broadcast %le3A_206 : i32 to vector<16xi32>
      %le3A_208 = arith.cmpi sle, %sub3A_82, %le3A_207 : vector<16xi32>
      %select_n3A_209 = arith.select %le3A_208, %bitcast3A_81, %gather3A_68 : vector<16xi1>, vector<16xf32>
      %lt3A_210 = arith.cmpf olt, %get3A_205, %select_n3A_209 : vector<16xf32>
      %sub3A_211 = arith.subf %get3A_205, %gather3A_68 : vector<16xf32>
      %exp3A_212 = math.exp %sub3A_211 : vector<16xf32>
      %jit3A_213 = arith.constant 0.000000e+00 : f32
      %broadcast_in_dim3A_214 = vector.broadcast %jit3A_213 : f32 to vector<16xf32>
      %select_n3A_215 = arith.select %lt3A_210, %exp3A_212, %broadcast_in_dim3A_214 : vector<16xi1>, vector<16xf32>
      %add3A_216 = arith.addf %add3A_201, %select_n3A_215 : vector<16xf32>
      %add3A_217 = arith.constant 144 : i32
      %add3A_218 = arith.addi %mul3A_65, %add3A_217 : i32
      %get3A_219 = arith.index_cast %add3A_218 : i32 to index
      %get3A_220 = tpu.vector_load %arg6[%get3A_219] {strides = array<i32>} : memref<16016xf32, #tpu.memory_space<vmem>>, vector<16xf32>,
      %le3A_221 = arith.constant 144 : i32
      %le3A_222 = vector.broadcast %le3A_221 : i32 to vector<16xi32>
      %le3A_223 = arith.cmpi sle, %sub3A_82, %le3A_222 : vector<16xi32>
      %select_n3A_224 = arith.select %le3A_223, %bitcast3A_81, %gather3A_68 : vector<16xi1>, vector<16xf32>
      %lt3A_225 = arith.cmpf olt, %get3A_220, %select_n3A_224 : vector<16xf32>
      %sub3A_226 = arith.subf %get3A_220, %gather3A_68 : vector<16xf32>
      %exp3A_227 = math.exp %sub3A_226 : vector<16xf32>
      %jit3A_228 = arith.constant 0.000000e+00 : f32
      %broadcast_in_dim3A_229 = vector.broadcast %jit3A_228 : f32 to vector<16xf32>
      %select_n3A_230 = arith.select %lt3A_225, %exp3A_227, %broadcast_in_dim3A_229 : vector<16xi1>, vector<16xf32>
      %add3A_231 = arith.addf %add3A_216, %select_n3A_230 : vector<16xf32>
      %add3A_232 = arith.constant 160 : i32
      %add3A_233 = arith.addi %mul3A_65, %add3A_232 : i32
      %get3A_234 = arith.index_cast %add3A_233 : i32 to index
      %get3A_235 = tpu.vector_load %arg6[%get3A_234] {strides = array<i32>} : memref<16016xf32, #tpu.memory_space<vmem>>, vector<16xf32>,
      %le3A_236 = arith.constant 160 : i32
      %le3A_237 = vector.broadcast %le3A_236 : i32 to vector<16xi32>
      %le3A_238 = arith.cmpi sle, %sub3A_82, %le3A_237 : vector<16xi32>
      %select_n3A_239 = arith.select %le3A_238, %bitcast3A_81, %gather3A_68 : vector<16xi1>, vector<16xf32>
      %lt3A_240 = arith.cmpf olt, %get3A_235, %select_n3A_239 : vector<16xf32>
      %sub3A_241 = arith.subf %get3A_235, %gather3A_68 : vector<16xf32>
      %exp3A_242 = math.exp %sub3A_241 : vector<16xf32>
      %jit3A_243 = arith.constant 0.000000e+00 : f32
      %broadcast_in_dim3A_244 = vector.broadcast %jit3A_243 : f32 to vector<16xf32>
      %select_n3A_245 = arith.select %lt3A_240, %exp3A_242, %broadcast_in_dim3A_244 : vector<16xi1>, vector<16xf32>
      %add3A_246 = arith.addf %add3A_231, %select_n3A_245 : vector<16xf32>
      %add3A_247 = arith.constant 176 : i32
      %add3A_248 = arith.addi %mul3A_65, %add3A_247 : i32
      %get3A_249 = arith.index_cast %add3A_248 : i32 to index
      %get3A_250 = tpu.vector_load %arg6[%get3A_249] {strides = array<i32>} : memref<16016xf32, #tpu.memory_space<vmem>>, vector<16xf32>,
      %le3A_251 = arith.constant 176 : i32
      %le3A_252 = vector.broadcast %le3A_251 : i32 to vector<16xi32>
      %le3A_253 = arith.cmpi sle, %sub3A_82, %le3A_252 : vector<16xi32>
      %select_n3A_254 = arith.select %le3A_253, %bitcast3A_81, %gather3A_68 : vector<16xi1>, vector<16xf32>
      %lt3A_255 = arith.cmpf olt, %get3A_250, %select_n3A_254 : vector<16xf32>
      %sub3A_256 = arith.subf %get3A_250, %gather3A_68 : vector<16xf32>
      %exp3A_257 = math.exp %sub3A_256 : vector<16xf32>
      %jit3A_258 = arith.constant 0.000000e+00 : f32
      %broadcast_in_dim3A_259 = vector.broadcast %jit3A_258 : f32 to vector<16xf32>
      %select_n3A_260 = arith.select %lt3A_255, %exp3A_257, %broadcast_in_dim3A_259 : vector<16xi1>, vector<16xf32>
      %add3A_261 = arith.addf %add3A_246, %select_n3A_260 : vector<16xf32>
      %add3A_262 = arith.constant 192 : i32
      %add3A_263 = arith.addi %mul3A_65, %add3A_262 : i32
      %get3A_264 = arith.index_cast %add3A_263 : i32 to index
      %get3A_265 = tpu.vector_load %arg6[%get3A_264] {strides = array<i32>} : memref<16016xf32, #tpu.memory_space<vmem>>, vector<16xf32>,
      %le3A_266 = arith.constant 192 : i32
      %le3A_267 = vector.broadcast %le3A_266 : i32 to vector<16xi32>
      %le3A_268 = arith.cmpi sle, %sub3A_82, %le3A_267 : vector<16xi32>
      %select_n3A_269 = arith.select %le3A_268, %bitcast3A_81, %gather3A_68 : vector<16xi1>, vector<16xf32>
      %lt3A_270 = arith.cmpf olt, %get3A_265, %select_n3A_269 : vector<16xf32>
      %sub3A_271 = arith.subf %get3A_265, %gather3A_68 : vector<16xf32>
      %exp3A_272 = math.exp %sub3A_271 : vector<16xf32>
      %jit3A_273 = arith.constant 0.000000e+00 : f32
      %broadcast_in_dim3A_274 = vector.broadcast %jit3A_273 : f32 to vector<16xf32>
      %select_n3A_275 = arith.select %lt3A_270, %exp3A_272, %broadcast_in_dim3A_274 : vector<16xi1>, vector<16xf32>
      %add3A_276 = arith.addf %add3A_261, %select_n3A_275 : vector<16xf32>
      %add3A_277 = arith.constant 208 : i32
      %add3A_278 = arith.addi %mul3A_65, %add3A_277 : i32
      %get3A_279 = arith.index_cast %add3A_278 : i32 to index
      %get3A_280 = tpu.vector_load %arg6[%get3A_279] {strides = array<i32>} : memref<16016xf32, #tpu.memory_space<vmem>>, vector<16xf32>,
      %le3A_281 = arith.constant 208 : i32
      %le3A_282 = vector.broadcast %le3A_281 : i32 to vector<16xi32>
      %le3A_283 = arith.cmpi sle, %sub3A_82, %le3A_282 : vector<16xi32>
      %select_n3A_284 = arith.select %le3A_283, %bitcast3A_81, %gather3A_68 : vector<16xi1>, vector<16xf32>
      %lt3A_285 = arith.cmpf olt, %get3A_280, %select_n3A_284 : vector<16xf32>
      %sub3A_286 = arith.subf %get3A_280, %gather3A_68 : vector<16xf32>
      %exp3A_287 = math.exp %sub3A_286 : vector<16xf32>
      %jit3A_288 = arith.constant 0.000000e+00 : f32
      %broadcast_in_dim3A_289 = vector.broadcast %jit3A_288 : f32 to vector<16xf32>
      %select_n3A_290 = arith.select %lt3A_285, %exp3A_287, %broadcast_in_dim3A_289 : vector<16xi1>, vector<16xf32>
      %add3A_291 = arith.addf %add3A_276, %select_n3A_290 : vector<16xf32>
      %add3A_292 = arith.constant 224 : i32
      %add3A_293 = arith.addi %mul3A_65, %add3A_292 : i32
      %get3A_294 = arith.index_cast %add3A_293 : i32 to index
      %get3A_295 = tpu.vector_load %arg6[%get3A_294] {strides = array<i32>} : memref<16016xf32, #tpu.memory_space<vmem>>, vector<16xf32>,
      %le3A_296 = arith.constant 224 : i32
      %le3A_297 = vector.broadcast %le3A_296 : i32 to vector<16xi32>
      %le3A_298 = arith.cmpi sle, %sub3A_82, %le3A_297 : vector<16xi32>
      %select_n3A_299 = arith.select %le3A_298, %bitcast3A_81, %gather3A_68 : vector<16xi1>, vector<16xf32>
      %lt3A_300 = arith.cmpf olt, %get3A_295, %select_n3A_299 : vector<16xf32>
      %sub3A_301 = arith.subf %get3A_295, %gather3A_68 : vector<16xf32>
      %exp3A_302 = math.exp %sub3A_301 : vector<16xf32>
      %jit3A_303 = arith.constant 0.000000e+00 : f32
      %broadcast_in_dim3A_304 = vector.broadcast %jit3A_303 : f32 to vector<16xf32>
      %select_n3A_305 = arith.select %lt3A_300, %exp3A_302, %broadcast_in_dim3A_304 : vector<16xi1>, vector<16xf32>
      %add3A_306 = arith.addf %add3A_291, %select_n3A_305 : vector<16xf32>
      %add3A_307 = arith.constant 240 : i32
      %add3A_308 = arith.addi %mul3A_65, %add3A_307 : i32
      %get3A_309 = arith.index_cast %add3A_308 : i32 to index
      %get3A_310 = tpu.vector_load %arg6[%get3A_309] {strides = array<i32>} : memref<16016xf32, #tpu.memory_space<vmem>>, vector<16xf32>,
      %le3A_311 = arith.constant 240 : i32
      %le3A_312 = vector.broadcast %le3A_311 : i32 to vector<16xi32>
      %le3A_313 = arith.cmpi sle, %sub3A_82, %le3A_312 : vector<16xi32>
      %select_n3A_314 = arith.select %le3A_313, %bitcast3A_81, %gather3A_68 : vector<16xi1>, vector<16xf32>
      %lt3A_315 = arith.cmpf olt, %get3A_310, %select_n3A_314 : vector<16xf32>
      %sub3A_316 = arith.subf %get3A_310, %gather3A_68 : vector<16xf32>
      %exp3A_317 = math.exp %sub3A_316 : vector<16xf32>
      %jit3A_318 = arith.constant 0.000000e+00 : f32
      %broadcast_in_dim3A_319 = vector.broadcast %jit3A_318 : f32 to vector<16xf32>
      %select_n3A_320 = arith.select %lt3A_315, %exp3A_317, %broadcast_in_dim3A_319 : vector<16xi1>, vector<16xf32>
      %add3A_321 = arith.addf %add3A_306, %select_n3A_320 : vector<16xf32>
      %add3A_322 = arith.constant 256 : i32
      %add3A_323 = arith.addi %mul3A_65, %add3A_322 : i32
      %get3A_324 = arith.index_cast %add3A_323 : i32 to index
      %get3A_325 = tpu.vector_load %arg6[%get3A_324] {strides = array<i32>} : memref<16016xf32, #tpu.memory_space<vmem>>, vector<16xf32>,
      %le3A_326 = arith.constant 256 : i32
      %le3A_327 = vector.broadcast %le3A_326 : i32 to vector<16xi32>
      %le3A_328 = arith.cmpi sle, %sub3A_82, %le3A_327 : vector<16xi32>
      %select_n3A_329 = arith.select %le3A_328, %bitcast3A_81, %gather3A_68 : vector<16xi1>, vector<16xf32>
      %lt3A_330 = arith.cmpf olt, %get3A_325, %select_n3A_329 : vector<16xf32>
      %sub3A_331 = arith.subf %get3A_325, %gather3A_68 : vector<16xf32>
      %exp3A_332 = math.exp %sub3A_331 : vector<16xf32>
      %jit3A_333 = arith.constant 0.000000e+00 : f32
      %broadcast_in_dim3A_334 = vector.broadcast %jit3A_333 : f32 to vector<16xf32>
      %select_n3A_335 = arith.select %lt3A_330, %exp3A_332, %broadcast_in_dim3A_334 : vector<16xi1>, vector<16xf32>
      %add3A_336 = arith.addf %add3A_321, %select_n3A_335 : vector<16xf32>
      %add3A_337 = arith.constant 272 : i32
      %add3A_338 = arith.addi %mul3A_65, %add3A_337 : i32
      %get3A_339 = arith.index_cast %add3A_338 : i32 to index
      %get3A_340 = tpu.vector_load %arg6[%get3A_339] {strides = array<i32>} : memref<16016xf32, #tpu.memory_space<vmem>>, vector<16xf32>,
      %le3A_341 = arith.constant 272 : i32
      %le3A_342 = vector.broadcast %le3A_341 : i32 to vector<16xi32>
      %le3A_343 = arith.cmpi sle, %sub3A_82, %le3A_342 : vector<16xi32>
      %select_n3A_344 = arith.select %le3A_343, %bitcast3A_81, %gather3A_68 : vector<16xi1>, vector<16xf32>
      %lt3A_345 = arith.cmpf olt, %get3A_340, %select_n3A_344 : vector<16xf32>
      %sub3A_346 = arith.subf %get3A_340, %gather3A_68 : vector<16xf32>
      %exp3A_347 = math.exp %sub3A_346 : vector<16xf32>
      %jit3A_348 = arith.constant 0.000000e+00 : f32
      %broadcast_in_dim3A_349 = vector.broadcast %jit3A_348 : f32 to vector<16xf32>
      %select_n3A_350 = arith.select %lt3A_345, %exp3A_347, %broadcast_in_dim3A_349 : vector<16xi1>, vector<16xf32>
      %add3A_351 = arith.addf %add3A_336, %select_n3A_350 : vector<16xf32>
      %add3A_352 = arith.constant 288 : i32
      %add3A_353 = arith.addi %mul3A_65, %add3A_352 : i32
      %get3A_354 = arith.index_cast %add3A_353 : i32 to index
      %get3A_355 = tpu.vector_load %arg6[%get3A_354] {strides = array<i32>} : memref<16016xf32, #tpu.memory_space<vmem>>, vector<16xf32>,
      %le3A_356 = arith.constant 288 : i32
      %le3A_357 = vector.broadcast %le3A_356 : i32 to vector<16xi32>
      %le3A_358 = arith.cmpi sle, %sub3A_82, %le3A_357 : vector<16xi32>
      %select_n3A_359 = arith.select %le3A_358, %bitcast3A_81, %gather3A_68 : vector<16xi1>, vector<16xf32>
      %lt3A_360 = arith.cmpf olt, %get3A_355, %select_n3A_359 : vector<16xf32>
      %sub3A_361 = arith.subf %get3A_355, %gather3A_68 : vector<16xf32>
      %exp3A_362 = math.exp %sub3A_361 : vector<16xf32>
      %jit3A_363 = arith.constant 0.000000e+00 : f32
      %broadcast_in_dim3A_364 = vector.broadcast %jit3A_363 : f32 to vector<16xf32>
      %select_n3A_365 = arith.select %lt3A_360, %exp3A_362, %broadcast_in_dim3A_364 : vector<16xi1>, vector<16xf32>
      %add3A_366 = arith.addf %add3A_351, %select_n3A_365 : vector<16xf32>
      %add3A_367 = arith.constant 304 : i32
      %add3A_368 = arith.addi %mul3A_65, %add3A_367 : i32
      %get3A_369 = arith.index_cast %add3A_368 : i32 to index
      %get3A_370 = tpu.vector_load %arg6[%get3A_369] {strides = array<i32>} : memref<16016xf32, #tpu.memory_space<vmem>>, vector<16xf32>,
      %le3A_371 = arith.constant 304 : i32
      %le3A_372 = vector.broadcast %le3A_371 : i32 to vector<16xi32>
      %le3A_373 = arith.cmpi sle, %sub3A_82, %le3A_372 : vector<16xi32>
      %select_n3A_374 = arith.select %le3A_373, %bitcast3A_81, %gather3A_68 : vector<16xi1>, vector<16xf32>
      %lt3A_375 = arith.cmpf olt, %get3A_370, %select_n3A_374 : vector<16xf32>
      %sub3A_376 = arith.subf %get3A_370, %gather3A_68 : vector<16xf32>
      %exp3A_377 = math.exp %sub3A_376 : vector<16xf32>
      %jit3A_378 = arith.constant 0.000000e+00 : f32
      %broadcast_in_dim3A_379 = vector.broadcast %jit3A_378 : f32 to vector<16xf32>
      %select_n3A_380 = arith.select %lt3A_375, %exp3A_377, %broadcast_in_dim3A_379 : vector<16xi1>, vector<16xf32>
      %add3A_381 = arith.addf %add3A_366, %select_n3A_380 : vector<16xf32>
      %add3A_382 = arith.constant 320 : i32
      %add3A_383 = arith.addi %mul3A_65, %add3A_382 : i32
      %get3A_384 = arith.index_cast %add3A_383 : i32 to index
      %get3A_385 = tpu.vector_load %arg6[%get3A_384] {strides = array<i32>} : memref<16016xf32, #tpu.memory_space<vmem>>, vector<16xf32>,
      %le3A_386 = arith.constant 320 : i32
      %le3A_387 = vector.broadcast %le3A_386 : i32 to vector<16xi32>
      %le3A_388 = arith.cmpi sle, %sub3A_82, %le3A_387 : vector<16xi32>
      %select_n3A_389 = arith.select %le3A_388, %bitcast3A_81, %gather3A_68 : vector<16xi1>, vector<16xf32>
      %lt3A_390 = arith.cmpf olt, %get3A_385, %select_n3A_389 : vector<16xf32>
      %sub3A_391 = arith.subf %get3A_385, %gather3A_68 : vector<16xf32>
      %exp3A_392 = math.exp %sub3A_391 : vector<16xf32>
      %jit3A_393 = arith.constant 0.000000e+00 : f32
      %broadcast_in_dim3A_394 = vector.broadcast %jit3A_393 : f32 to vector<16xf32>
      %select_n3A_395 = arith.select %lt3A_390, %exp3A_392, %broadcast_in_dim3A_394 : vector<16xi1>, vector<16xf32>
      %add3A_396 = arith.addf %add3A_381, %select_n3A_395 : vector<16xf32>
      %add3A_397 = arith.constant 336 : i32
      %add3A_398 = arith.addi %mul3A_65, %add3A_397 : i32
      %get3A_399 = arith.index_cast %add3A_398 : i32 to index
      %get3A_400 = tpu.vector_load %arg6[%get3A_399] {strides = array<i32>} : memref<16016xf32, #tpu.memory_space<vmem>>, vector<16xf32>,
      %le3A_401 = arith.constant 336 : i32
      %le3A_402 = vector.broadcast %le3A_401 : i32 to vector<16xi32>
      %le3A_403 = arith.cmpi sle, %sub3A_82, %le3A_402 : vector<16xi32>
      %select_n3A_404 = arith.select %le3A_403, %bitcast3A_81, %gather3A_68 : vector<16xi1>, vector<16xf32>
      %lt3A_405 = arith.cmpf olt, %get3A_400, %select_n3A_404 : vector<16xf32>
      %sub3A_406 = arith.subf %get3A_400, %gather3A_68 : vector<16xf32>
      %exp3A_407 = math.exp %sub3A_406 : vector<16xf32>
      %jit3A_408 = arith.constant 0.000000e+00 : f32
      %broadcast_in_dim3A_409 = vector.broadcast %jit3A_408 : f32 to vector<16xf32>
      %select_n3A_410 = arith.select %lt3A_405, %exp3A_407, %broadcast_in_dim3A_409 : vector<16xi1>, vector<16xf32>
      %add3A_411 = arith.addf %add3A_396, %select_n3A_410 : vector<16xf32>
      %add3A_412 = arith.constant 352 : i32
      %add3A_413 = arith.addi %mul3A_65, %add3A_412 : i32
      %get3A_414 = arith.index_cast %add3A_413 : i32 to index
      %get3A_415 = tpu.vector_load %arg6[%get3A_414] {strides = array<i32>} : memref<16016xf32, #tpu.memory_space<vmem>>, vector<16xf32>,
      %le3A_416 = arith.constant 352 : i32
      %le3A_417 = vector.broadcast %le3A_416 : i32 to vector<16xi32>
      %le3A_418 = arith.cmpi sle, %sub3A_82, %le3A_417 : vector<16xi32>
      %select_n3A_419 = arith.select %le3A_418, %bitcast3A_81, %gather3A_68 : vector<16xi1>, vector<16xf32>
      %lt3A_420 = arith.cmpf olt, %get3A_415, %select_n3A_419 : vector<16xf32>
      %sub3A_421 = arith.subf %get3A_415, %gather3A_68 : vector<16xf32>
      %exp3A_422 = math.exp %sub3A_421 : vector<16xf32>
      %jit3A_423 = arith.constant 0.000000e+00 : f32
      %broadcast_in_dim3A_424 = vector.broadcast %jit3A_423 : f32 to vector<16xf32>
      %select_n3A_425 = arith.select %lt3A_420, %exp3A_422, %broadcast_in_dim3A_424 : vector<16xi1>, vector<16xf32>
      %add3A_426 = arith.addf %add3A_411, %select_n3A_425 : vector<16xf32>
      %add3A_427 = arith.constant 368 : i32
      %add3A_428 = arith.addi %mul3A_65, %add3A_427 : i32
      %get3A_429 = arith.index_cast %add3A_428 : i32 to index
      %get3A_430 = tpu.vector_load %arg6[%get3A_429] {strides = array<i32>} : memref<16016xf32, #tpu.memory_space<vmem>>, vector<16xf32>,
      %le3A_431 = arith.constant 368 : i32
      %le3A_432 = vector.broadcast %le3A_431 : i32 to vector<16xi32>
      %le3A_433 = arith.cmpi sle, %sub3A_82, %le3A_432 : vector<16xi32>
      %select_n3A_434 = arith.select %le3A_433, %bitcast3A_81, %gather3A_68 : vector<16xi1>, vector<16xf32>
      %lt3A_435 = arith.cmpf olt, %get3A_430, %select_n3A_434 : vector<16xf32>
      %sub3A_436 = arith.subf %get3A_430, %gather3A_68 : vector<16xf32>
      %exp3A_437 = math.exp %sub3A_436 : vector<16xf32>
      %jit3A_438 = arith.constant 0.000000e+00 : f32
      %broadcast_in_dim3A_439 = vector.broadcast %jit3A_438 : f32 to vector<16xf32>
      %select_n3A_440 = arith.select %lt3A_435, %exp3A_437, %broadcast_in_dim3A_439 : vector<16xi1>, vector<16xf32>
      %add3A_441 = arith.addf %add3A_426, %select_n3A_440 : vector<16xf32>
      %add3A_442 = arith.constant 384 : i32
      %add3A_443 = arith.addi %mul3A_65, %add3A_442 : i32
      %get3A_444 = arith.index_cast %add3A_443 : i32 to index
      %get3A_445 = tpu.vector_load %arg6[%get3A_444] {strides = array<i32>} : memref<16016xf32, #tpu.memory_space<vmem>>, vector<16xf32>,
      %le3A_446 = arith.constant 384 : i32
      %le3A_447 = vector.broadcast %le3A_446 : i32 to vector<16xi32>
      %le3A_448 = arith.cmpi sle, %sub3A_82, %le3A_447 : vector<16xi32>
      %select_n3A_449 = arith.select %le3A_448, %bitcast3A_81, %gather3A_68 : vector<16xi1>, vector<16xf32>
      %lt3A_450 = arith.cmpf olt, %get3A_445, %select_n3A_449 : vector<16xf32>
      %sub3A_451 = arith.subf %get3A_445, %gather3A_68 : vector<16xf32>
      %exp3A_452 = math.exp %sub3A_451 : vector<16xf32>
      %jit3A_453 = arith.constant 0.000000e+00 : f32
      %broadcast_in_dim3A_454 = vector.broadcast %jit3A_453 : f32 to vector<16xf32>
      %select_n3A_455 = arith.select %lt3A_450, %exp3A_452, %broadcast_in_dim3A_454 : vector<16xi1>, vector<16xf32>
      %add3A_456 = arith.addf %add3A_441, %select_n3A_455 : vector<16xf32>
      %add3A_457 = arith.constant 400 : i32
      %add3A_458 = arith.addi %mul3A_65, %add3A_457 : i32
      %get3A_459 = arith.index_cast %add3A_458 : i32 to index
      %get3A_460 = tpu.vector_load %arg6[%get3A_459] {strides = array<i32>} : memref<16016xf32, #tpu.memory_space<vmem>>, vector<16xf32>,
      %le3A_461 = arith.constant 400 : i32
      %le3A_462 = vector.broadcast %le3A_461 : i32 to vector<16xi32>
      %le3A_463 = arith.cmpi sle, %sub3A_82, %le3A_462 : vector<16xi32>
      %select_n3A_464 = arith.select %le3A_463, %bitcast3A_81, %gather3A_68 : vector<16xi1>, vector<16xf32>
      %lt3A_465 = arith.cmpf olt, %get3A_460, %select_n3A_464 : vector<16xf32>
      %sub3A_466 = arith.subf %get3A_460, %gather3A_68 : vector<16xf32>
      %exp3A_467 = math.exp %sub3A_466 : vector<16xf32>
      %jit3A_468 = arith.constant 0.000000e+00 : f32
      %broadcast_in_dim3A_469 = vector.broadcast %jit3A_468 : f32 to vector<16xf32>
      %select_n3A_470 = arith.select %lt3A_465, %exp3A_467, %broadcast_in_dim3A_469 : vector<16xi1>, vector<16xf32>
      %add3A_471 = arith.addf %add3A_456, %select_n3A_470 : vector<16xf32>
      %add3A_472 = arith.constant 416 : i32
      %add3A_473 = arith.addi %mul3A_65, %add3A_472 : i32
      %get3A_474 = arith.index_cast %add3A_473 : i32 to index
      %get3A_475 = tpu.vector_load %arg6[%get3A_474] {strides = array<i32>} : memref<16016xf32, #tpu.memory_space<vmem>>, vector<16xf32>,
      %le3A_476 = arith.constant 416 : i32
      %le3A_477 = vector.broadcast %le3A_476 : i32 to vector<16xi32>
      %le3A_478 = arith.cmpi sle, %sub3A_82, %le3A_477 : vector<16xi32>
      %select_n3A_479 = arith.select %le3A_478, %bitcast3A_81, %gather3A_68 : vector<16xi1>, vector<16xf32>
      %lt3A_480 = arith.cmpf olt, %get3A_475, %select_n3A_479 : vector<16xf32>
      %sub3A_481 = arith.subf %get3A_475, %gather3A_68 : vector<16xf32>
      %exp3A_482 = math.exp %sub3A_481 : vector<16xf32>
      %jit3A_483 = arith.constant 0.000000e+00 : f32
      %broadcast_in_dim3A_484 = vector.broadcast %jit3A_483 : f32 to vector<16xf32>
      %select_n3A_485 = arith.select %lt3A_480, %exp3A_482, %broadcast_in_dim3A_484 : vector<16xi1>, vector<16xf32>
      %add3A_486 = arith.addf %add3A_471, %select_n3A_485 : vector<16xf32>
      %add3A_487 = arith.constant 432 : i32
      %add3A_488 = arith.addi %mul3A_65, %add3A_487 : i32
      %get3A_489 = arith.index_cast %add3A_488 : i32 to index
      %get3A_490 = tpu.vector_load %arg6[%get3A_489] {strides = array<i32>} : memref<16016xf32, #tpu.memory_space<vmem>>, vector<16xf32>,
      %le3A_491 = arith.constant 432 : i32
      %le3A_492 = vector.broadcast %le3A_491 : i32 to vector<16xi32>
      %le3A_493 = arith.cmpi sle, %sub3A_82, %le3A_492 : vector<16xi32>
      %select_n3A_494 = arith.select %le3A_493, %bitcast3A_81, %gather3A_68 : vector<16xi1>, vector<16xf32>
      %lt3A_495 = arith.cmpf olt, %get3A_490, %select_n3A_494 : vector<16xf32>
      %sub3A_496 = arith.subf %get3A_490, %gather3A_68 : vector<16xf32>
      %exp3A_497 = math.exp %sub3A_496 : vector<16xf32>
      %jit3A_498 = arith.constant 0.000000e+00 : f32
      %broadcast_in_dim3A_499 = vector.broadcast %jit3A_498 : f32 to vector<16xf32>
      %select_n3A_500 = arith.select %lt3A_495, %exp3A_497, %broadcast_in_dim3A_499 : vector<16xi1>, vector<16xf32>
      %add3A_501 = arith.addf %add3A_486, %select_n3A_500 : vector<16xf32>
      %add3A_502 = arith.constant 448 : i32
      %add3A_503 = arith.addi %mul3A_65, %add3A_502 : i32
      %get3A_504 = arith.index_cast %add3A_503 : i32 to index
      %get3A_505 = tpu.vector_load %arg6[%get3A_504] {strides = array<i32>} : memref<16016xf32, #tpu.memory_space<vmem>>, vector<16xf32>,
      %le3A_506 = arith.constant 448 : i32
      %le3A_507 = vector.broadcast %le3A_506 : i32 to vector<16xi32>
      %le3A_508 = arith.cmpi sle, %sub3A_82, %le3A_507 : vector<16xi32>
      %select_n3A_509 = arith.select %le3A_508, %bitcast3A_81, %gather3A_68 : vector<16xi1>, vector<16xf32>
      %lt3A_510 = arith.cmpf olt, %get3A_505, %select_n3A_509 : vector<16xf32>
      %sub3A_511 = arith.subf %get3A_505, %gather3A_68 : vector<16xf32>
      %exp3A_512 = math.exp %sub3A_511 : vector<16xf32>
      %jit3A_513 = arith.constant 0.000000e+00 : f32
      %broadcast_in_dim3A_514 = vector.broadcast %jit3A_513 : f32 to vector<16xf32>
      %select_n3A_515 = arith.select %lt3A_510, %exp3A_512, %broadcast_in_dim3A_514 : vector<16xi1>, vector<16xf32>
      %add3A_516 = arith.addf %add3A_501, %select_n3A_515 : vector<16xf32>
      %add3A_517 = arith.constant 464 : i32
      %add3A_518 = arith.addi %mul3A_65, %add3A_517 : i32
      %get3A_519 = arith.index_cast %add3A_518 : i32 to index
      %get3A_520 = tpu.vector_load %arg6[%get3A_519] {strides = array<i32>} : memref<16016xf32, #tpu.memory_space<vmem>>, vector<16xf32>,
      %le3A_521 = arith.constant 464 : i32
      %le3A_522 = vector.broadcast %le3A_521 : i32 to vector<16xi32>
      %le3A_523 = arith.cmpi sle, %sub3A_82, %le3A_522 : vector<16xi32>
      %select_n3A_524 = arith.select %le3A_523, %bitcast3A_81, %gather3A_68 : vector<16xi1>, vector<16xf32>
      %lt3A_525 = arith.cmpf olt, %get3A_520, %select_n3A_524 : vector<16xf32>
      %sub3A_526 = arith.subf %get3A_520, %gather3A_68 : vector<16xf32>
      %exp3A_527 = math.exp %sub3A_526 : vector<16xf32>
      %jit3A_528 = arith.constant 0.000000e+00 : f32
      %broadcast_in_dim3A_529 = vector.broadcast %jit3A_528 : f32 to vector<16xf32>
      %select_n3A_530 = arith.select %lt3A_525, %exp3A_527, %broadcast_in_dim3A_529 : vector<16xi1>, vector<16xf32>
      %add3A_531 = arith.addf %add3A_516, %select_n3A_530 : vector<16xf32>
      %add3A_532 = arith.constant 480 : i32
      %add3A_533 = arith.addi %mul3A_65, %add3A_532 : i32
      %get3A_534 = arith.index_cast %add3A_533 : i32 to index
      %get3A_535 = tpu.vector_load %arg6[%get3A_534] {strides = array<i32>} : memref<16016xf32, #tpu.memory_space<vmem>>, vector<16xf32>,
      %le3A_536 = arith.constant 480 : i32
      %le3A_537 = vector.broadcast %le3A_536 : i32 to vector<16xi32>
      %le3A_538 = arith.cmpi sle, %sub3A_82, %le3A_537 : vector<16xi32>
      %select_n3A_539 = arith.select %le3A_538, %bitcast3A_81, %gather3A_68 : vector<16xi1>, vector<16xf32>
      %lt3A_540 = arith.cmpf olt, %get3A_535, %select_n3A_539 : vector<16xf32>
      %sub3A_541 = arith.subf %get3A_535, %gather3A_68 : vector<16xf32>
      %exp3A_542 = math.exp %sub3A_541 : vector<16xf32>
      %jit3A_543 = arith.constant 0.000000e+00 : f32
      %broadcast_in_dim3A_544 = vector.broadcast %jit3A_543 : f32 to vector<16xf32>
      %select_n3A_545 = arith.select %lt3A_540, %exp3A_542, %broadcast_in_dim3A_544 : vector<16xi1>, vector<16xf32>
      %add3A_546 = arith.addf %add3A_531, %select_n3A_545 : vector<16xf32>
      %add3A_547 = arith.constant 496 : i32
      %add3A_548 = arith.addi %mul3A_65, %add3A_547 : i32
      %get3A_549 = arith.index_cast %add3A_548 : i32 to index
      %get3A_550 = tpu.vector_load %arg6[%get3A_549] {strides = array<i32>} : memref<16016xf32, #tpu.memory_space<vmem>>, vector<16xf32>,
      %le3A_551 = arith.constant 496 : i32
      %le3A_552 = vector.broadcast %le3A_551 : i32 to vector<16xi32>
      %le3A_553 = arith.cmpi sle, %sub3A_82, %le3A_552 : vector<16xi32>
      %select_n3A_554 = arith.select %le3A_553, %bitcast3A_81, %gather3A_68 : vector<16xi1>, vector<16xf32>
      %lt3A_555 = arith.cmpf olt, %get3A_550, %select_n3A_554 : vector<16xf32>
      %sub3A_556 = arith.subf %get3A_550, %gather3A_68 : vector<16xf32>
      %exp3A_557 = math.exp %sub3A_556 : vector<16xf32>
      %jit3A_558 = arith.constant 0.000000e+00 : f32
      %broadcast_in_dim3A_559 = vector.broadcast %jit3A_558 : f32 to vector<16xf32>
      %select_n3A_560 = arith.select %lt3A_555, %exp3A_557, %broadcast_in_dim3A_559 : vector<16xi1>, vector<16xf32>
      %add3A_561 = arith.addf %add3A_546, %select_n3A_560 : vector<16xf32>
      %add3A_562 = arith.constant 512 : i32
      %add3A_563 = arith.addi %mul3A_65, %add3A_562 : i32
      %get3A_564 = arith.index_cast %add3A_563 : i32 to index
      %get3A_565 = tpu.vector_load %arg6[%get3A_564] {strides = array<i32>} : memref<16016xf32, #tpu.memory_space<vmem>>, vector<16xf32>,
      %le3A_566 = arith.constant 512 : i32
      %le3A_567 = vector.broadcast %le3A_566 : i32 to vector<16xi32>
      %le3A_568 = arith.cmpi sle, %sub3A_82, %le3A_567 : vector<16xi32>
      %select_n3A_569 = arith.select %le3A_568, %bitcast3A_81, %gather3A_68 : vector<16xi1>, vector<16xf32>
      %lt3A_570 = arith.cmpf olt, %get3A_565, %select_n3A_569 : vector<16xf32>
      %sub3A_571 = arith.subf %get3A_565, %gather3A_68 : vector<16xf32>
      %exp3A_572 = math.exp %sub3A_571 : vector<16xf32>
      %jit3A_573 = arith.constant 0.000000e+00 : f32
      %broadcast_in_dim3A_574 = vector.broadcast %jit3A_573 : f32 to vector<16xf32>
      %select_n3A_575 = arith.select %lt3A_570, %exp3A_572, %broadcast_in_dim3A_574 : vector<16xi1>, vector<16xf32>
      %add3A_576 = arith.addf %add3A_561, %select_n3A_575 : vector<16xf32>
      %add3A_577 = arith.constant 528 : i32
      %add3A_578 = arith.addi %mul3A_65, %add3A_577 : i32
      %get3A_579 = arith.index_cast %add3A_578 : i32 to index
      %get3A_580 = tpu.vector_load %arg6[%get3A_579] {strides = array<i32>} : memref<16016xf32, #tpu.memory_space<vmem>>, vector<16xf32>,
      %le3A_581 = arith.constant 528 : i32
      %le3A_582 = vector.broadcast %le3A_581 : i32 to vector<16xi32>
      %le3A_583 = arith.cmpi sle, %sub3A_82, %le3A_582 : vector<16xi32>
      %select_n3A_584 = arith.select %le3A_583, %bitcast3A_81, %gather3A_68 : vector<16xi1>, vector<16xf32>
      %lt3A_585 = arith.cmpf olt, %get3A_580, %select_n3A_584 : vector<16xf32>
      %sub3A_586 = arith.subf %get3A_580, %gather3A_68 : vector<16xf32>
      %exp3A_587 = math.exp %sub3A_586 : vector<16xf32>
      %jit3A_588 = arith.constant 0.000000e+00 : f32
      %broadcast_in_dim3A_589 = vector.broadcast %jit3A_588 : f32 to vector<16xf32>
      %select_n3A_590 = arith.select %lt3A_585, %exp3A_587, %broadcast_in_dim3A_589 : vector<16xi1>, vector<16xf32>
      %add3A_591 = arith.addf %add3A_576, %select_n3A_590 : vector<16xf32>
      %add3A_592 = arith.constant 544 : i32
      %add3A_593 = arith.addi %mul3A_65, %add3A_592 : i32
      %get3A_594 = arith.index_cast %add3A_593 : i32 to index
      %get3A_595 = tpu.vector_load %arg6[%get3A_594] {strides = array<i32>} : memref<16016xf32, #tpu.memory_space<vmem>>, vector<16xf32>,
      %le3A_596 = arith.constant 544 : i32
      %le3A_597 = vector.broadcast %le3A_596 : i32 to vector<16xi32>
      %le3A_598 = arith.cmpi sle, %sub3A_82, %le3A_597 : vector<16xi32>
      %select_n3A_599 = arith.select %le3A_598, %bitcast3A_81, %gather3A_68 : vector<16xi1>, vector<16xf32>
      %lt3A_600 = arith.cmpf olt, %get3A_595, %select_n3A_599 : vector<16xf32>
      %sub3A_601 = arith.subf %get3A_595, %gather3A_68 : vector<16xf32>
      %exp3A_602 = math.exp %sub3A_601 : vector<16xf32>
      %jit3A_603 = arith.constant 0.000000e+00 : f32
      %broadcast_in_dim3A_604 = vector.broadcast %jit3A_603 : f32 to vector<16xf32>
      %select_n3A_605 = arith.select %lt3A_600, %exp3A_602, %broadcast_in_dim3A_604 : vector<16xi1>, vector<16xf32>
      %add3A_606 = arith.addf %add3A_591, %select_n3A_605 : vector<16xf32>
      %add3A_607 = arith.constant 560 : i32
      %add3A_608 = arith.addi %mul3A_65, %add3A_607 : i32
      %get3A_609 = arith.index_cast %add3A_608 : i32 to index
      %get3A_610 = tpu.vector_load %arg6[%get3A_609] {strides = array<i32>} : memref<16016xf32, #tpu.memory_space<vmem>>, vector<16xf32>,
      %le3A_611 = arith.constant 560 : i32
      %le3A_612 = vector.broadcast %le3A_611 : i32 to vector<16xi32>
      %le3A_613 = arith.cmpi sle, %sub3A_82, %le3A_612 : vector<16xi32>
      %select_n3A_614 = arith.select %le3A_613, %bitcast3A_81, %gather3A_68 : vector<16xi1>, vector<16xf32>
      %lt3A_615 = arith.cmpf olt, %get3A_610, %select_n3A_614 : vector<16xf32>
      %sub3A_616 = arith.subf %get3A_610, %gather3A_68 : vector<16xf32>
      %exp3A_617 = math.exp %sub3A_616 : vector<16xf32>
      %jit3A_618 = arith.constant 0.000000e+00 : f32
      %broadcast_in_dim3A_619 = vector.broadcast %jit3A_618 : f32 to vector<16xf32>
      %select_n3A_620 = arith.select %lt3A_615, %exp3A_617, %broadcast_in_dim3A_619 : vector<16xi1>, vector<16xf32>
      %add3A_621 = arith.addf %add3A_606, %select_n3A_620 : vector<16xf32>
      %add3A_622 = arith.constant 576 : i32
      %add3A_623 = arith.addi %mul3A_65, %add3A_622 : i32
      %get3A_624 = arith.index_cast %add3A_623 : i32 to index
      %get3A_625 = tpu.vector_load %arg6[%get3A_624] {strides = array<i32>} : memref<16016xf32, #tpu.memory_space<vmem>>, vector<16xf32>,
      %le3A_626 = arith.constant 576 : i32
      %le3A_627 = vector.broadcast %le3A_626 : i32 to vector<16xi32>
      %le3A_628 = arith.cmpi sle, %sub3A_82, %le3A_627 : vector<16xi32>
      %select_n3A_629 = arith.select %le3A_628, %bitcast3A_81, %gather3A_68 : vector<16xi1>, vector<16xf32>
      %lt3A_630 = arith.cmpf olt, %get3A_625, %select_n3A_629 : vector<16xf32>
      %sub3A_631 = arith.subf %get3A_625, %gather3A_68 : vector<16xf32>
      %exp3A_632 = math.exp %sub3A_631 : vector<16xf32>
      %jit3A_633 = arith.constant 0.000000e+00 : f32
      %broadcast_in_dim3A_634 = vector.broadcast %jit3A_633 : f32 to vector<16xf32>
      %select_n3A_635 = arith.select %lt3A_630, %exp3A_632, %broadcast_in_dim3A_634 : vector<16xi1>, vector<16xf32>
      %add3A_636 = arith.addf %add3A_621, %select_n3A_635 : vector<16xf32>
      %add3A_637 = arith.constant 592 : i32
      %add3A_638 = arith.addi %mul3A_65, %add3A_637 : i32
      %get3A_639 = arith.index_cast %add3A_638 : i32 to index
      %get3A_640 = tpu.vector_load %arg6[%get3A_639] {strides = array<i32>} : memref<16016xf32, #tpu.memory_space<vmem>>, vector<16xf32>,
      %le3A_641 = arith.constant 592 : i32
      %le3A_642 = vector.broadcast %le3A_641 : i32 to vector<16xi32>
      %le3A_643 = arith.cmpi sle, %sub3A_82, %le3A_642 : vector<16xi32>
      %select_n3A_644 = arith.select %le3A_643, %bitcast3A_81, %gather3A_68 : vector<16xi1>, vector<16xf32>
      %lt3A_645 = arith.cmpf olt, %get3A_640, %select_n3A_644 : vector<16xf32>
      %sub3A_646 = arith.subf %get3A_640, %gather3A_68 : vector<16xf32>
      %exp3A_647 = math.exp %sub3A_646 : vector<16xf32>
      %jit3A_648 = arith.constant 0.000000e+00 : f32
      %broadcast_in_dim3A_649 = vector.broadcast %jit3A_648 : f32 to vector<16xf32>
      %select_n3A_650 = arith.select %lt3A_645, %exp3A_647, %broadcast_in_dim3A_649 : vector<16xi1>, vector<16xf32>
      %add3A_651 = arith.addf %add3A_636, %select_n3A_650 : vector<16xf32>
      %add3A_652 = arith.constant 608 : i32
      %add3A_653 = arith.addi %mul3A_65, %add3A_652 : i32
      %get3A_654 = arith.index_cast %add3A_653 : i32 to index
      %get3A_655 = tpu.vector_load %arg6[%get3A_654] {strides = array<i32>} : memref<16016xf32, #tpu.memory_space<vmem>>, vector<16xf32>,
      %le3A_656 = arith.constant 608 : i32
      %le3A_657 = vector.broadcast %le3A_656 : i32 to vector<16xi32>
      %le3A_658 = arith.cmpi sle, %sub3A_82, %le3A_657 : vector<16xi32>
      %select_n3A_659 = arith.select %le3A_658, %bitcast3A_81, %gather3A_68 : vector<16xi1>, vector<16xf32>
      %lt3A_660 = arith.cmpf olt, %get3A_655, %select_n3A_659 : vector<16xf32>
      %sub3A_661 = arith.subf %get3A_655, %gather3A_68 : vector<16xf32>
      %exp3A_662 = math.exp %sub3A_661 : vector<16xf32>
      %jit3A_663 = arith.constant 0.000000e+00 : f32
      %broadcast_in_dim3A_664 = vector.broadcast %jit3A_663 : f32 to vector<16xf32>
      %select_n3A_665 = arith.select %lt3A_660, %exp3A_662, %broadcast_in_dim3A_664 : vector<16xi1>, vector<16xf32>
      %add3A_666 = arith.addf %add3A_651, %select_n3A_665 : vector<16xf32>
      %add3A_667 = arith.constant 624 : i32
      %add3A_668 = arith.addi %mul3A_65, %add3A_667 : i32
      %get3A_669 = arith.index_cast %add3A_668 : i32 to index
      %get3A_670 = tpu.vector_load %arg6[%get3A_669] {strides = array<i32>} : memref<16016xf32, #tpu.memory_space<vmem>>, vector<16xf32>,
      %le3A_671 = arith.constant 624 : i32
      %le3A_672 = vector.broadcast %le3A_671 : i32 to vector<16xi32>
      %le3A_673 = arith.cmpi sle, %sub3A_82, %le3A_672 : vector<16xi32>
      %select_n3A_674 = arith.select %le3A_673, %bitcast3A_81, %gather3A_68 : vector<16xi1>, vector<16xf32>
      %lt3A_675 = arith.cmpf olt, %get3A_670, %select_n3A_674 : vector<16xf32>
      %sub3A_676 = arith.subf %get3A_670, %gather3A_68 : vector<16xf32>
      %exp3A_677 = math.exp %sub3A_676 : vector<16xf32>
      %jit3A_678 = arith.constant 0.000000e+00 : f32
      %broadcast_in_dim3A_679 = vector.broadcast %jit3A_678 : f32 to vector<16xf32>
      %select_n3A_680 = arith.select %lt3A_675, %exp3A_677, %broadcast_in_dim3A_679 : vector<16xi1>, vector<16xf32>
      %add3A_681 = arith.addf %add3A_666, %select_n3A_680 : vector<16xf32>
      %add3A_682 = arith.constant 640 : i32
      %add3A_683 = arith.addi %mul3A_65, %add3A_682 : i32
      %get3A_684 = arith.index_cast %add3A_683 : i32 to index
      %get3A_685 = tpu.vector_load %arg6[%get3A_684] {strides = array<i32>} : memref<16016xf32, #tpu.memory_space<vmem>>, vector<16xf32>,
      %le3A_686 = arith.constant 640 : i32
      %le3A_687 = vector.broadcast %le3A_686 : i32 to vector<16xi32>
      %le3A_688 = arith.cmpi sle, %sub3A_82, %le3A_687 : vector<16xi32>
      %select_n3A_689 = arith.select %le3A_688, %bitcast3A_81, %gather3A_68 : vector<16xi1>, vector<16xf32>
      %lt3A_690 = arith.cmpf olt, %get3A_685, %select_n3A_689 : vector<16xf32>
      %sub3A_691 = arith.subf %get3A_685, %gather3A_68 : vector<16xf32>
      %exp3A_692 = math.exp %sub3A_691 : vector<16xf32>
      %jit3A_693 = arith.constant 0.000000e+00 : f32
      %broadcast_in_dim3A_694 = vector.broadcast %jit3A_693 : f32 to vector<16xf32>
      %select_n3A_695 = arith.select %lt3A_690, %exp3A_692, %broadcast_in_dim3A_694 : vector<16xi1>, vector<16xf32>
      %add3A_696 = arith.addf %add3A_681, %select_n3A_695 : vector<16xf32>
      %add3A_697 = arith.constant 656 : i32
      %add3A_698 = arith.addi %mul3A_65, %add3A_697 : i32
      %get3A_699 = arith.index_cast %add3A_698 : i32 to index
      %get3A_700 = tpu.vector_load %arg6[%get3A_699] {strides = array<i32>} : memref<16016xf32, #tpu.memory_space<vmem>>, vector<16xf32>,
      %le3A_701 = arith.constant 656 : i32
      %le3A_702 = vector.broadcast %le3A_701 : i32 to vector<16xi32>
      %le3A_703 = arith.cmpi sle, %sub3A_82, %le3A_702 : vector<16xi32>
      %select_n3A_704 = arith.select %le3A_703, %bitcast3A_81, %gather3A_68 : vector<16xi1>, vector<16xf32>
      %lt3A_705 = arith.cmpf olt, %get3A_700, %select_n3A_704 : vector<16xf32>
      %sub3A_706 = arith.subf %get3A_700, %gather3A_68 : vector<16xf32>
      %exp3A_707 = math.exp %sub3A_706 : vector<16xf32>
      %jit3A_708 = arith.constant 0.000000e+00 : f32
      %broadcast_in_dim3A_709 = vector.broadcast %jit3A_708 : f32 to vector<16xf32>
      %select_n3A_710 = arith.select %lt3A_705, %exp3A_707, %broadcast_in_dim3A_709 : vector<16xi1>, vector<16xf32>
      %add3A_711 = arith.addf %add3A_696, %select_n3A_710 : vector<16xf32>
      %add3A_712 = arith.constant 672 : i32
      %add3A_713 = arith.addi %mul3A_65, %add3A_712 : i32
      %get3A_714 = arith.index_cast %add3A_713 : i32 to index
      %get3A_715 = tpu.vector_load %arg6[%get3A_714] {strides = array<i32>} : memref<16016xf32, #tpu.memory_space<vmem>>, vector<16xf32>,
      %le3A_716 = arith.constant 672 : i32
      %le3A_717 = vector.broadcast %le3A_716 : i32 to vector<16xi32>
      %le3A_718 = arith.cmpi sle, %sub3A_82, %le3A_717 : vector<16xi32>
      %select_n3A_719 = arith.select %le3A_718, %bitcast3A_81, %gather3A_68 : vector<16xi1>, vector<16xf32>
      %lt3A_720 = arith.cmpf olt, %get3A_715, %select_n3A_719 : vector<16xf32>
      %sub3A_721 = arith.subf %get3A_715, %gather3A_68 : vector<16xf32>
      %exp3A_722 = math.exp %sub3A_721 : vector<16xf32>
      %jit3A_723 = arith.constant 0.000000e+00 : f32
      %broadcast_in_dim3A_724 = vector.broadcast %jit3A_723 : f32 to vector<16xf32>
      %select_n3A_725 = arith.select %lt3A_720, %exp3A_722, %broadcast_in_dim3A_724 : vector<16xi1>, vector<16xf32>
      %add3A_726 = arith.addf %add3A_711, %select_n3A_725 : vector<16xf32>
      %add3A_727 = arith.constant 688 : i32
      %add3A_728 = arith.addi %mul3A_65, %add3A_727 : i32
      %get3A_729 = arith.index_cast %add3A_728 : i32 to index
      %get3A_730 = tpu.vector_load %arg6[%get3A_729] {strides = array<i32>} : memref<16016xf32, #tpu.memory_space<vmem>>, vector<16xf32>,
      %le3A_731 = arith.constant 688 : i32
      %le3A_732 = vector.broadcast %le3A_731 : i32 to vector<16xi32>
      %le3A_733 = arith.cmpi sle, %sub3A_82, %le3A_732 : vector<16xi32>
      %select_n3A_734 = arith.select %le3A_733, %bitcast3A_81, %gather3A_68 : vector<16xi1>, vector<16xf32>
      %lt3A_735 = arith.cmpf olt, %get3A_730, %select_n3A_734 : vector<16xf32>
      %sub3A_736 = arith.subf %get3A_730, %gather3A_68 : vector<16xf32>
      %exp3A_737 = math.exp %sub3A_736 : vector<16xf32>
      %jit3A_738 = arith.constant 0.000000e+00 : f32
      %broadcast_in_dim3A_739 = vector.broadcast %jit3A_738 : f32 to vector<16xf32>
      %select_n3A_740 = arith.select %lt3A_735, %exp3A_737, %broadcast_in_dim3A_739 : vector<16xi1>, vector<16xf32>
      %add3A_741 = arith.addf %add3A_726, %select_n3A_740 : vector<16xf32>
      %add3A_742 = arith.constant 704 : i32
      %add3A_743 = arith.addi %mul3A_65, %add3A_742 : i32
      %get3A_744 = arith.index_cast %add3A_743 : i32 to index
      %get3A_745 = tpu.vector_load %arg6[%get3A_744] {strides = array<i32>} : memref<16016xf32, #tpu.memory_space<vmem>>, vector<16xf32>,
      %le3A_746 = arith.constant 704 : i32
      %le3A_747 = vector.broadcast %le3A_746 : i32 to vector<16xi32>
      %le3A_748 = arith.cmpi sle, %sub3A_82, %le3A_747 : vector<16xi32>
      %select_n3A_749 = arith.select %le3A_748, %bitcast3A_81, %gather3A_68 : vector<16xi1>, vector<16xf32>
      %lt3A_750 = arith.cmpf olt, %get3A_745, %select_n3A_749 : vector<16xf32>
      %sub3A_751 = arith.subf %get3A_745, %gather3A_68 : vector<16xf32>
      %exp3A_752 = math.exp %sub3A_751 : vector<16xf32>
      %jit3A_753 = arith.constant 0.000000e+00 : f32
      %broadcast_in_dim3A_754 = vector.broadcast %jit3A_753 : f32 to vector<16xf32>
      %select_n3A_755 = arith.select %lt3A_750, %exp3A_752, %broadcast_in_dim3A_754 : vector<16xi1>, vector<16xf32>
      %add3A_756 = arith.addf %add3A_741, %select_n3A_755 : vector<16xf32>
      %add3A_757 = arith.constant 720 : i32
      %add3A_758 = arith.addi %mul3A_65, %add3A_757 : i32
      %get3A_759 = arith.index_cast %add3A_758 : i32 to index
      %get3A_760 = tpu.vector_load %arg6[%get3A_759] {strides = array<i32>} : memref<16016xf32, #tpu.memory_space<vmem>>, vector<16xf32>,
      %le3A_761 = arith.constant 720 : i32
      %le3A_762 = vector.broadcast %le3A_761 : i32 to vector<16xi32>
      %le3A_763 = arith.cmpi sle, %sub3A_82, %le3A_762 : vector<16xi32>
      %select_n3A_764 = arith.select %le3A_763, %bitcast3A_81, %gather3A_68 : vector<16xi1>, vector<16xf32>
      %lt3A_765 = arith.cmpf olt, %get3A_760, %select_n3A_764 : vector<16xf32>
      %sub3A_766 = arith.subf %get3A_760, %gather3A_68 : vector<16xf32>
      %exp3A_767 = math.exp %sub3A_766 : vector<16xf32>
      %jit3A_768 = arith.constant 0.000000e+00 : f32
      %broadcast_in_dim3A_769 = vector.broadcast %jit3A_768 : f32 to vector<16xf32>
      %select_n3A_770 = arith.select %lt3A_765, %exp3A_767, %broadcast_in_dim3A_769 : vector<16xi1>, vector<16xf32>
      %add3A_771 = arith.addf %add3A_756, %select_n3A_770 : vector<16xf32>
      %add3A_772 = arith.constant 736 : i32
      %add3A_773 = arith.addi %mul3A_65, %add3A_772 : i32
      %get3A_774 = arith.index_cast %add3A_773 : i32 to index
      %get3A_775 = tpu.vector_load %arg6[%get3A_774] {strides = array<i32>} : memref<16016xf32, #tpu.memory_space<vmem>>, vector<16xf32>,
      %le3A_776 = arith.constant 736 : i32
      %le3A_777 = vector.broadcast %le3A_776 : i32 to vector<16xi32>
      %le3A_778 = arith.cmpi sle, %sub3A_82, %le3A_777 : vector<16xi32>
      %select_n3A_779 = arith.select %le3A_778, %bitcast3A_81, %gather3A_68 : vector<16xi1>, vector<16xf32>
      %lt3A_780 = arith.cmpf olt, %get3A_775, %select_n3A_779 : vector<16xf32>
      %sub3A_781 = arith.subf %get3A_775, %gather3A_68 : vector<16xf32>
      %exp3A_782 = math.exp %sub3A_781 : vector<16xf32>
      %jit3A_783 = arith.constant 0.000000e+00 : f32
      %broadcast_in_dim3A_784 = vector.broadcast %jit3A_783 : f32 to vector<16xf32>
      %select_n3A_785 = arith.select %lt3A_780, %exp3A_782, %broadcast_in_dim3A_784 : vector<16xi1>, vector<16xf32>
      %add3A_786 = arith.addf %add3A_771, %select_n3A_785 : vector<16xf32>
      %add3A_787 = arith.constant 752 : i32
      %add3A_788 = arith.addi %mul3A_65, %add3A_787 : i32
      %get3A_789 = arith.index_cast %add3A_788 : i32 to index
      %get3A_790 = tpu.vector_load %arg6[%get3A_789] {strides = array<i32>} : memref<16016xf32, #tpu.memory_space<vmem>>, vector<16xf32>,
      %le3A_791 = arith.constant 752 : i32
      %le3A_792 = vector.broadcast %le3A_791 : i32 to vector<16xi32>
      %le3A_793 = arith.cmpi sle, %sub3A_82, %le3A_792 : vector<16xi32>
      %select_n3A_794 = arith.select %le3A_793, %bitcast3A_81, %gather3A_68 : vector<16xi1>, vector<16xf32>
      %lt3A_795 = arith.cmpf olt, %get3A_790, %select_n3A_794 : vector<16xf32>
      %sub3A_796 = arith.subf %get3A_790, %gather3A_68 : vector<16xf32>
      %exp3A_797 = math.exp %sub3A_796 : vector<16xf32>
      %jit3A_798 = arith.constant 0.000000e+00 : f32
      %broadcast_in_dim3A_799 = vector.broadcast %jit3A_798 : f32 to vector<16xf32>
      %select_n3A_800 = arith.select %lt3A_795, %exp3A_797, %broadcast_in_dim3A_799 : vector<16xi1>, vector<16xf32>
      %add3A_801 = arith.addf %add3A_786, %select_n3A_800 : vector<16xf32>
      %add3A_802 = arith.constant 768 : i32
      %add3A_803 = arith.addi %mul3A_65, %add3A_802 : i32
      %get3A_804 = arith.index_cast %add3A_803 : i32 to index
      %get3A_805 = tpu.vector_load %arg6[%get3A_804] {strides = array<i32>} : memref<16016xf32, #tpu.memory_space<vmem>>, vector<16xf32>,
      %le3A_806 = arith.constant 768 : i32
      %le3A_807 = vector.broadcast %le3A_806 : i32 to vector<16xi32>
      %le3A_808 = arith.cmpi sle, %sub3A_82, %le3A_807 : vector<16xi32>
      %select_n3A_809 = arith.select %le3A_808, %bitcast3A_81, %gather3A_68 : vector<16xi1>, vector<16xf32>
      %lt3A_810 = arith.cmpf olt, %get3A_805, %select_n3A_809 : vector<16xf32>
      %sub3A_811 = arith.subf %get3A_805, %gather3A_68 : vector<16xf32>
      %exp3A_812 = math.exp %sub3A_811 : vector<16xf32>
      %jit3A_813 = arith.constant 0.000000e+00 : f32
      %broadcast_in_dim3A_814 = vector.broadcast %jit3A_813 : f32 to vector<16xf32>
      %select_n3A_815 = arith.select %lt3A_810, %exp3A_812, %broadcast_in_dim3A_814 : vector<16xi1>, vector<16xf32>
      %add3A_816 = arith.addf %add3A_801, %select_n3A_815 : vector<16xf32>
      %add3A_817 = arith.constant 784 : i32
      %add3A_818 = arith.addi %mul3A_65, %add3A_817 : i32
      %get3A_819 = arith.index_cast %add3A_818 : i32 to index
      %get3A_820 = tpu.vector_load %arg6[%get3A_819] {strides = array<i32>} : memref<16016xf32, #tpu.memory_space<vmem>>, vector<16xf32>,
      %le3A_821 = arith.constant 784 : i32
      %le3A_822 = vector.broadcast %le3A_821 : i32 to vector<16xi32>
      %le3A_823 = arith.cmpi sle, %sub3A_82, %le3A_822 : vector<16xi32>
      %select_n3A_824 = arith.select %le3A_823, %bitcast3A_81, %gather3A_68 : vector<16xi1>, vector<16xf32>
      %lt3A_825 = arith.cmpf olt, %get3A_820, %select_n3A_824 : vector<16xf32>
      %sub3A_826 = arith.subf %get3A_820, %gather3A_68 : vector<16xf32>
      %exp3A_827 = math.exp %sub3A_826 : vector<16xf32>
      %jit3A_828 = arith.constant 0.000000e+00 : f32
      %broadcast_in_dim3A_829 = vector.broadcast %jit3A_828 : f32 to vector<16xf32>
      %select_n3A_830 = arith.select %lt3A_825, %exp3A_827, %broadcast_in_dim3A_829 : vector<16xi1>, vector<16xf32>
      %add3A_831 = arith.addf %add3A_816, %select_n3A_830 : vector<16xf32>
      %add3A_832 = arith.constant 800 : i32
      %add3A_833 = arith.addi %mul3A_65, %add3A_832 : i32
      %get3A_834 = arith.index_cast %add3A_833 : i32 to index
      %get3A_835 = tpu.vector_load %arg6[%get3A_834] {strides = array<i32>} : memref<16016xf32, #tpu.memory_space<vmem>>, vector<16xf32>,
      %le3A_836 = arith.constant 800 : i32
      %le3A_837 = vector.broadcast %le3A_836 : i32 to vector<16xi32>
      %le3A_838 = arith.cmpi sle, %sub3A_82, %le3A_837 : vector<16xi32>
      %select_n3A_839 = arith.select %le3A_838, %bitcast3A_81, %gather3A_68 : vector<16xi1>, vector<16xf32>
      %lt3A_840 = arith.cmpf olt, %get3A_835, %select_n3A_839 : vector<16xf32>
      %sub3A_841 = arith.subf %get3A_835, %gather3A_68 : vector<16xf32>
      %exp3A_842 = math.exp %sub3A_841 : vector<16xf32>
      %jit3A_843 = arith.constant 0.000000e+00 : f32
      %broadcast_in_dim3A_844 = vector.broadcast %jit3A_843 : f32 to vector<16xf32>
      %select_n3A_845 = arith.select %lt3A_840, %exp3A_842, %broadcast_in_dim3A_844 : vector<16xi1>, vector<16xf32>
      %add3A_846 = arith.addf %add3A_831, %select_n3A_845 : vector<16xf32>
      %add3A_847 = arith.constant 816 : i32
      %add3A_848 = arith.addi %mul3A_65, %add3A_847 : i32
      %get3A_849 = arith.index_cast %add3A_848 : i32 to index
      %get3A_850 = tpu.vector_load %arg6[%get3A_849] {strides = array<i32>} : memref<16016xf32, #tpu.memory_space<vmem>>, vector<16xf32>,
      %le3A_851 = arith.constant 816 : i32
      %le3A_852 = vector.broadcast %le3A_851 : i32 to vector<16xi32>
      %le3A_853 = arith.cmpi sle, %sub3A_82, %le3A_852 : vector<16xi32>
      %select_n3A_854 = arith.select %le3A_853, %bitcast3A_81, %gather3A_68 : vector<16xi1>, vector<16xf32>
      %lt3A_855 = arith.cmpf olt, %get3A_850, %select_n3A_854 : vector<16xf32>
      %sub3A_856 = arith.subf %get3A_850, %gather3A_68 : vector<16xf32>
      %exp3A_857 = math.exp %sub3A_856 : vector<16xf32>
      %jit3A_858 = arith.constant 0.000000e+00 : f32
      %broadcast_in_dim3A_859 = vector.broadcast %jit3A_858 : f32 to vector<16xf32>
      %select_n3A_860 = arith.select %lt3A_855, %exp3A_857, %broadcast_in_dim3A_859 : vector<16xi1>, vector<16xf32>
      %add3A_861 = arith.addf %add3A_846, %select_n3A_860 : vector<16xf32>
      %add3A_862 = arith.constant 832 : i32
      %add3A_863 = arith.addi %mul3A_65, %add3A_862 : i32
      %get3A_864 = arith.index_cast %add3A_863 : i32 to index
      %get3A_865 = tpu.vector_load %arg6[%get3A_864] {strides = array<i32>} : memref<16016xf32, #tpu.memory_space<vmem>>, vector<16xf32>,
      %le3A_866 = arith.constant 832 : i32
      %le3A_867 = vector.broadcast %le3A_866 : i32 to vector<16xi32>
      %le3A_868 = arith.cmpi sle, %sub3A_82, %le3A_867 : vector<16xi32>
      %select_n3A_869 = arith.select %le3A_868, %bitcast3A_81, %gather3A_68 : vector<16xi1>, vector<16xf32>
      %lt3A_870 = arith.cmpf olt, %get3A_865, %select_n3A_869 : vector<16xf32>
      %sub3A_871 = arith.subf %get3A_865, %gather3A_68 : vector<16xf32>
      %exp3A_872 = math.exp %sub3A_871 : vector<16xf32>
      %jit3A_873 = arith.constant 0.000000e+00 : f32
      %broadcast_in_dim3A_874 = vector.broadcast %jit3A_873 : f32 to vector<16xf32>
      %select_n3A_875 = arith.select %lt3A_870, %exp3A_872, %broadcast_in_dim3A_874 : vector<16xi1>, vector<16xf32>
      %add3A_876 = arith.addf %add3A_861, %select_n3A_875 : vector<16xf32>
      %add3A_877 = arith.constant 848 : i32
      %add3A_878 = arith.addi %mul3A_65, %add3A_877 : i32
      %get3A_879 = arith.index_cast %add3A_878 : i32 to index
      %get3A_880 = tpu.vector_load %arg6[%get3A_879] {strides = array<i32>} : memref<16016xf32, #tpu.memory_space<vmem>>, vector<16xf32>,
      %le3A_881 = arith.constant 848 : i32
      %le3A_882 = vector.broadcast %le3A_881 : i32 to vector<16xi32>
      %le3A_883 = arith.cmpi sle, %sub3A_82, %le3A_882 : vector<16xi32>
      %select_n3A_884 = arith.select %le3A_883, %bitcast3A_81, %gather3A_68 : vector<16xi1>, vector<16xf32>
      %lt3A_885 = arith.cmpf olt, %get3A_880, %select_n3A_884 : vector<16xf32>
      %sub3A_886 = arith.subf %get3A_880, %gather3A_68 : vector<16xf32>
      %exp3A_887 = math.exp %sub3A_886 : vector<16xf32>
      %jit3A_888 = arith.constant 0.000000e+00 : f32
      %broadcast_in_dim3A_889 = vector.broadcast %jit3A_888 : f32 to vector<16xf32>
      %select_n3A_890 = arith.select %lt3A_885, %exp3A_887, %broadcast_in_dim3A_889 : vector<16xi1>, vector<16xf32>
      %add3A_891 = arith.addf %add3A_876, %select_n3A_890 : vector<16xf32>
      %add3A_892 = arith.constant 864 : i32
      %add3A_893 = arith.addi %mul3A_65, %add3A_892 : i32
      %get3A_894 = arith.index_cast %add3A_893 : i32 to index
      %get3A_895 = tpu.vector_load %arg6[%get3A_894] {strides = array<i32>} : memref<16016xf32, #tpu.memory_space<vmem>>, vector<16xf32>,
      %le3A_896 = arith.constant 864 : i32
      %le3A_897 = vector.broadcast %le3A_896 : i32 to vector<16xi32>
      %le3A_898 = arith.cmpi sle, %sub3A_82, %le3A_897 : vector<16xi32>
      %select_n3A_899 = arith.select %le3A_898, %bitcast3A_81, %gather3A_68 : vector<16xi1>, vector<16xf32>
      %lt3A_900 = arith.cmpf olt, %get3A_895, %select_n3A_899 : vector<16xf32>
      %sub3A_901 = arith.subf %get3A_895, %gather3A_68 : vector<16xf32>
      %exp3A_902 = math.exp %sub3A_901 : vector<16xf32>
      %jit3A_903 = arith.constant 0.000000e+00 : f32
      %broadcast_in_dim3A_904 = vector.broadcast %jit3A_903 : f32 to vector<16xf32>
      %select_n3A_905 = arith.select %lt3A_900, %exp3A_902, %broadcast_in_dim3A_904 : vector<16xi1>, vector<16xf32>
      %add3A_906 = arith.addf %add3A_891, %select_n3A_905 : vector<16xf32>
      %add3A_907 = arith.constant 880 : i32
      %add3A_908 = arith.addi %mul3A_65, %add3A_907 : i32
      %get3A_909 = arith.index_cast %add3A_908 : i32 to index
      %get3A_910 = tpu.vector_load %arg6[%get3A_909] {strides = array<i32>} : memref<16016xf32, #tpu.memory_space<vmem>>, vector<16xf32>,
      %le3A_911 = arith.constant 880 : i32
      %le3A_912 = vector.broadcast %le3A_911 : i32 to vector<16xi32>
      %le3A_913 = arith.cmpi sle, %sub3A_82, %le3A_912 : vector<16xi32>
      %select_n3A_914 = arith.select %le3A_913, %bitcast3A_81, %gather3A_68 : vector<16xi1>, vector<16xf32>
      %lt3A_915 = arith.cmpf olt, %get3A_910, %select_n3A_914 : vector<16xf32>
      %sub3A_916 = arith.subf %get3A_910, %gather3A_68 : vector<16xf32>
      %exp3A_917 = math.exp %sub3A_916 : vector<16xf32>
      %jit3A_918 = arith.constant 0.000000e+00 : f32
      %broadcast_in_dim3A_919 = vector.broadcast %jit3A_918 : f32 to vector<16xf32>
      %select_n3A_920 = arith.select %lt3A_915, %exp3A_917, %broadcast_in_dim3A_919 : vector<16xi1>, vector<16xf32>
      %add3A_921 = arith.addf %add3A_906, %select_n3A_920 : vector<16xf32>
      %add3A_922 = arith.constant 896 : i32
      %add3A_923 = arith.addi %mul3A_65, %add3A_922 : i32
      %get3A_924 = arith.index_cast %add3A_923 : i32 to index
      %get3A_925 = tpu.vector_load %arg6[%get3A_924] {strides = array<i32>} : memref<16016xf32, #tpu.memory_space<vmem>>, vector<16xf32>,
      %le3A_926 = arith.constant 896 : i32
      %le3A_927 = vector.broadcast %le3A_926 : i32 to vector<16xi32>
      %le3A_928 = arith.cmpi sle, %sub3A_82, %le3A_927 : vector<16xi32>
      %select_n3A_929 = arith.select %le3A_928, %bitcast3A_81, %gather3A_68 : vector<16xi1>, vector<16xf32>
      %lt3A_930 = arith.cmpf olt, %get3A_925, %select_n3A_929 : vector<16xf32>
      %sub3A_931 = arith.subf %get3A_925, %gather3A_68 : vector<16xf32>
      %exp3A_932 = math.exp %sub3A_931 : vector<16xf32>
      %jit3A_933 = arith.constant 0.000000e+00 : f32
      %broadcast_in_dim3A_934 = vector.broadcast %jit3A_933 : f32 to vector<16xf32>
      %select_n3A_935 = arith.select %lt3A_930, %exp3A_932, %broadcast_in_dim3A_934 : vector<16xi1>, vector<16xf32>
      %add3A_936 = arith.addf %add3A_921, %select_n3A_935 : vector<16xf32>
      %add3A_937 = arith.constant 912 : i32
      %add3A_938 = arith.addi %mul3A_65, %add3A_937 : i32
      %get3A_939 = arith.index_cast %add3A_938 : i32 to index
      %get3A_940 = tpu.vector_load %arg6[%get3A_939] {strides = array<i32>} : memref<16016xf32, #tpu.memory_space<vmem>>, vector<16xf32>,
      %le3A_941 = arith.constant 912 : i32
      %le3A_942 = vector.broadcast %le3A_941 : i32 to vector<16xi32>
      %le3A_943 = arith.cmpi sle, %sub3A_82, %le3A_942 : vector<16xi32>
      %select_n3A_944 = arith.select %le3A_943, %bitcast3A_81, %gather3A_68 : vector<16xi1>, vector<16xf32>
      %lt3A_945 = arith.cmpf olt, %get3A_940, %select_n3A_944 : vector<16xf32>
      %sub3A_946 = arith.subf %get3A_940, %gather3A_68 : vector<16xf32>
      %exp3A_947 = math.exp %sub3A_946 : vector<16xf32>
      %jit3A_948 = arith.constant 0.000000e+00 : f32
      %broadcast_in_dim3A_949 = vector.broadcast %jit3A_948 : f32 to vector<16xf32>
      %select_n3A_950 = arith.select %lt3A_945, %exp3A_947, %broadcast_in_dim3A_949 : vector<16xi1>, vector<16xf32>
      %add3A_951 = arith.addf %add3A_936, %select_n3A_950 : vector<16xf32>
      %add3A_952 = arith.constant 928 : i32
      %add3A_953 = arith.addi %mul3A_65, %add3A_952 : i32
      %get3A_954 = arith.index_cast %add3A_953 : i32 to index
      %get3A_955 = tpu.vector_load %arg6[%get3A_954] {strides = array<i32>} : memref<16016xf32, #tpu.memory_space<vmem>>, vector<16xf32>,
      %le3A_956 = arith.constant 928 : i32
      %le3A_957 = vector.broadcast %le3A_956 : i32 to vector<16xi32>
      %le3A_958 = arith.cmpi sle, %sub3A_82, %le3A_957 : vector<16xi32>
      %select_n3A_959 = arith.select %le3A_958, %bitcast3A_81, %gather3A_68 : vector<16xi1>, vector<16xf32>
      %lt3A_960 = arith.cmpf olt, %get3A_955, %select_n3A_959 : vector<16xf32>
      %sub3A_961 = arith.subf %get3A_955, %gather3A_68 : vector<16xf32>
      %exp3A_962 = math.exp %sub3A_961 : vector<16xf32>
      %jit3A_963 = arith.constant 0.000000e+00 : f32
      %broadcast_in_dim3A_964 = vector.broadcast %jit3A_963 : f32 to vector<16xf32>
      %select_n3A_965 = arith.select %lt3A_960, %exp3A_962, %broadcast_in_dim3A_964 : vector<16xi1>, vector<16xf32>
      %add3A_966 = arith.addf %add3A_951, %select_n3A_965 : vector<16xf32>
      %add3A_967 = arith.constant 944 : i32
      %add3A_968 = arith.addi %mul3A_65, %add3A_967 : i32
      %get3A_969 = arith.index_cast %add3A_968 : i32 to index
      %get3A_970 = tpu.vector_load %arg6[%get3A_969] {strides = array<i32>} : memref<16016xf32, #tpu.memory_space<vmem>>, vector<16xf32>,
      %le3A_971 = arith.constant 944 : i32
      %le3A_972 = vector.broadcast %le3A_971 : i32 to vector<16xi32>
      %le3A_973 = arith.cmpi sle, %sub3A_82, %le3A_972 : vector<16xi32>
      %select_n3A_974 = arith.select %le3A_973, %bitcast3A_81, %gather3A_68 : vector<16xi1>, vector<16xf32>
      %lt3A_975 = arith.cmpf olt, %get3A_970, %select_n3A_974 : vector<16xf32>
      %sub3A_976 = arith.subf %get3A_970, %gather3A_68 : vector<16xf32>
      %exp3A_977 = math.exp %sub3A_976 : vector<16xf32>
      %jit3A_978 = arith.constant 0.000000e+00 : f32
      %broadcast_in_dim3A_979 = vector.broadcast %jit3A_978 : f32 to vector<16xf32>
      %select_n3A_980 = arith.select %lt3A_975, %exp3A_977, %broadcast_in_dim3A_979 : vector<16xi1>, vector<16xf32>
      %add3A_981 = arith.addf %add3A_966, %select_n3A_980 : vector<16xf32>
      %add3A_982 = arith.constant 960 : i32
      %add3A_983 = arith.addi %mul3A_65, %add3A_982 : i32
      %get3A_984 = arith.index_cast %add3A_983 : i32 to index
      %get3A_985 = tpu.vector_load %arg6[%get3A_984] {strides = array<i32>} : memref<16016xf32, #tpu.memory_space<vmem>>, vector<16xf32>,
      %le3A_986 = arith.constant 960 : i32
      %le3A_987 = vector.broadcast %le3A_986 : i32 to vector<16xi32>
      %le3A_988 = arith.cmpi sle, %sub3A_82, %le3A_987 : vector<16xi32>
      %select_n3A_989 = arith.select %le3A_988, %bitcast3A_81, %gather3A_68 : vector<16xi1>, vector<16xf32>
      %lt3A_990 = arith.cmpf olt, %get3A_985, %select_n3A_989 : vector<16xf32>
      %sub3A_991 = arith.subf %get3A_985, %gather3A_68 : vector<16xf32>
      %exp3A_992 = math.exp %sub3A_991 : vector<16xf32>
      %jit3A_993 = arith.constant 0.000000e+00 : f32
      %broadcast_in_dim3A_994 = vector.broadcast %jit3A_993 : f32 to vector<16xf32>
      %select_n3A_995 = arith.select %lt3A_990, %exp3A_992, %broadcast_in_dim3A_994 : vector<16xi1>, vector<16xf32>
      %add3A_996 = arith.addf %add3A_981, %select_n3A_995 : vector<16xf32>
      %add3A_997 = arith.constant 976 : i32
      %add3A_998 = arith.addi %mul3A_65, %add3A_997 : i32
      %get3A_999 = arith.index_cast %add3A_998 : i32 to index
      %get3A_1000 = tpu.vector_load %arg6[%get3A_999] {strides = array<i32>} : memref<16016xf32, #tpu.memory_space<vmem>>, vector<16xf32>,
      %le3A_1001 = arith.constant 976 : i32
      %le3A_1002 = vector.broadcast %le3A_1001 : i32 to vector<16xi32>
      %le3A_1003 = arith.cmpi sle, %sub3A_82, %le3A_1002 : vector<16xi32>
      %select_n3A_1004 = arith.select %le3A_1003, %bitcast3A_81, %gather3A_68 : vector<16xi1>, vector<16xf32>
      %lt3A_1005 = arith.cmpf olt, %get3A_1000, %select_n3A_1004 : vector<16xf32>
      %sub3A_1006 = arith.subf %get3A_1000, %gather3A_68 : vector<16xf32>
      %exp3A_1007 = math.exp %sub3A_1006 : vector<16xf32>
      %jit3A_1008 = arith.constant 0.000000e+00 : f32
      %broadcast_in_dim3A_1009 = vector.broadcast %jit3A_1008 : f32 to vector<16xf32>
      %select_n3A_1010 = arith.select %lt3A_1005, %exp3A_1007, %broadcast_in_dim3A_1009 : vector<16xi1>, vector<16xf32>
      %add3A_1011 = arith.addf %add3A_996, %select_n3A_1010 : vector<16xf32>
      %add3A_1012 = arith.constant 992 : i32
      %add3A_1013 = arith.addi %mul3A_65, %add3A_1012 : i32
      %get3A_1014 = arith.index_cast %add3A_1013 : i32 to index
      %get3A_1015 = tpu.vector_load %arg6[%get3A_1014] {strides = array<i32>} : memref<16016xf32, #tpu.memory_space<vmem>>, vector<16xf32>,
      %le3A_1016 = arith.constant 992 : i32
      %le3A_1017 = vector.broadcast %le3A_1016 : i32 to vector<16xi32>
      %le3A_1018 = arith.cmpi sle, %sub3A_82, %le3A_1017 : vector<16xi32>
      %select_n3A_1019 = arith.select %le3A_1018, %bitcast3A_81, %gather3A_68 : vector<16xi1>, vector<16xf32>
      %lt3A_1020 = arith.cmpf olt, %get3A_1015, %select_n3A_1019 : vector<16xf32>
      %lt3A_1021 = arith.constant 8 : i32
      %lt3A_1022 = vector.broadcast %lt3A_1021 : i32 to vector<16xi32>
      %lt3A_1023 = arith.cmpi slt, %iota3A, %lt3A_1022 : vector<16xi32>
      %and3A = arith.andi %lt3A_1020, %lt3A_1023 : vector<16xi1>
      %sub3A_1024 = arith.subf %get3A_1015, %gather3A_68 : vector<16xf32>
      %exp3A_1025 = math.exp %sub3A_1024 : vector<16xf32>
      %jit3A_1026 = arith.constant 0.000000e+00 : f32
      %broadcast_in_dim3A_1027 = vector.broadcast %jit3A_1026 : f32 to vector<16xf32>
      %select_n3A_1028 = arith.select %and3A, %exp3A_1025, %broadcast_in_dim3A_1027 : vector<16xi1>, vector<16xf32>
      %add3A_1029 = arith.addf %add3A_1011, %select_n3A_1028 : vector<16xf32>
      %mul3A_1030 = arith.constant 16 : i32
      %mul3A_1031 = arith.muli %add3A_52, %mul3A_1030 : i32
      %add3A_1032 = arith.addi %mul3A_1031, %scan3A_60 : i32
      %mul3A_1033 = arith.constant 16 : i32
      %mul3A_1034 = arith.muli %add3A_1032, %mul3A_1033 : i32
      %swap3A = arith.index_cast %mul3A_1034 : i32 to index
      %swap3A_1035 = tpu.vector_load %arg8[%swap3A] {strides = array<i32>} : memref<512xf32, #tpu.memory_space<vmem>>, vector<16xf32>,
      tpu.vector_store %arg8[%swap3A], %add3A_1029 {strides = array<i32>} : memref<512xf32, #tpu.memory_space<vmem>>, vector<16xf32>,
    }
    %scan3A_58 = arith.constant 16 : i32
    %scan3A_59 = arith.constant 1 : i32
    "tpu.region"() ({
      %run_scoped3A = tpu.sem_alloc : memref<!tpu.dma_semaphore, #tpu.memory_space<semaphore_mem>>
      %dma_start3A_60 = arith.constant 0 : i32
      %dma_start3A_61 = tpu.memref_slice %arg4[%add3A, %dma_start3A_60] : memref<32x512xf32, #tpu.memory_space<hbm>> -> memref<1x512xf32, #tpu.memory_space<hbm>>
      %dma_start3A_62 = tpu.memref_squeeze %dma_start3A_61 : memref<1x512xf32, #tpu.memory_space<hbm>> -> memref<512xf32, #tpu.memory_space<hbm>>
      %dma_start3A_63 = arith.constant 0 : i32
      %dma_start3A_64 = tpu.memref_slice %arg4[%add3A, %dma_start3A_63] : memref<32x512xf32, #tpu.memory_space<hbm>> -> memref<1x512xf32, #tpu.memory_space<hbm>>
      %dma_start3A_65 = tpu.memref_squeeze %dma_start3A_64 : memref<1x512xf32, #tpu.memory_space<hbm>> -> memref<512xf32, #tpu.memory_space<hbm>>
      tpu.enqueue_dma source(%arg8 : memref<512xf32, #tpu.memory_space<vmem>>) target(%dma_start3A_65 : memref<512xf32, #tpu.memory_space<hbm>>) target_semaphore(%run_scoped3A : memref<!tpu.dma_semaphore, #tpu.memory_space<semaphore_mem>>)
      %dma_wait3A_66 = arith.constant 0 : i32
      %dma_wait3A_67 = tpu.memref_slice %arg4[%add3A, %dma_wait3A_66] : memref<32x512xf32, #tpu.memory_space<hbm>> -> memref<1x512xf32, #tpu.memory_space<hbm>>
      %dma_wait3A_68 = tpu.memref_squeeze %dma_wait3A_67 : memref<1x512xf32, #tpu.memory_space<hbm>> -> memref<512xf32, #tpu.memory_space<hbm>>
      %dma_wait3A_69 = arith.constant 0 : i32
      %dma_wait3A_70 = tpu.memref_slice %arg4[%add3A, %dma_wait3A_69] : memref<32x512xf32, #tpu.memory_space<hbm>> -> memref<1x512xf32, #tpu.memory_space<hbm>>
      %dma_wait3A_71 = tpu.memref_squeeze %dma_wait3A_70 : memref<1x512xf32, #tpu.memory_space<hbm>> -> memref<512xf32, #tpu.memory_space<hbm>>
      tpu.wait_dma2 semaphore(%run_scoped3A : memref<!tpu.dma_semaphore, #tpu.memory_space<semaphore_mem>>) src(%arg8 : memref<512xf32, #tpu.memory_space<vmem>>) dst(%dma_wait3A_71 : memref<512xf32, #tpu.memory_space<hbm>>)
      tpu.yield
    }) : () -> ()
    return
  }
}

module attributes {stable_mosaic.version = 14 : i64} {
  func.func @_tc_body(%arg0: i32, %arg1: memref<1024x1000xf32, #tpu.memory_space<vmem>>, %arg2: memref<1x1x1024xi32, #tpu.memory_space<vmem>>, %arg3: memref<1x1xf32, #tpu.memory_space<smem>>) attributes {dimension_semantics = [#tpu.dimension_semantics<arbitrary>], iteration_bounds = array<i64: 15>, scalar_prefetch = 0 : i64, scratch_operands = 0 : i64, tpu.core_type = #tpu.core_type<tc>, window_params = [{transform_indices = @transform_0, window_bounds = array<i64: 1024, 1000>}, {transform_indices = @transform_1, window_bounds = array<i64: 1, 1, 1024>}, {transform_indices = @transform_2, window_bounds = array<i64: 1, 1>}]} {
    %get3A = arith.constant 0 : index
    %get3A_0 = arith.constant 0 : index
    %get3A_1 = vector.load %arg1[%get3A, %get3A_0] : memref<1024x1000xf32, #tpu.memory_space<vmem>>, vector<1024x1000xf32>
    %get3A_2 = arith.constant 0 : index
    %get3A_3 = arith.constant 0 : index
    %get3A_4 = arith.constant 0 : index
    %get3A_5 = vector.load %arg2[%get3A_2, %get3A_3, %get3A_4] : memref<1x1x1024xi32, #tpu.memory_space<vmem>>, vector<1x1x1024xi32>
    %get3A_6 = vector.shape_cast %get3A_5 : vector<1x1x1024xi32> to vector<1024xi32>
    %reshape3A = vector.shape_cast %get3A_6 : vector<1024xi32> to vector<1024x1xi32>
    %iota3A = tpu.iota {dimensions = array<i32: 1>} : vector<1024x1000xi32>
    %eq3A = vector.broadcast %reshape3A : vector<1024x1xi32> to vector<1024x1000xi32>
    %eq3A_7 = arith.cmpi eq, %iota3A, %eq3A : vector<1024x1000xi32>
    %jit3A = arith.constant 0.000000e+00 : f32
    %broadcast_in_dim3A = vector.broadcast %jit3A : f32 to vector<1024x1000xf32>
    %select_n3A = arith.select %eq3A_7, %get3A_1, %broadcast_in_dim3A : vector<1024x1000xi1>, vector<1024x1000xf32>
    %reduce_sum3A = arith.constant dense<0.000000e+00> : vector<1024xf32>
    %reduce_sum3A_8 = vector.multi_reduction <add>, %select_n3A, %reduce_sum3A [1] : vector<1024x1000xf32> to vector<1024xf32>
    %broadcast_in_dim3A_9 = vector.shape_cast %reduce_sum3A_8 : vector<1024xf32> to vector<1024x1xf32>
    %sub3A = vector.broadcast %broadcast_in_dim3A_9 : vector<1024x1xf32> to vector<1024x1000xf32>
    %sub3A_10 = arith.subf %get3A_1, %sub3A : vector<1024x1000xf32>
    %ge3A = vector.broadcast %reshape3A : vector<1024x1xi32> to vector<1024x1000xi32>
    %ge3A_11 = arith.cmpi sge, %iota3A, %ge3A : vector<1024x1000xi32>
    %jit3A_12 = arith.constant 1.000000e-30 : f32
    %jit3A_13 = arith.constant 0.000000e+00 : f32
    %broadcast_in_dim3A_14 = vector.broadcast %jit3A_12 : f32 to vector<1024x1000xf32>
    %broadcast_in_dim3A_15 = vector.broadcast %jit3A_13 : f32 to vector<1024x1000xf32>
    %select_n3A_16 = arith.select %ge3A_11, %broadcast_in_dim3A_14, %broadcast_in_dim3A_15 : vector<1024x1000xi1>, vector<1024x1000xf32>
    %lt3A = arith.cmpf olt, %sub3A_10, %select_n3A_16 : vector<1024x1000xf32>
    %exp3A = math.exp %sub3A_10 : vector<1024x1000xf32>
    %jit3A_17 = arith.constant 0.000000e+00 : f32
    %broadcast_in_dim3A_18 = vector.broadcast %jit3A_17 : f32 to vector<1024x1000xf32>
    %select_n3A_19 = arith.select %lt3A, %exp3A, %broadcast_in_dim3A_18 : vector<1024x1000xi1>, vector<1024x1000xf32>
    %reduce_sum3A_20 = arith.constant dense<0.000000e+00> : vector<1024xf32>
    %reduce_sum3A_21 = vector.multi_reduction <add>, %select_n3A_19, %reduce_sum3A_20 [1] : vector<1024x1000xf32> to vector<1024xf32>
    %log3A = math.log %reduce_sum3A_21 : vector<1024xf32>
    %reduce_sum3A_22 = vector.shape_cast %log3A : vector<1024xf32> to vector<1x1024xf32>
    %reduce_sum3A_23 = arith.constant dense<0.000000e+00> : vector<1xf32>
    %reduce_sum3A_24 = vector.multi_reduction <add>, %reduce_sum3A_22, %reduce_sum3A_23 [1] : vector<1x1024xf32> to vector<1xf32>
    %reduce_sum3A_25 = vector.shape_cast %reduce_sum3A_24 : vector<1xf32> to vector<1x1xf32>
    %reduce_sum3A_26 = vector.extract %reduce_sum3A_25[0, 0] : f32 from vector<1x1xf32>
    %eq3A_27 = arith.constant 0 : i32
    %eq3A_28 = arith.cmpi eq, %arg0, %eq3A_27 : i32
    %convert_element_type3A = arith.extui %eq3A_28 : i1 to i32
    %cond3A = arith.constant 0 : i32
    %cond3A_29 = arith.cmpi ne, %convert_element_type3A, %cond3A : i32
    scf.if %cond3A_29 {
      %swap3A_35 = arith.constant 0.000000e+00 : f32
      %swap3A_36 = arith.constant 0 : index
      %swap3A_37 = arith.constant 0 : index
      %swap3A_38 = memref.load %arg3[%swap3A_36, %swap3A_37] : memref<1x1xf32, #tpu.memory_space<smem>>
      memref.store %swap3A_35, %arg3[%swap3A_36, %swap3A_37] : memref<1x1xf32, #tpu.memory_space<smem>>
    } else {
    }
    %get3A_30 = arith.constant 0 : index
    %get3A_31 = arith.constant 0 : index
    %get3A_32 = memref.load %arg3[%get3A_30, %get3A_31] : memref<1x1xf32, #tpu.memory_space<smem>>
    %add3A = arith.addf %get3A_32, %reduce_sum3A_26 : f32
    %swap3A = arith.constant 0 : index
    %swap3A_33 = arith.constant 0 : index
    %swap3A_34 = memref.load %arg3[%swap3A, %swap3A_33] : memref<1x1xf32, #tpu.memory_space<smem>>
    memref.store %add3A, %arg3[%swap3A, %swap3A_33] : memref<1x1xf32, #tpu.memory_space<smem>>
    return
  }
  func.func @transform_0(%arg0: i32) -> (i32, i32) {
    %add3A = arith.constant 1 : i32
    %add3A_0 = arith.addi %arg0, %add3A : i32
    %c0_i32 = arith.constant 0 : i32
    %c0_i32_1 = arith.constant 0 : i32
    return %add3A_0, %c0_i32 : i32, i32
  }
  func.func @transform_1(%arg0: i32) -> (i32, i32, i32) {
    %add3A = arith.constant 1 : i32
    %add3A_0 = arith.addi %arg0, %add3A : i32
    %c0_i32 = arith.constant 0 : i32
    %c0_i32_1 = arith.constant 0 : i32
    %c0_i32_2 = arith.constant 0 : i32
    return %add3A_0, %c0_i32, %c0_i32_1 : i32, i32, i32
  }
  func.func @transform_2(%arg0: i32) -> (i32, i32) {
    %c0_i32 = arith.constant 0 : i32
    %c0_i32_0 = arith.constant 0 : i32
    %c0_i32_1 = arith.constant 0 : i32
    return %c0_i32, %c0_i32_0 : i32, i32
  }
}

module attributes {stable_mosaic.version = 14 : i64} {
  func.func @_merge_body(%arg0: memref<1024x16xf32, #tpu.memory_space<vmem>>, %arg1: memref<1x1xf32, #tpu.memory_space<smem>>, %arg2: memref<1x1xf32, #tpu.memory_space<smem>>) attributes {dimension_semantics = [], scalar_prefetch = 0 : i64, scratch_operands = 0 : i64, tpu.core_type = #tpu.core_type<tc>} {
    %get3A = arith.constant 0 : index
    %get3A_0 = arith.constant 0 : index
    %get3A_1 = vector.load %arg0[%get3A, %get3A_0] : memref<1024x16xf32, #tpu.memory_space<vmem>>, vector<1024x16xf32>
    %reduce_sum3A = arith.constant dense<0.000000e+00> : vector<1024xf32>
    %reduce_sum3A_2 = vector.multi_reduction <add>, %get3A_1, %reduce_sum3A [1] : vector<1024x16xf32> to vector<1024xf32>
    %log3A = math.log %reduce_sum3A_2 : vector<1024xf32>
    %reduce_sum3A_3 = vector.shape_cast %log3A : vector<1024xf32> to vector<1x1024xf32>
    %reduce_sum3A_4 = arith.constant dense<0.000000e+00> : vector<1xf32>
    %reduce_sum3A_5 = vector.multi_reduction <add>, %reduce_sum3A_3, %reduce_sum3A_4 [1] : vector<1x1024xf32> to vector<1xf32>
    %reduce_sum3A_6 = vector.shape_cast %reduce_sum3A_5 : vector<1xf32> to vector<1x1xf32>
    %reduce_sum3A_7 = vector.extract %reduce_sum3A_6[0, 0] : f32 from vector<1x1xf32>
    %get3A_8 = arith.constant 0 : index
    %get3A_9 = arith.constant 0 : index
    %get3A_10 = memref.load %arg1[%get3A_8, %get3A_9] : memref<1x1xf32, #tpu.memory_space<smem>>
    %add3A = arith.addf %reduce_sum3A_7, %get3A_10 : f32
    %div3A = arith.constant 1.638400e+04 : f32
    %div3A_11 = arith.divf %add3A, %div3A : f32
    %swap3A = arith.constant 0 : index
    %swap3A_12 = arith.constant 0 : index
    %swap3A_13 = memref.load %arg2[%swap3A, %swap3A_12] : memref<1x1xf32, #tpu.memory_space<smem>>
    memref.store %div3A_11, %arg2[%swap3A, %swap3A_12] : memref<1x1xf32, #tpu.memory_space<smem>>
    return
  }
}

</mosaic_0001>

<sc_bundles>
// kernel: kernel.5.cloned.1.call-start
scs
__scs_entry_jumppad:
0x0: {  	(pc) =	sbr.rel $0x88, $3  }
0x1: {  	(tag) =	ssettag $0x0;
	lr =	simm.s32 $0x1  }
0x2: {  	[smem:$0x3F9F] =	sst lr;
	_ =	strace $0xD0000000  }
0x3: {  	_ = 	snop  }
0x4: {  	_ = 	snop  }
0x5: {  	_ = 	snop  }
0x6: {  	_ = 	snop  }
0x7: {  	_ = 	snop  }
__scs_overlays_trampoline_lowered:
0x8: {  	[smem:$0x3FAE] =	sst s0  }
0x9: {  	[smem:$0x3FAF] =	sst s1  }
0xa: {  	[smem:$0x3FB0] =	sst s2  }
0xb: {  	[smem:$0x3FB1] =	sst s3  }
0xc: {  	[smem:$0x3FB2] =	sst s4  }
0xd: {  	[smem:$0x3FB3] =	sst s5  }
0xe: {  	[smem:$0x3FB4] =	sst s6  }
0xf: {  	[smem:$0x3FB5] =	sst s7  }
0x10: {  	[smem:$0x3FB6] =	sst s8  }
0x11: {  	[smem:$0x3FB7] =	sst s9;
	s0 =	simm.s32 @!p0 $0x0  }
0x12: {  	s1 =	sld [smem:$0x3F9D];
	s0 =	simm.s32 @p0 $0x1  }
0x13: {  	[smem:$0x3FB8] =	sst s0;
	s0 =	simm.s32 @!p1 $0x0  }
0x14: {  	s2 =	sld [smem:$0x3F9C];
	s0 =	simm.s32 @p1 $0x1  }
0x15: {  	[smem:$0x3FB9] =	sst s0;
	s0 =	simm.s32 @!p2 $0x0  }
0x16: {  	s3 =	sld [smem:$0x3FDB];
	s0 =	simm.s32 @p2 $0x1  }
0x17: {  	s4 =	simm.s32 $0x1BF5;
	[smem:$0x3FBB] =	sst s0  }
0x18: {  	s0 =	sld [smem:$0x3F9E];
	_ =	swait.ge [sflag:s4], $0x0  }
0x19: {  	s7 =	sld [smem:$0x3F9F]  }
0x1a: {  	s8 =	sadd.s32 $0xFFFFE003, lr  }
0x1b: {  	s9 =	sadd.s32 $0xFFFFFEF7, lr;
	s5 =	simm.s32 $0xFFFFFFFF;
	p2 =	slt.u32 s8, $0xFFFFF086  }
0x1c: {  	p1 =	slt.u32 s9, $0xF7A;
	s5 =	simm.s32 @!p2 $0x0  }
0x1d: {  	s5 =	simm.s32 @p1 $0x1;
	p0 =	seq.s32 s7, s2  }
0x1e: {  	s7 =	smul.u32 @!p0 $0xF7A, s2;
	p2 =	seq.s32 @!p0 s5, $0x0  }
0x1f: {  	s9 =	smul.u32 $0xF7A, s1;
	s8 =	simm.s32 @!p0 $0x1BF5;
	p2 =	por !p2, p0  }
0x20: {  	[sflag:s8] =	ssyncset.s32 @!p0 $0xFFFFF086;
	s6 =	sadd.s32 @!p0 s3, s7;
	s7 =	simm.s32 @!p0 $0x108  }
0x21: {  	s3 =	sadd.s32 s3, s9;
	s6 =	sadd.s32 @!p0 $0x88, s6;
	s7 =	simm.s32 @p2 $0x1082  }
0x22: {  	[simem:s7], [sflag:s8] =	dma.local @!p0 [hbm:s6], $0xF7A  }
0x23: {  	s9 =	sor.u32 $0xD0000000, s2;
	s6 =	simm.s32 $0x108;
	_ =	swait.ge @!p0 [sflag:s8], $0x0  }
0x24: {  	s3 =	sadd.s32 $0x88, s3;
	s6 =	simm.s32 @!p1 $0x1082;
	[sflag:s4] =	ssyncset.s32 $0xFFFFF086  }
0x25: {  	[simem:s6], [sflag:s4] =	dma.local [hbm:s3], $0xF7A  }
0x26: {  	[smem:$0x3F9F] =	sst s1;
	(tag) =	ssettag s2;
	_ =	strace s9  }
0x27: {  	s1 =	sld [smem:$0x3FAF]  }
0x28: {  	s2 =	sld [smem:$0x3FB0]  }
0x29: {  	s4 =	sld [smem:$0x3FB2]  }
0x2a: {  	p0 =	seq.s32 s5, $0x0;
	s5 =	sld [smem:$0x3FB3]  }
0x2b: {  	s6 =	sld [smem:$0x3FB4]  }
0x2c: {  	s7 =	sld [smem:$0x3FB5]  }
0x2d: {  	s3 =	simm.s32 $0x108;
	s8 =	sld [smem:$0x3FB6]  }
0x2e: {  	s3 =	simm.s32 @!p0 $0x1082;
	s9 =	sld [smem:$0x3FB7]  }
0x2f: {  	lr =	sadd.s32 s0, s3;
	s0 =	sld [smem:$0x3FAE]  }
0x30: {  	s3 =	sld [smem:$0x3FB1]  }
0x31: {  	[smem:$0x3FBA] =	sst s10  }
0x32: {  	s10 =	sld [smem:$0x3FB8];
	_ =	sdelay $0x3  }
0x33: {  	p0 =	seq.s32 s10, $0x1;
	s10 =	sld [smem:$0x3FBA];
	_ =	sdelay $0x3  }
0x34: {  	[smem:$0x3FBA] =	sst s10  }
0x35: {  	s10 =	sld [smem:$0x3FB9];
	_ =	sdelay $0x3  }
0x36: {  	p1 =	seq.s32 s10, $0x1;
	s10 =	sld [smem:$0x3FBA];
	_ =	sdelay $0x3  }
0x37: {  	[smem:$0x3FBA] =	sst s10  }
0x38: {  	s10 =	sld [smem:$0x3FBB]  }
0x39: {  	_ = 	snop;
	(pc) =	sbr.ind lr, $3  }
0x3a: {  	_ = 	snop  }
0x3b: {  	_ = 	snop  }
0x3c: {  	p2 =	seq.s32 s10, $0x1;
	s10 =	sld [smem:$0x3FBA]  }
0x3d: {  	_ =	shalt  }
0x3e: {  	_ =	shalt  }
0x3f: {  	_ =	shalt  }
0x40: {  	_ =	shalt  }
0x41: {  	_ =	shalt  }
0x42: {  	_ =	shalt  }
0x43: {  	_ =	shalt  }
0x44: {  	_ =	shalt  }
0x45: {  	_ =	shalt  }
0x46: {  	_ =	shalt  }
0x47: {  	_ =	shalt  }
0x48: {  	_ =	shalt  }
0x49: {  	_ =	shalt  }
0x4a: {  	_ =	shalt  }
0x4b: {  	_ =	shalt  }
0x4c: {  	_ =	shalt  }
0x4d: {  	_ =	shalt  }
0x4e: {  	_ =	shalt  }
0x4f: {  	_ =	shalt  }
0x50: {  	_ =	shalt  }
0x51: {  	_ =	shalt  }
0x52: {  	_ =	shalt  }
0x53: {  	_ =	shalt  }
0x54: {  	_ =	shalt  }
0x55: {  	_ =	shalt  }
0x56: {  	_ =	shalt  }
0x57: {  	_ =	shalt  }
0x58: {  	_ =	shalt  }
0x59: {  	_ =	shalt  }
0x5a: {  	_ =	shalt  }
0x5b: {  	_ =	shalt  }
0x5c: {  	_ =	shalt  }
0x5d: {  	_ =	shalt  }
0x5e: {  	_ =	shalt  }
0x5f: {  	_ =	shalt  }
0x60: {  	_ =	shalt  }
0x61: {  	_ =	shalt  }
0x62: {  	_ =	shalt  }
0x63: {  	_ =	shalt  }
0x64: {  	_ =	shalt  }
0x65: {  	_ =	shalt  }
0x66: {  	_ =	shalt  }
0x67: {  	_ =	shalt  }
0x68: {  	_ =	shalt  }
0x69: {  	_ =	shalt  }
0x6a: {  	_ =	shalt  }
0x6b: {  	_ =	shalt  }
0x6c: {  	_ =	shalt  }
0x6d: {  	_ =	shalt  }
0x6e: {  	_ =	shalt  }
0x6f: {  	_ =	shalt  }
0x70: {  	_ =	shalt  }
0x71: {  	_ =	shalt  }
0x72: {  	_ =	shalt  }
0x73: {  	_ =	shalt  }
0x74: {  	_ =	shalt  }
0x75: {  	_ =	shalt  }
0x76: {  	_ =	shalt  }
0x77: {  	_ =	shalt  }
0x78: {  	_ =	shalt  }
0x79: {  	_ =	shalt  }
0x7a: {  	_ =	shalt  }
0x7b: {  	_ =	shalt  }
0x7c: {  	_ =	shalt  }
0x7d: {  	_ =	shalt  }
0x7e: {  	_ =	shalt  }
0x7f: {  	_ =	shalt  }
0x80: {  	_ =	shalt  }
0x81: {  	_ =	shalt  }
0x82: {  	_ =	shalt  }
0x83: {  	_ =	shalt  }
0x84: {  	_ =	shalt  }
0x85: {  	_ =	shalt  }
0x86: {  	_ =	shalt  }
0x87: {  	_ =	shalt  }
.Lfunc_end0:
.L_simem_size_0:
called_computation_lowered:
.L_overlay_start_0:
0x88: {  	s2 =	sld [smem:$0x3FD9]  }
0x89: {  	s3 =	sld [smem:$0x3FFE];
	_ =	sdelay $0x1  }
0x8a: {  	s1 =	srdreg.scid  }
0x8b: {  	s0 =	sand.u32 $0x1, s1  }
0x8c: {  	s16 =	sshll.u32 s0, $0xA;
	s2 =	sadd.s32 s3, s2  }
0x8d: {  	s2 =	sadd.s32 s2, s16  }
0x8e: {  	[smem:$0x3FC6] =	sst s2  }
0x8f: {  	_ = 	snop  }
0x90: {  	(tm) =	ssettm $0x1  }
0x91: {  	s17 =	sld [smem:$0x3FFB];
	_ =	sdelay $0x3  }
0x92: {  	_ =	strace s17  }
0x93: {  	s2 =	sld [smem:$0x3FFC];
	_ =	sdelay $0x3  }
0x94: {  	_ =	strace s2  }
0x95: {  	s2 =	sld [smem:$0x3FFD];
	_ =	sdelay $0x3  }
0x96: {  	_ =	strace s2  }
0x97: {  	_ =	strace $0x8FFFFFFF  }
0x98: {  	s18 =	sld [smem:$0x3FDB];
	_ =	sdelay $0x1  }
0x99: {  	s19 =	simm.s32 $_scs_section_size  }
0x9a: {  	s4 =	simm.s32 $_size__tile_overlayer_lowered;
	s5 =	simm.s32 $_tile_overlayer_lowered  }
0x9b: {  	s22 =	simm.s32 $0x1BFF;
	s21 =	sshll.u32 s5, $0x1;
	s2 =	sadd.s32 s19, s18  }
0x9c: {  	s6 =	simm.s32 $0x0;
	s20 =	sshll.u32 s4, $0x1;
	s4 =	sadd.s32 s21, s2  }
0x9d: {  	[timem:s6], [sflag:s22] =	dma.local [hbm:s4], s20  }
0x9e: {  	_ =	swait.ge [sflag:s22], s20  }
0x9f: {  	s3 =	ssub.s32 $0x0, s20;
	[sflag:s22] =	ssyncset.done $0x0  }
0xa0: {  	[sflag:s22] =	ssyncadd.s32 s3;
	_ =	sdelay $0x1  }
0xa1: {  	s23 =	simm.s32 $0x1B8B  }
0xa2: {  	_ =	swait.ge [sflag:s23], $0x1  }
0xa3: {  	[sflag:s23] =	ssyncset.done $0x0  }
0xa4: {  	s25 =	simm.s32 $0x1B8E;
	s24 =	sld [smem:$0x3FFE];
	[sflag:s23] =	ssyncadd.s32 $0xFFFFFFFF  }
0xa5: {  	s26 =	simm.s32 $execute0_lowered;
	[smem:$0x3FD2] =	sst s25  }
0xa6: {  	s4 =	sshll.u32 s26, $0x1;
	_ =	strace $0x80000046;
	[dreg:$0x1] =	wrdreg $0xFFFFFFFF  }
0xa7: {  	s28 =	simm.s32 $_size_execute0_lowered;
	s2 =	sadd.s32 s2, s4;
	[dreg:$0x0] =	wrdreg $0x0  }
0xa8: {  	s4 =	sshll.u32 s28, $0x1;
	[dreg:$0x2] =	wrdreg s2  }
0xa9: {  	[dreg:$0x3] =	wrdreg s4  }
0xaa: {  	[dreg:$0x4] =	wrdreg $0xC0  }
0xab: {  	_ =	task [dreg:s6], $0x5FFFF  }
0xac: {  	[dreg:$0x1] =	wrdreg $0xFFFFFFFF  }
0xad: {  	[dreg:$0x0] =	wrdreg $0x60  }
0xae: {  	[dreg:$0x2] =	wrdreg s24  }
0xaf: {  	[dreg:$0x3] =	wrdreg $0x9  }
0xb0: {  	_ =	task.clear_ibuf [dreg:s6], $0x4FFFF;
	_ =	strace $0x90000046  }
0xb1: {  	s29 =	simm.s32 $0x9;
	_ =	strace $0x80000048  }
0xb2: {  	_ =	swait.ge [sflag:s29], $0x1  }
0xb3: {  	[sflag:s29] =	ssyncadd.s32 $0xFFFFFFFF  }
0xb4: {  	_ =	strace $0x90000048  }
0xb5: {  	_ =	sfence  }
0xb6: {  	s30 =	sld [smem:$0x0];
	_ =	sdelay $0x2  }
0xb7: {  	s31 =	sshll.u32 s1, $0xD;
	s1 =	sshrl.u32 s1, $0x2  }
0xb8: {  	s3 =	sand.u32 $0x4000, s31;
	s1 =	sadd.s32 s1, s30  }
0xb9: {  	s0 =	sor.u32 s3, s0;
	s1 =	sshll.u32 s1, $0x11  }
0xba: {  	s0 =	sor.u32 s1, s0  }
0xbb: {  	s0 =	sadd.s32 $0x8F2B, s0  }
0xbc: {  	[sflag:s0] =	ssyncadd.remote.s32 $0x1  }
0xbd: {  	_ =	sfence.sel $0xFFFF  }
0xbe: {  	[dreg:$0x0] =	wrdreg $0xFFFFFFFF;
	(pc) =	sbr.abs _section_cstart, $3  }
0xbf: {  	[dreg:$0x1] =	wrdreg $0xFFFFFFFF  }
0xc0: {  	_ =	task.clear_ibuf [dreg:s6], $0x2FFFF;
	_ =	strace $0x9FFFFFFF  }
0xc1: {  	(tm) =	ssettm $0x7FFFFFFF  }
tec
execute0_lowered:
.L_overlay_start_1:
0x0: {  	(tag) =	ssettag $0x1  }
0x1: {  	s3 =	rddreg [dreg:$0x0]  }
0x2: {  	s0 =	rddreg [dreg:$0x1];
	s2 =	simm.s32 $0x0;
	s4 =	srdreg.scid  }
0x3: {  	s1 =	stileid.u32;
	s11 =	simm.s32 $0x3F00;
	s12 =	simm.s32 $0x2  }
0x4: {  	s13 =	simm.s32 $0x80;
	s14 =	simm.s32 $0x400;
	s15 =	simm.s32 $0x7E80  }
0x5: {  	s16 =	simm.s32 $0x0;
	[smem:$0x7FF] =	sst s2;
	s4 =	sand.u32 $0x1, s4  }
0x6: {  	s5 =	sshll.u32 s1, $0x1;
	s6 =	sadd.s32 $0xA00, s3;
	s8 =	sshll.u32 s1, $0x7  }
0x7: {  	_ =	strace $0x80000047;
	s5 =	sor.u32 s4, s5;
	s8 =	sand.u32 $0x600, s8  }
0x8: {  	s4 =	ssub.s32 $0x2, s4;
	s7 =	sshll.u32 s5, $0x2;
	s9 =	smul.u32 $0x7D00, s5  }
0x9: {  	s8 =	sadd.s32 s8, s3;
	s28 =	sshrl.u32 s4, $0x1;
	s29 =	smul.u32 $0xFA0, s5  }
0xa: {  	s5 =	sshll.u32 s5, $0x4;
	s7 =	sadd.s32 s7, s3;
	s10 =	ssub.s32 s4, s28  }
0xb: {  	s5 =	sand.u32 $0x70, s5;
	s3 =	sadd.s32 $0x1FE00, s7;
	s30 =	sshrl.u32 s9, $0x3  }
0xc: {  	s4 =	sadd.s32 s6, s29;
	s31 =	sadd.s32 s5, s8;
	s7 =	smax.u32 s10, $0x1  }
0xd: {  	v0 =	vlaneseq.u32;
	s8 =	simm.s32 $0x7E00;
	s9 =	simm.s32 $0x3;
	s6 =	sadd.s32 s6, s30  }
0xe: {  	vm0 =	vmmov $0xff;
	v0 =	vmul.u32 $0xFFFFFFFF, v0;
	s10 =	simm.s32 $0x1;
	s5 =	sadd.s32 $0x7D0, s6;
	s6 =	sadd.s32 $0x20000, s31  }
.LBB2_1:
0xf: {  	[tilespmem:s8], [sflag:$0x3] =	stream.linear.gather [hbm4b:s3+s2], $0x20, $0x38;
	[tilespmem:$0x8080] =	vst v63  }
0x10: {  	_ =	swait.ge [sflag:s9], $0x20  }
0x11: {  	[sflag:s9] =	ssyncset.done $0x0  }
0x12: {  	[sflag:s9] =	ssyncadd.s32 $0xFFFFFFE0  }
0x13: {  	[tilespmem:s2], [sflag:$0x1] =	stream.linear.gather [hbm4b:s4+s2], $0x3E80, $0x38;
	[tilespmem:$0x8080] =	vst v63  }
0x14: {  	_ =	swait.ge [sflag:s10], $0x3E80  }
0x15: {  	s17 =	simm.s32 $0x1F0;
	s18 =	simm.s32 $0x0;
	[sflag:s10] =	ssyncset.done $0x0  }
0x16: {  	s19 =	simm.s32 $0x7E80;
	s20 =	simm.s32 $0x0;
	[sflag:s10] =	ssyncadd.s32 $0xFFFFC180  }
0x17: {  	[tilespmem:s11], [sflag:$0x2] =	stream.linear.gather [hbm4b:s5+s2], $0x3E80, $0x38;
	[tilespmem:$0x8080] =	vst v63  }
.LBB2_2:
0x18: {  	v1 =	vmov s20;
	_ =	sdelay $0x4  }
0x19: {  	v2 =	vld.idx.msk [tilespmem:v1+s8+$0x0], $0xffff;
	_ =	sdelay $0x4  }
0x1a: {  	v4 =	vld [tilespmem:s17+$0xFFFFFE10];
	v1 =	vadd.s32 s18, v2  }
0x1b: {  	v5 =	vld [tilespmem:s17+$0xFFFFFE20]  }
0x1c: {  	v6 =	vld [tilespmem:s17+$0xFFFFFE30]  }
0x1d: {  	v8 =	vld [tilespmem:s17+$0xFFFFFE40]  }
0x1e: {  	v44 =	vld [tilespmem:s17+$0xFFFFFE50]  }
0x1f: {  	v1 =	vld.idx.msk [tilespmem:v1+s2+$0x0], $0xffff  }
0x20: {  	v12 =	vld [tilespmem:s17+$0xFFFFFE60]  }
0x21: {  	v13 =	vld [tilespmem:s17+$0xFFFFFE70]  }
0x22: {  	v48 =	vld [tilespmem:s17+$0xFFFFFE80]  }
0x23: {  	v57 =	vld [tilespmem:s17+$0xFFFFFEA0]  }
0x24: {  	s21 =	sand.u32 $0x3FF8, s18;
	v62 =	vld [tilespmem:s17+$0xFFFFFEB0];
	v3 =	vsub.f32 v4, v1  }
0x25: {  	v14 =	vld [tilespmem:s21+$0x80]  }
0x26: {  	v16 =	vld [tilespmem:s17+$0xFFFFFEC0];
	v7 =	vsub.f32 v5, v1;
	v43 =	vsub.f32 v6, v1;
	v3 =	vmul.f32 $1.442695020e+00, v3  }
0x27: {  	v22 =	vld [tilespmem:s17+$0xFFFFFED0];
	vm1 =	vgt.f32 v1, $0.0e+00;
	v9 =	vadd.s32 $0x1, v1;
	v11 =	vsub.f32 v8, v1  }
0x28: {  	v32 =	vld [tilespmem:s17+$0xFFFFFEE0];
	v45 =	vsub.f32 v44, v1;
	v50 =	vsub.f32 v12, v1;
	(erf) = vpow2.f32 v3  }
0x29: {  	v53 =	vsub.f32 v13, v1;
	v55 =	vsub.f32 v48, v1;
	v3 =	vmul.f32 $1.442695020e+00, v7  }
0x2a: {  	vm2 =	vlt.f32 v1, $0.0e+00;
	v59 =	vsub.f32 v14, v1;
	v18 =	vsub.f32 v57, v1  }
0x2b: {  	v21 =	vsub.f32 v62, v1;
	(erf) = vpow2.f32 v3;
	v3 =	vmul.f32 $1.442695020e+00, v43  }
0x2c: {  	v25 =	vsub.f32 v16, v1;
	v31 =	vsub.f32 v22, v1;
	v11 =	vmul.f32 $1.442695020e+00, v11  }
0x2d: {  	v35 =	vld [tilespmem:s17+$0xFFFFFEF0];
	v40 =	vsub.f32 v32, v1;
	v54 =	vmul.f32 $1.442695020e+00, v53;
	(erf) = vpow2.f32 v3  }
0x2e: {  	v56 =	vmul.f32 $1.442695020e+00, v55;
	v15 =	vmul.f32 $1.442695020e+00, v59;
	v3 =	vadd.s32 $0xFFFFFFFF, v1  }
0x2f: {  	v24 =	vmul.f32 $1.442695020e+00, v21;
	v29 =	vmul.f32 $1.442695020e+00, v25;
	v10 =	vnsel vm2, $0x800000, v3  }
0x30: {  	v34 =	vmul.f32 $1.442695020e+00, v31;
	v3 =	vadd.s32 v0, v2;
	v2 =	vsel vm1, v9, v10  }
0x31: {  	vm1 =	vlt.s32 v3, $0x1;
	v9 =	vmul.f32 $1.442695020e+00, v45;
	v46 =	vpop (erf);
	(erf) = vpow2.f32 v11  }
0x32: {  	v43 =	vsub.f32 v35, v1;
	v10 =	vsel vm1, v2, v1;
	vm1 =	vlt.s32 v3, $0x11  }
0x33: {  	vm2 =	vlt.f32 v4, v10;
	v4 =	vadd.f32 $0.0e+00, v46;
	(erf) = vpow2.f32 v9  }
0x34: {  	vm3 =	vlt.s32 v3, $0x21;
	v45 =	vld [tilespmem:s21+$0x100];
	v47 =	vsel vm1, v2, v1;
	v9 =	vmul.f32 $1.442695020e+00, v50  }
0x35: {  	v51 =	vsel vm3, v2, v1;
	vm1 =	vlt.f32 v5, v47;
	v49 =	vpop (erf);
	v4 =	vnsel vm2, $0x0, v4  }
0x36: {  	v10 =	vnsel vm1, $0x0, v49;
	vm1 =	vlt.f32 v6, v51;
	v51 =	vld [tilespmem:s17+$0xFFFFFF20];
	v52 =	vpop (erf);
	(erf) = vpow2.f32 v9  }
0x37: {  	v47 =	vmul.f32 $1.442695020e+00, v43;
	v4 =	vadd.f32 v10, v4;
	v10 =	vmul.f32 $1.442695020e+00, v18  }
0x38: {  	v6 =	vnsel vm1, $0x0, v52;
	vm1 =	vlt.s32 v3, $0x31;
	(erf) = vpow2.f32 v54  }
0x39: {  	v54 =	vsub.f32 v45, v1;
	v58 =	vsel vm1, v2, v1;
	vm1 =	vlt.s32 v3, $0x41  }
0x3a: {  	v4 =	vadd.f32 v4, v6;
	v61 =	vsel vm1, v2, v1;
	v60 =	vpop (erf);
	(erf) = vpow2.f32 v56  }
0x3b: {  	v55 =	vld [tilespmem:s17+$0xFFFFFF30];
	vm2 =	vlt.f32 v8, v58;
	vm1 =	vlt.f32 v44, v61;
	v59 =	vsub.f32 v51, v1  }
0x3c: {  	v8 =	vnsel vm2, $0x0, v60;
	v63 =	vpop (erf);
	(erf) = vpow2.f32 v15;
	vm2 =	vlt.s32 v3, $0x61  }
0x3d: {  	v37 =	vld [tilespmem:s17+$0xFFFFFF00];
	v4 =	vadd.f32 v4, v8;
	v7 =	vnsel vm1, $0x0, v63;
	vm1 =	vlt.s32 v3, $0x51  }
0x3e: {  	v56 =	vmul.f32 $1.442695020e+00, v54;
	v20 =	vsel vm2, v2, v1;
	v17 =	vsel vm1, v2, v1  }
0x3f: {  	v61 =	vld [tilespmem:s17+$0xFFFFFF50];
	vm2 =	vlt.s32 v3, $0x71;
	v4 =	vadd.f32 v4, v7;
	vm1 =	vlt.f32 v12, v17;
	v19 =	vpop (erf)  }
0x40: {  	v15 =	vsub.f32 v55, v1;
	v27 =	vsel vm2, v2, v1;
	v7 =	vnsel vm1, $0x0, v19  }
0x41: {  	(erf) = vpow2.f32 v10;
	vm1 =	vlt.f32 v13, v20;
	v23 =	vpop (erf);
	v4 =	vadd.f32 v4, v7  }
0x42: {  	v26 =	vnsel vm1, $0x0, v23;
	vm1 =	vlt.f32 v48, v27;
	v48 =	vsub.f32 v37, v1  }
0x43: {  	v13 =	vmul.f32 $1.442695020e+00, v40;
	v4 =	vadd.f32 v4, v26;
	v26 =	vld [tilespmem:s17+$0xFFFFFF70];
	v28 =	vpop (erf);
	(erf) = vpow2.f32 v24  }
0x44: {  	v19 =	vmul.f32 $1.442695020e+00, v15;
	v23 =	vsub.f32 v61, v1;
	v50 =	vmul.f32 $1.442695020e+00, v48  }
0x45: {  	v24 =	vld [tilespmem:s17+$0xFFFFFF60];
	v5 =	vnsel vm1, $0x0, v28;
	vm1 =	vlt.s32 v3, $0x81;
	(erf) = vpow2.f32 v29  }
0x46: {  	v25 =	vmul.f32 $1.442695020e+00, v23;
	v33 =	vpop (erf);
	v30 =	vsel vm1, v2, v1;
	(erf) = vpow2.f32 v34  }
0x47: {  	v4 =	vadd.f32 v4, v5;
	vm1 =	vlt.f32 v14, v30;
	v14 =	vmul.f32 $1.442695020e+00, v59  }
0x48: {  	v5 =	vnsel vm1, $0x0, v33;
	vm1 =	vlt.s32 v3, $0x91;
	v34 =	vsub.f32 v26, v1  }
0x49: {  	v4 =	vadd.f32 v4, v5;
	v36 =	vsel vm1, v2, v1;
	vm1 =	vlt.s32 v3, $0xA1  }
0x4a: {  	v31 =	vld [tilespmem:s17+$0xFFFFFF80];
	v38 =	vpop (erf);
	v30 =	vsub.f32 v24, v1;
	vm2 =	vlt.f32 v57, v36;
	v39 =	vsel vm1, v2, v1  }
0x4b: {  	v57 =	vld [tilespmem:s17+$0xFFFFFF40];
	v5 =	vnsel vm2, $0x0, v38;
	vm1 =	vlt.f32 v62, v39;
	vm2 =	vlt.s32 v3, $0xB1  }
0x4c: {  	v10 =	vmul.f32 $1.442695020e+00, v30;
	v38 =	vmul.f32 $1.442695020e+00, v34;
	v4 =	vadd.f32 v4, v5;
	v41 =	vpop (erf)  }
0x4d: {  	v40 =	vld [tilespmem:s17+$0xFFFFFFA0];
	v42 =	vsel vm2, v2, v1;
	(erf) = vpow2.f32 v13;
	v44 =	vnsel vm1, $0x0, v41  }
0x4e: {  	vm1 =	vlt.f32 v16, v42;
	v46 =	vpop (erf);
	(erf) = vpow2.f32 v47;
	v4 =	vadd.f32 v4, v44  }
0x4f: {  	v47 =	vld [tilespmem:s17+$0xFFFFFFB0];
	v49 =	vnsel vm1, $0x0, v46;
	vm1 =	vlt.s32 v3, $0xC1;
	v53 =	vpop (erf);
	(erf) = vpow2.f32 v50  }
0x50: {  	v42 =	vsub.f32 v31, v1;
	v20 =	vsub.f32 v57, v1;
	v52 =	vsel vm1, v2, v1  }
0x51: {  	v50 =	vld [tilespmem:s17+$0xFFFFFFC0];
	(erf) = vpow2.f32 v56;
	v4 =	vadd.f32 v4, v49;
	vm1 =	vlt.f32 v22, v52  }
0x52: {  	v49 =	vsub.f32 v40, v1;
	v5 =	vnsel vm1, $0x0, v53;
	vm1 =	vlt.s32 v3, $0xD1  }
0x53: {  	v22 =	vmul.f32 $1.442695020e+00, v20;
	v4 =	vadd.f32 v4, v5;
	v58 =	vsel vm1, v2, v1  }
0x54: {  	v56 =	vld [tilespmem:s17+$0xFFFFFFD0];
	vm1 =	vlt.s32 v3, $0xE1;
	v52 =	vmul.f32 $1.442695020e+00, v49;
	v54 =	vsub.f32 v47, v1  }
0x55: {  	vm2 =	vlt.f32 v32, v58;
	v60 =	vsel vm1, v2, v1;
	vm1 =	vlt.s32 v3, $0xF1  }
0x56: {  	v58 =	vsub.f32 v50, v1;
	v63 =	vsel vm1, v2, v1;
	v62 =	vpop (erf);
	(erf) = vpow2.f32 v14  }
0x57: {  	vm1 =	vlt.f32 v37, v63;
	v13 =	vnsel vm2, $0x0, v62;
	vm2 =	vlt.f32 v35, v60;
	v18 =	vpop (erf)  }
0x58: {  	v62 =	vmul.f32 $1.442695020e+00, v58;
	v4 =	vadd.f32 v4, v13;
	v21 =	vpop (erf);
	(erf) = vpow2.f32 v19  }
0x59: {  	v35 =	vld [tilespmem:s21+$0x180];
	v12 =	vnsel vm2, $0x0, v18;
	vm2 =	vlt.s32 v3, $0x111;
	v19 =	vsub.f32 v56, v1  }
0x5a: {  	v60 =	vld [tilespmem:s17+$0xFFFFFFE0];
	v7 =	vnsel vm1, $0x0, v21;
	vm1 =	vlt.s32 v3, $0x101;
	(erf) = vpow2.f32 v22  }
0x5b: {  	v29 =	vsel vm2, v2, v1;
	vm2 =	vlt.s32 v3, $0x121;
	v4 =	vadd.f32 v4, v12  }
0x5c: {  	v27 =	vsel vm1, v2, v1;
	v33 =	vsel vm2, v2, v1;
	vm2 =	vlt.s32 v3, $0x131  }
0x5d: {  	v28 =	vpop (erf);
	(erf) = vpow2.f32 v25;
	vm1 =	vlt.f32 v45, v27;
	v37 =	vsel vm2, v2, v1  }
0x5e: {  	vm2 =	vlt.s32 v3, $0x141;
	v4 =	vadd.f32 v4, v7;
	v46 =	vsub.f32 v35, v1  }
0x5f: {  	v6 =	vnsel vm1, $0x0, v28;
	vm1 =	vlt.f32 v51, v29;
	v22 =	vsub.f32 v60, v1  }
0x60: {  	v44 =	vsel vm2, v2, v1;
	vm2 =	vlt.s32 v3, $0x161;
	v48 =	vmul.f32 $1.442695020e+00, v46;
	v32 =	vpop (erf)  }
0x61: {  	v4 =	vadd.f32 v4, v6;
	v25 =	vmul.f32 $1.442695020e+00, v22;
	v36 =	vpop (erf);
	(erf) = vpow2.f32 v10  }
0x62: {  	v7 =	vnsel vm1, $0x0, v32;
	vm1 =	vlt.f32 v55, v33;
	v55 =	vsel vm2, v2, v1  }
0x63: {  	vm2 =	vlt.s32 v3, $0x181;
	v4 =	vadd.f32 v4, v7;
	v10 =	vmul.f32 $1.442695020e+00, v42  }
0x64: {  	v18 =	vsel vm2, v2, v1;
	v42 =	vld [tilespmem:s17+$0x40];
	v39 =	vnsel vm1, $0x0, v36;
	(erf) = vpow2.f32 v38  }
0x65: {  	vm2 =	vlt.s32 v3, $0x191;
	vm1 =	vlt.f32 v57, v37;
	v41 =	vpop (erf);
	v36 =	vld [tilespmem:s17+$0x20];
	v4 =	vadd.f32 v4, v39  }
0x66: {  	v43 =	vnsel vm1, $0x0, v41;
	vm1 =	vlt.f32 v61, v44;
	v45 =	vpop (erf);
	(erf) = vpow2.f32 v10;
	v39 =	vld [tilespmem:s17+$0x30]  }
0x67: {  	v21 =	vsel vm2, v2, v1;
	v5 =	vnsel vm1, $0x0, v45;
	vm1 =	vlt.s32 v3, $0x151  }
0x68: {  	v63 =	vld [tilespmem:s17+$0xFFFFFFF0];
	vm2 =	vlt.s32 v3, $0x1B1;
	v4 =	vadd.f32 v4, v43;
	v51 =	vsel vm1, v2, v1  }
0x69: {  	v10 =	vmul.f32 $1.442695020e+00, v54;
	(erf) = vpow2.f32 v48;
	vm1 =	vlt.f32 v24, v51  }
0x6a: {  	v58 =	vld [tilespmem:s17+$0x70];
	v51 =	vsub.f32 v42, v1;
	v4 =	vadd.f32 v4, v5;
	v53 =	vpop (erf);
	(erf) = vpow2.f32 v52  }
0x6b: {  	v49 =	vld [tilespmem:s17+$0x50];
	v33 =	vsel vm2, v2, v1;
	v44 =	vsub.f32 v36, v1;
	v48 =	vsub.f32 v39, v1  }
0x6c: {  	v52 =	vmul.f32 $1.442695020e+00, v51;
	v5 =	vnsel vm1, $0x0, v53;
	vm1 =	vlt.f32 v26, v55  }
0x6d: {  	v28 =	vld [tilespmem:s17+$0x0];
	v57 =	vpop (erf);
	(erf) = vpow2.f32 v10;
	v10 =	vmul.f32 $1.442695020e+00, v19;
	v26 =	vsub.f32 v63, v1  }
0x6e: {  	v4 =	vadd.f32 v4, v5;
	v59 =	vnsel vm1, $0x0, v57;
	vm1 =	vlt.s32 v3, $0x171  }
0x6f: {  	v53 =	vld [tilespmem:s17+$0x60];
	v19 =	vsub.f32 v58, v1;
	v17 =	vpop (erf);
	(erf) = vpow2.f32 v62;
	v61 =	vsel vm1, v2, v1  }
0x70: {  	v55 =	vsub.f32 v49, v1;
	v4 =	vadd.f32 v4, v59;
	vm1 =	vlt.f32 v31, v61  }
0x71: {  	v62 =	vld [tilespmem:s17+$0x80];
	v30 =	vmul.f32 $1.442695020e+00, v26;
	v22 =	vmul.f32 $1.442695020e+00, v19;
	v6 =	vnsel vm1, $0x0, v17  }
0x72: {  	v20 =	vpop (erf);
	v31 =	vld [tilespmem:s21+$0x200];
	vm1 =	vlt.f32 v35, v18;
	v35 =	vsub.f32 v28, v1;
	v4 =	vadd.f32 v4, v6  }
0x73: {  	v23 =	vnsel vm1, $0x0, v20;
	vm1 =	vlt.f32 v40, v21;
	v24 =	vpop (erf);
	(erf) = vpow2.f32 v10  }
0x74: {  	v16 =	vsub.f32 v53, v1;
	v9 =	vmul.f32 $1.442695020e+00, v35;
	v4 =	vadd.f32 v4, v23  }
0x75: {  	v27 =	vnsel vm1, $0x0, v24;
	vm1 =	vlt.s32 v3, $0x1A1;
	(erf) = vpow2.f32 v25  }
0x76: {  	v23 =	vsub.f32 v62, v1;
	v32 =	vpop (erf);
	v29 =	vsel vm1, v2, v1;
	(erf) = vpow2.f32 v30  }
0x77: {  	v37 =	vsub.f32 v31, v1;
	v4 =	vadd.f32 v4, v27;
	vm1 =	vlt.f32 v47, v29  }
0x78: {  	v10 =	vmul.f32 $1.442695020e+00, v16;
	v34 =	vpop (erf);
	v6 =	vnsel vm1, $0x0, v32;
	vm1 =	vlt.f32 v50, v33  }
0x79: {  	v4 =	vadd.f32 v4, v6;
	v6 =	vnsel vm1, $0x0, v34;
	vm1 =	vlt.s32 v3, $0x1C1  }
0x7a: {  	v27 =	vmul.f32 $1.442695020e+00, v23;
	v50 =	vmul.f32 $1.442695020e+00, v48;
	v38 =	vsel vm1, v2, v1  }
0x7b: {  	vm1 =	vlt.s32 v3, $0x1D1;
	v4 =	vadd.f32 v4, v6;
	v6 =	vmul.f32 $1.442695020e+00, v37  }
0x7c: {  	vm2 =	vlt.f32 v56, v38;
	v41 =	vsel vm1, v2, v1;
	v40 =	vpop (erf);
	(erf) = vpow2.f32 v9  }
0x7d: {  	v32 =	vld [tilespmem:s17+$0xB0];
	v7 =	vnsel vm2, $0x0, v40;
	vm2 =	vlt.s32 v3, $0x1E1;
	(erf) = vpow2.f32 v6  }
0x7e: {  	v20 =	vld [tilespmem:s21+$0x280];
	vm1 =	vlt.f32 v60, v41;
	v43 =	vpop (erf);
	v6 =	vmul.f32 $1.442695020e+00, v44;
	v46 =	vsel vm2, v2, v1  }
0x7f: {  	v35 =	vld [tilespmem:s17+$0xC0];
	v4 =	vadd.f32 v4, v7;
	v45 =	vnsel vm1, $0x0, v43;
	v47 =	vpop (erf);
	vm1 =	vlt.f32 v63, v46  }
0x80: {  	(erf) = vpow2.f32 v6;
	v5 =	vnsel vm1, $0x0, v47;
	vm1 =	vlt.s32 v3, $0x1F1  }
0x81: {  	(erf) = vpow2.f32 v50;
	v50 =	vld [tilespmem:s17+$0xE0];
	v54 =	vsel vm1, v2, v1;
	vm1 =	vlt.s32 v3, $0x201  }
0x82: {  	v60 =	vmul.f32 $1.442695020e+00, v55;
	v41 =	vsub.f32 v32, v1;
	v57 =	vsel vm1, v2, v1  }
0x83: {  	v4 =	vadd.f32 v4, v45;
	vm1 =	vlt.f32 v31, v57;
	v31 =	vsub.f32 v20, v1  }
0x84: {  	v44 =	vmul.f32 $1.442695020e+00, v41;
	v45 =	vsub.f32 v35, v1;
	vm2 =	vlt.f32 v28, v54;
	v28 =	vld [tilespmem:s17+$0xA0]  }
0x85: {  	v4 =	vadd.f32 v4, v5;
	v56 =	vpop (erf);
	(erf) = vpow2.f32 v52;
	v34 =	vmul.f32 $1.442695020e+00, v31  }
0x86: {  	v57 =	vsub.f32 v50, v1;
	v7 =	vnsel vm2, $0x0, v56;
	v59 =	vpop (erf);
	(erf) = vpow2.f32 v60  }
0x87: {  	vm2 =	vlt.s32 v3, $0x221;
	v4 =	vadd.f32 v4, v7;
	v61 =	vnsel vm1, $0x0, v59  }
0x88: {  	vm1 =	vlt.s32 v3, $0x211;
	v18 =	vsel vm2, v2, v1;
	vm2 =	vlt.s32 v3, $0x231  }
0x89: {  	v37 =	vsub.f32 v28, v1;
	v13 =	vmul.f32 $1.442695020e+00, v57;
	v63 =	vsel vm1, v2, v1  }
0x8a: {  	v17 =	vpop (erf);
	(erf) = vpow2.f32 v10;
	v25 =	vsel vm2, v2, v1;
	vm2 =	vlt.s32 v3, $0x261  }
0x8b: {  	v4 =	vadd.f32 v4, v61;
	vm1 =	vlt.f32 v36, v63;
	v21 =	vpop (erf);
	(erf) = vpow2.f32 v22  }
0x8c: {  	v7 =	vnsel vm1, $0x0, v17;
	vm1 =	vlt.f32 v39, v18;
	v39 =	vsel vm2, v2, v1  }
0x8d: {  	v22 =	vld [tilespmem:s17+$0x120];
	vm2 =	vlt.s32 v3, $0x271;
	v4 =	vadd.f32 v4, v7;
	v24 =	vnsel vm1, $0x0, v21  }
0x8e: {  	v47 =	vsel vm2, v2, v1;
	vm2 =	vlt.s32 v3, $0x291;
	v26 =	vpop (erf);
	(erf) = vpow2.f32 v27  }
0x8f: {  	vm1 =	vlt.f32 v42, v25;
	v42 =	vld [tilespmem:s17+$0xD0];
	v56 =	vsel vm2, v2, v1;
	vm2 =	vlt.s32 v3, $0x2A1  }
0x90: {  	v40 =	vmul.f32 $1.442695020e+00, v37;
	v60 =	vsel vm2, v2, v1;
	vm2 =	vlt.s32 v3, $0x2B1  }
0x91: {  	v4 =	vadd.f32 v4, v24;
	v19 =	vsel vm2, v2, v1;
	vm2 =	vlt.s32 v3, $0x2D1  }
0x92: {  	v31 =	vsub.f32 v22, v1;
	v29 =	vnsel vm1, $0x0, v26;
	vm1 =	vlt.s32 v3, $0x241  }
0x93: {  	v63 =	vld [tilespmem:s21+$0x300];
	v33 =	vpop (erf);
	(erf) = vpow2.f32 v34;
	v30 =	vsel vm1, v2, v1;
	v4 =	vadd.f32 v4, v29  }
0x94: {  	v52 =	vsub.f32 v42, v1;
	vm1 =	vlt.f32 v49, v30;
	v38 =	vpop (erf);
	(erf) = vpow2.f32 v40  }
0x95: {  	v29 =	vld [tilespmem:s17+$0x140];
	v49 =	vmul.f32 $1.442695020e+00, v45;
	v7 =	vnsel vm1, $0x0, v33;
	vm1 =	vlt.s32 v3, $0x251  }
0x96: {  	v30 =	vsel vm2, v2, v1;
	v43 =	vpop (erf);
	(erf) = vpow2.f32 v44;
	v36 =	vsel vm1, v2, v1  }
0x97: {  	vm2 =	vlt.s32 v3, $0x2E1;
	vm1 =	vlt.f32 v53, v36;
	v53 =	vld [tilespmem:s17+$0xF0];
	v48 =	vpop (erf);
	(erf) = vpow2.f32 v49  }
0x98: {  	v25 =	vsub.f32 v63, v1;
	v34 =	vmul.f32 $1.442695020e+00, v31;
	v33 =	vsel vm2, v2, v1  }
0x99: {  	vm2 =	vlt.s32 v3, $0x301;
	v4 =	vadd.f32 v4, v7;
	v7 =	vmul.f32 $1.442695020e+00, v52  }
0x9a: {  	v6 =	vnsel vm1, $0x0, v38;
	vm1 =	vlt.f32 v58, v39;
	v40 =	vsub.f32 v29, v1  }
0x9b: {  	v41 =	vld [tilespmem:s17+$0x160];
	v4 =	vadd.f32 v4, v6;
	v46 =	vnsel vm1, $0x0, v43;
	vm1 =	vlt.f32 v62, v47  }
0x9c: {  	v58 =	vld [tilespmem:s17+$0x100];
	v47 =	vsel vm2, v2, v1;
	v55 =	vpop (erf);
	(erf) = vpow2.f32 v7;
	v61 =	vsub.f32 v53, v1  }
0x9d: {  	v37 =	vld [tilespmem:s17+$0x150];
	v4 =	vadd.f32 v4, v46;
	v51 =	vnsel vm1, $0x0, v48;
	vm1 =	vlt.s32 v3, $0x281  }
0x9e: {  	vm2 =	vlt.s32 v3, $0x321;
	v54 =	vsel vm1, v2, v1;
	v59 =	vpop (erf);
	v17 =	vmul.f32 $1.442695020e+00, v61  }
0x9f: {  	v4 =	vadd.f32 v4, v51;
	vm1 =	vlt.f32 v20, v54;
	(erf) = vpow2.f32 v13;
	v16 =	vpop (erf)  }
0xa0: {  	v44 =	vmul.f32 $1.442695020e+00, v40;
	v6 =	vnsel vm1, $0x0, v55;
	v20 =	vpop (erf);
	(erf) = vpow2.f32 v17  }
0xa1: {  	v21 =	vsub.f32 v58, v1;
	vm1 =	vlt.f32 v28, v56;
	v4 =	vadd.f32 v4, v6  }
0xa2: {  	v46 =	vsub.f32 v37, v1;
	v48 =	vsub.f32 v41, v1;
	v62 =	vnsel vm1, $0x0, v59  }
0xa3: {  	v26 =	vld [tilespmem:s17+$0x130];
	vm1 =	vlt.f32 v32, v60;
	v12 =	vmul.f32 $1.442695020e+00, v21;
	v4 =	vadd.f32 v4, v62  }
0xa4: {  	v52 =	vld [tilespmem:s17+$0x180];
	v7 =	vmul.f32 $1.442695020e+00, v46;
	v28 =	vmul.f32 $1.442695020e+00, v25;
	v18 =	vnsel vm1, $0x0, v16  }
0xa5: {  	vm1 =	vlt.f32 v35, v19;
	v4 =	vadd.f32 v4, v18;
	v27 =	vpop (erf);
	(erf) = vpow2.f32 v12  }
0xa6: {  	v9 =	vmul.f32 $1.442695020e+00, v48;
	v23 =	vnsel vm1, $0x0, v20;
	(erf) = vpow2.f32 v28  }
0xa7: {  	v54 =	vsel vm2, v2, v1;
	vm1 =	vlt.s32 v3, $0x2C1;
	v4 =	vadd.f32 v4, v23;
	v23 =	vld [tilespmem:s17+$0x1B0]  }
0xa8: {  	vm2 =	vlt.f32 v26, v54;
	v35 =	vsub.f32 v26, v1;
	v24 =	vsel vm1, v2, v1;
	v32 =	vpop (erf)  }
0xa9: {  	v62 =	vsub.f32 v52, v1;
	vm1 =	vlt.f32 v42, v24;
	v38 =	vpop (erf);
	(erf) = vpow2.f32 v34  }
0xaa: {  	v39 =	vmul.f32 $1.442695020e+00, v35;
	v5 =	vnsel vm1, $0x0, v27;
	vm1 =	vlt.f32 v50, v30  }
0xab: {  	v21 =	vmul.f32 $1.442695020e+00, v62;
	v50 =	vld [tilespmem:s17+$0x170];
	v4 =	vadd.f32 v4, v5;
	v36 =	vnsel vm1, $0x0, v32  }
0xac: {  	vm1 =	vlt.f32 v53, v33;
	v33 =	vsub.f32 v23, v1;
	(erf) = vpow2.f32 v39  }
0xad: {  	v35 =	vld [tilespmem:s17+$0x1E0];
	v4 =	vadd.f32 v4, v36;
	v42 =	vnsel vm1, $0x0, v38;
	vm1 =	vlt.s32 v3, $0x2F1  }
0xae: {  	v55 =	vld [tilespmem:s21+$0x380];
	v36 =	vmul.f32 $1.442695020e+00, v33;
	v45 =	vpop (erf);
	v43 =	vsel vm1, v2, v1;
	(erf) = vpow2.f32 v44  }
0xaf: {  	v4 =	vadd.f32 v4, v42;
	v49 =	vpop (erf);
	vm1 =	vlt.f32 v58, v43;
	(erf) = vpow2.f32 v7  }
0xb0: {  	v58 =	vsub.f32 v50, v1;
	v5 =	vnsel vm1, $0x0, v45;
	vm1 =	vlt.f32 v63, v47  }
0xb1: {  	v4 =	vadd.f32 v4, v5;
	v5 =	vnsel vm1, $0x0, v49;
	vm1 =	vlt.s32 v3, $0x311  }
0xb2: {  	v45 =	vsub.f32 v35, v1;
	v51 =	vsel vm1, v2, v1;
	v53 =	vpop (erf);
	(erf) = vpow2.f32 v9  }
0xb3: {  	v63 =	vld [tilespmem:s17+$0x1A0];
	v61 =	vmul.f32 $1.442695020e+00, v58;
	vm1 =	vlt.f32 v22, v51;
	v22 =	vsub.f32 v55, v1  }
0xb4: {  	v4 =	vadd.f32 v4, v5;
	v5 =	vnsel vm1, $0x0, v53;
	vm1 =	vlt.s32 v3, $0x331  }
0xb5: {  	v27 =	vld [tilespmem:s17+$0x1C0];
	v26 =	vmul.f32 $1.442695020e+00, v22;
	v56 =	vpop (erf);
	(erf) = vpow2.f32 v61;
	v57 =	vsel vm1, v2, v1  }
0xb6: {  	v31 =	vld [tilespmem:s17+$0x1D0];
	v4 =	vadd.f32 v4, v5;
	v59 =	vnsel vm2, $0x0, v56;
	vm2 =	vlt.s32 v3, $0x341  }
0xb7: {  	v39 =	vld [tilespmem:s17+$0x1F0];
	v60 =	vpop (erf);
	(erf) = vpow2.f32 v21;
	vm1 =	vlt.f32 v29, v57;
	v20 =	vsel vm2, v2, v1  }
0xb8: {  	vm2 =	vlt.s32 v3, $0x351;
	v29 =	vsub.f32 v63, v1;
	v4 =	vadd.f32 v4, v59  }
0xb9: {  	v24 =	vpop (erf);
	v19 =	vnsel vm1, $0x0, v60;
	vm1 =	vlt.f32 v37, v20;
	v25 =	vsel vm2, v2, v1  }
0xba: {  	v37 =	vsub.f32 v27, v1;
	v5 =	vnsel vm1, $0x0, v24;
	vm1 =	vlt.f32 v41, v25  }
0xbb: {  	v41 =	vsub.f32 v31, v1;
	v4 =	vadd.f32 v4, v19;
	v28 =	vpop (erf);
	(erf) = vpow2.f32 v26  }
0xbc: {  	v48 =	vmul.f32 $1.442695020e+00, v45;
	v49 =	vsub.f32 v39, v1;
	v32 =	vmul.f32 $1.442695020e+00, v29  }
0xbd: {  	v40 =	vmul.f32 $1.442695020e+00, v37;
	v44 =	vmul.f32 $1.442695020e+00, v41;
	v4 =	vadd.f32 v4, v5  }
0xbe: {  	v30 =	vnsel vm1, $0x0, v28;
	vm1 =	vlt.s32 v3, $0x361;
	(erf) = vpow2.f32 v32  }
0xbf: {  	v4 =	vadd.f32 v4, v30;
	v34 =	vsel vm1, v2, v1;
	vm1 =	vlt.s32 v3, $0x371  }
0xc0: {  	v16 =	vpop (erf);
	(erf) = vpow2.f32 v36;
	vm2 =	vlt.f32 v50, v34;
	v38 =	vsel vm1, v2, v1  }
0xc1: {  	v43 =	vpop (erf);
	vm1 =	vlt.s32 v3, $0x381;
	(erf) = vpow2.f32 v40;
	v16 =	vnsel vm2, $0x0, v16  }
0xc2: {  	vm2 =	vlt.f32 v52, v38;
	v42 =	vsel vm1, v2, v1;
	(erf) = vpow2.f32 v44  }
0xc3: {  	v52 =	vmul.f32 $1.442695020e+00, v49;
	vm1 =	vlt.f32 v55, v42;
	v4 =	vadd.f32 v4, v16  }
0xc4: {  	v46 =	vnsel vm2, $0x0, v43;
	vm2 =	vlt.s32 v3, $0x3A1;
	v47 =	vpop (erf);
	(erf) = vpow2.f32 v48  }
0xc5: {  	v4 =	vadd.f32 v4, v46;
	v50 =	vnsel vm1, $0x0, v47;
	vm1 =	vlt.s32 v3, $0x391  }
0xc6: {  	v54 =	vsel vm2, v2, v1;
	vm2 =	vlt.s32 v3, $0x3B1;
	v51 =	vsel vm1, v2, v1  }
0xc7: {  	v57 =	vsel vm2, v2, v1;
	v53 =	vpop (erf);
	v4 =	vadd.f32 v4, v50;
	vm1 =	vlt.f32 v63, v51  }
0xc8: {  	vm2 =	vlt.s32 v3, $0x3C1;
	(erf) = vpow2.f32 v52;
	v5 =	vnsel vm1, $0x0, v53  }
0xc9: {  	v60 =	vsel vm2, v2, v1;
	v55 =	vpop (erf);
	vm1 =	vlt.f32 v23, v54;
	v4 =	vadd.f32 v4, v5  }
0xca: {  	vm2 =	vlt.s32 v3, $0x3D1;
	v58 =	vpop (erf);
	v56 =	vnsel vm1, $0x0, v55;
	vm1 =	vlt.f32 v27, v57  }
0xcb: {  	v61 =	vpop (erf);
	v59 =	vnsel vm1, $0x0, v58;
	vm1 =	vlt.f32 v31, v60;
	v4 =	vadd.f32 v4, v56  }
0xcc: {  	v63 =	vsel vm2, v2, v1;
	v62 =	vnsel vm1, $0x0, v61;
	vm1 =	vlt.s32 v3, $0x3E1  }
0xcd: {  	v1 =	vsel vm1, v2, v1;
	vm1 =	vlt.f32 v35, v63;
	v4 =	vadd.f32 v4, v59;
	v3 =	vpop (erf)  }
0xce: {  	v2 =	vnsel vm1, $0x0, v3  }
0xcf: {  	v4 =	vadd.f32 v4, v62  }
0xd0: {  	p0 =	sne.s32 s20, $0xF;
	vm1 =	vlt.f32 v39, v1  }
.Ltmp0:
0xd1: {  	vm1 =	vmand vm1, vm0;
	v1 =	vadd.f32 v4, v2;
	v2 =	vpop (erf);
	(pc) =	sbr.rel @p0 .LBB2_2-.Ltmp0, $4  }
0xd2: {  	v2 =	vnsel vm1, $0x0, v2  }
0xd3: {  	v1 =	vadd.f32 v1, v2  }
0xd4: {  	s20 =	sadd.s32 $0x1, s20  }
0xd5: {  	s18 =	sadd.s32 $0x3E8, s18;
	s17 =	sadd.s32 $0x3E8, s17;
	[tilespmem:s19+$0x0] =	vst v1;
	s19 =	sadd.s32 $0x10, s19  }
0xd6: {  	_ =	swait.ge [sflag:s12], $0x3E80  }
0xd7: {  	s17 =	simm.s32 $0x10;
	s18 =	simm.s32 $0x0;
	[sflag:s12] =	ssyncset.done $0x0  }
0xd8: {  	s19 =	simm.s32 $0x7F80;
	s20 =	simm.s32 $0x40F0;
	[sflag:s12] =	ssyncadd.s32 $0xFFFFC180  }
.LBB2_4:
0xd9: {  	v1 =	vmov s17;
	_ =	sdelay $0x4  }
0xda: {  	v2 =	vld.idx.msk [tilespmem:v1+s8+$0x0], $0xffff;
	_ =	sdelay $0x4  }
0xdb: {  	v4 =	vld [tilespmem:s20+$0xFFFFFE10];
	v1 =	vadd.s32 s18, v2  }
0xdc: {  	v5 =	vld [tilespmem:s20+$0xFFFFFE20]  }
0xdd: {  	v6 =	vld [tilespmem:s20+$0xFFFFFE30]  }
0xde: {  	v8 =	vld [tilespmem:s20+$0xFFFFFE40]  }
0xdf: {  	v44 =	vld [tilespmem:s20+$0xFFFFFE50]  }
0xe0: {  	v1 =	vld.idx.msk [tilespmem:v1+s11+$0x0], $0xffff  }
0xe1: {  	v12 =	vld [tilespmem:s20+$0xFFFFFE60]  }
0xe2: {  	v13 =	vld [tilespmem:s20+$0xFFFFFE70]  }
0xe3: {  	v48 =	vld [tilespmem:s20+$0xFFFFFE80]  }
0xe4: {  	v57 =	vld [tilespmem:s20+$0xFFFFFEA0]  }
0xe5: {  	s21 =	sand.u32 $0x3FF8, s18;
	v62 =	vld [tilespmem:s20+$0xFFFFFEB0];
	v3 =	vsub.f32 v4, v1  }
0xe6: {  	v14 =	vld [tilespmem:s21+$0x3F80]  }
0xe7: {  	v16 =	vld [tilespmem:s20+$0xFFFFFEC0];
	v7 =	vsub.f32 v5, v1;
	v43 =	vsub.f32 v6, v1;
	v3 =	vmul.f32 $1.442695020e+00, v3  }
0xe8: {  	v22 =	vld [tilespmem:s20+$0xFFFFFED0];
	vm1 =	vgt.f32 v1, $0.0e+00;
	v9 =	vadd.s32 $0x1, v1;
	v11 =	vsub.f32 v8, v1  }
0xe9: {  	v32 =	vld [tilespmem:s20+$0xFFFFFEE0];
	v45 =	vsub.f32 v44, v1;
	v50 =	vsub.f32 v12, v1;
	(erf) = vpow2.f32 v3  }
0xea: {  	v53 =	vsub.f32 v13, v1;
	v55 =	vsub.f32 v48, v1;
	v3 =	vmul.f32 $1.442695020e+00, v7  }
0xeb: {  	vm2 =	vlt.f32 v1, $0.0e+00;
	v59 =	vsub.f32 v14, v1;
	v18 =	vsub.f32 v57, v1  }
0xec: {  	v21 =	vsub.f32 v62, v1;
	(erf) = vpow2.f32 v3;
	v3 =	vmul.f32 $1.442695020e+00, v43  }
0xed: {  	v25 =	vsub.f32 v16, v1;
	v31 =	vsub.f32 v22, v1;
	v11 =	vmul.f32 $1.442695020e+00, v11  }
0xee: {  	v35 =	vld [tilespmem:s20+$0xFFFFFEF0];
	v40 =	vsub.f32 v32, v1;
	v54 =	vmul.f32 $1.442695020e+00, v53;
	(erf) = vpow2.f32 v3  }
0xef: {  	v56 =	vmul.f32 $1.442695020e+00, v55;
	v15 =	vmul.f32 $1.442695020e+00, v59;
	v3 =	vadd.s32 $0xFFFFFFFF, v1  }
0xf0: {  	v24 =	vmul.f32 $1.442695020e+00, v21;
	v29 =	vmul.f32 $1.442695020e+00, v25;
	v10 =	vnsel vm2, $0x800000, v3  }
0xf1: {  	v34 =	vmul.f32 $1.442695020e+00, v31;
	v3 =	vadd.s32 v0, v2;
	v2 =	vsel vm1, v9, v10  }
0xf2: {  	vm1 =	vlt.s32 v3, $0x1;
	v9 =	vmul.f32 $1.442695020e+00, v45;
	v46 =	vpop (erf);
	(erf) = vpow2.f32 v11  }
0xf3: {  	v43 =	vsub.f32 v35, v1;
	v10 =	vsel vm1, v2, v1;
	vm1 =	vlt.s32 v3, $0x11  }
0xf4: {  	vm2 =	vlt.f32 v4, v10;
	v4 =	vadd.f32 $0.0e+00, v46;
	(erf) = vpow2.f32 v9  }
0xf5: {  	vm3 =	vlt.s32 v3, $0x21;
	v45 =	vld [tilespmem:s21+$0x4000];
	v47 =	vsel vm1, v2, v1;
	v9 =	vmul.f32 $1.442695020e+00, v50  }
0xf6: {  	v51 =	vsel vm3, v2, v1;
	vm1 =	vlt.f32 v5, v47;
	v49 =	vpop (erf);
	v4 =	vnsel vm2, $0x0, v4  }
0xf7: {  	v10 =	vnsel vm1, $0x0, v49;
	vm1 =	vlt.f32 v6, v51;
	v51 =	vld [tilespmem:s20+$0xFFFFFF20];
	v52 =	vpop (erf);
	(erf) = vpow2.f32 v9  }
0xf8: {  	v47 =	vmul.f32 $1.442695020e+00, v43;
	v4 =	vadd.f32 v10, v4;
	v10 =	vmul.f32 $1.442695020e+00, v18  }
0xf9: {  	v6 =	vnsel vm1, $0x0, v52;
	vm1 =	vlt.s32 v3, $0x31;
	(erf) = vpow2.f32 v54  }
0xfa: {  	v54 =	vsub.f32 v45, v1;
	v58 =	vsel vm1, v2, v1;
	vm1 =	vlt.s32 v3, $0x41  }
0xfb: {  	v4 =	vadd.f32 v4, v6;
	v61 =	vsel vm1, v2, v1;
	v60 =	vpop (erf);
	(erf) = vpow2.f32 v56  }
0xfc: {  	v55 =	vld [tilespmem:s20+$0xFFFFFF30];
	vm2 =	vlt.f32 v8, v58;
	vm1 =	vlt.f32 v44, v61;
	v59 =	vsub.f32 v51, v1  }
0xfd: {  	v8 =	vnsel vm2, $0x0, v60;
	v63 =	vpop (erf);
	(erf) = vpow2.f32 v15;
	vm2 =	vlt.s32 v3, $0x61  }
0xfe: {  	v37 =	vld [tilespmem:s20+$0xFFFFFF00];
	v4 =	vadd.f32 v4, v8;
	v7 =	vnsel vm1, $0x0, v63;
	vm1 =	vlt.s32 v3, $0x51  }
0xff: {  	v56 =	vmul.f32 $1.442695020e+00, v54;
	v20 =	vsel vm2, v2, v1;
	v17 =	vsel vm1, v2, v1  }
0x100: {  	v61 =	vld [tilespmem:s20+$0xFFFFFF50];
	vm2 =	vlt.s32 v3, $0x71;
	v4 =	vadd.f32 v4, v7;
	vm1 =	vlt.f32 v12, v17;
	v19 =	vpop (erf)  }
0x101: {  	v15 =	vsub.f32 v55, v1;
	v27 =	vsel vm2, v2, v1;
	v7 =	vnsel vm1, $0x0, v19  }
0x102: {  	(erf) = vpow2.f32 v10;
	vm1 =	vlt.f32 v13, v20;
	v23 =	vpop (erf);
	v4 =	vadd.f32 v4, v7  }
0x103: {  	v26 =	vnsel vm1, $0x0, v23;
	vm1 =	vlt.f32 v48, v27;
	v48 =	vsub.f32 v37, v1  }
0x104: {  	v13 =	vmul.f32 $1.442695020e+00, v40;
	v4 =	vadd.f32 v4, v26;
	v26 =	vld [tilespmem:s20+$0xFFFFFF70];
	v28 =	vpop (erf);
	(erf) = vpow2.f32 v24  }
0x105: {  	v19 =	vmul.f32 $1.442695020e+00, v15;
	v23 =	vsub.f32 v61, v1;
	v50 =	vmul.f32 $1.442695020e+00, v48  }
0x106: {  	v24 =	vld [tilespmem:s20+$0xFFFFFF60];
	v5 =	vnsel vm1, $0x0, v28;
	vm1 =	vlt.s32 v3, $0x81;
	(erf) = vpow2.f32 v29  }
0x107: {  	v25 =	vmul.f32 $1.442695020e+00, v23;
	v33 =	vpop (erf);
	v30 =	vsel vm1, v2, v1;
	(erf) = vpow2.f32 v34  }
0x108: {  	v4 =	vadd.f32 v4, v5;
	vm1 =	vlt.f32 v14, v30;
	v14 =	vmul.f32 $1.442695020e+00, v59  }
0x109: {  	v5 =	vnsel vm1, $0x0, v33;
	vm1 =	vlt.s32 v3, $0x91;
	v34 =	vsub.f32 v26, v1  }
0x10a: {  	v4 =	vadd.f32 v4, v5;
	v36 =	vsel vm1, v2, v1;
	vm1 =	vlt.s32 v3, $0xA1  }
0x10b: {  	v31 =	vld [tilespmem:s20+$0xFFFFFF80];
	v38 =	vpop (erf);
	v30 =	vsub.f32 v24, v1;
	vm2 =	vlt.f32 v57, v36;
	v39 =	vsel vm1, v2, v1  }
0x10c: {  	v57 =	vld [tilespmem:s20+$0xFFFFFF40];
	v5 =	vnsel vm2, $0x0, v38;
	vm1 =	vlt.f32 v62, v39;
	vm2 =	vlt.s32 v3, $0xB1  }
0x10d: {  	v10 =	vmul.f32 $1.442695020e+00, v30;
	v38 =	vmul.f32 $1.442695020e+00, v34;
	v4 =	vadd.f32 v4, v5;
	v41 =	vpop (erf)  }
0x10e: {  	v40 =	vld [tilespmem:s20+$0xFFFFFFA0];
	v42 =	vsel vm2, v2, v1;
	(erf) = vpow2.f32 v13;
	v44 =	vnsel vm1, $0x0, v41  }
0x10f: {  	vm1 =	vlt.f32 v16, v42;
	v46 =	vpop (erf);
	(erf) = vpow2.f32 v47;
	v4 =	vadd.f32 v4, v44  }
0x110: {  	v47 =	vld [tilespmem:s20+$0xFFFFFFB0];
	v49 =	vnsel vm1, $0x0, v46;
	vm1 =	vlt.s32 v3, $0xC1;
	v53 =	vpop (erf);
	(erf) = vpow2.f32 v50  }
0x111: {  	v42 =	vsub.f32 v31, v1;
	v20 =	vsub.f32 v57, v1;
	v52 =	vsel vm1, v2, v1  }
0x112: {  	v50 =	vld [tilespmem:s20+$0xFFFFFFC0];
	(erf) = vpow2.f32 v56;
	v4 =	vadd.f32 v4, v49;
	vm1 =	vlt.f32 v22, v52  }
0x113: {  	v49 =	vsub.f32 v40, v1;
	v5 =	vnsel vm1, $0x0, v53;
	vm1 =	vlt.s32 v3, $0xD1  }
0x114: {  	v22 =	vmul.f32 $1.442695020e+00, v20;
	v4 =	vadd.f32 v4, v5;
	v58 =	vsel vm1, v2, v1  }
0x115: {  	v56 =	vld [tilespmem:s20+$0xFFFFFFD0];
	vm1 =	vlt.s32 v3, $0xE1;
	v52 =	vmul.f32 $1.442695020e+00, v49;
	v54 =	vsub.f32 v47, v1  }
0x116: {  	vm2 =	vlt.f32 v32, v58;
	v60 =	vsel vm1, v2, v1;
	vm1 =	vlt.s32 v3, $0xF1  }
0x117: {  	v58 =	vsub.f32 v50, v1;
	v63 =	vsel vm1, v2, v1;
	v62 =	vpop (erf);
	(erf) = vpow2.f32 v14  }
0x118: {  	vm1 =	vlt.f32 v37, v63;
	v13 =	vnsel vm2, $0x0, v62;
	vm2 =	vlt.f32 v35, v60;
	v18 =	vpop (erf)  }
0x119: {  	v62 =	vmul.f32 $1.442695020e+00, v58;
	v4 =	vadd.f32 v4, v13;
	v21 =	vpop (erf);
	(erf) = vpow2.f32 v19  }
0x11a: {  	v35 =	vld [tilespmem:s21+$0x4080];
	v12 =	vnsel vm2, $0x0, v18;
	vm2 =	vlt.s32 v3, $0x111;
	v19 =	vsub.f32 v56, v1  }
0x11b: {  	v60 =	vld [tilespmem:s20+$0xFFFFFFE0];
	v7 =	vnsel vm1, $0x0, v21;
	vm1 =	vlt.s32 v3, $0x101;
	(erf) = vpow2.f32 v22  }
0x11c: {  	v29 =	vsel vm2, v2, v1;
	vm2 =	vlt.s32 v3, $0x121;
	v4 =	vadd.f32 v4, v12  }
0x11d: {  	v27 =	vsel vm1, v2, v1;
	v33 =	vsel vm2, v2, v1;
	vm2 =	vlt.s32 v3, $0x131  }
0x11e: {  	v28 =	vpop (erf);
	(erf) = vpow2.f32 v25;
	vm1 =	vlt.f32 v45, v27;
	v37 =	vsel vm2, v2, v1  }
0x11f: {  	vm2 =	vlt.s32 v3, $0x141;
	v4 =	vadd.f32 v4, v7;
	v46 =	vsub.f32 v35, v1  }
0x120: {  	v6 =	vnsel vm1, $0x0, v28;
	vm1 =	vlt.f32 v51, v29;
	v22 =	vsub.f32 v60, v1  }
0x121: {  	v44 =	vsel vm2, v2, v1;
	vm2 =	vlt.s32 v3, $0x161;
	v48 =	vmul.f32 $1.442695020e+00, v46;
	v32 =	vpop (erf)  }
0x122: {  	v4 =	vadd.f32 v4, v6;
	v25 =	vmul.f32 $1.442695020e+00, v22;
	v36 =	vpop (erf);
	(erf) = vpow2.f32 v10  }
0x123: {  	v7 =	vnsel vm1, $0x0, v32;
	vm1 =	vlt.f32 v55, v33;
	v55 =	vsel vm2, v2, v1  }
0x124: {  	vm2 =	vlt.s32 v3, $0x181;
	v4 =	vadd.f32 v4, v7;
	v10 =	vmul.f32 $1.442695020e+00, v42  }
0x125: {  	v18 =	vsel vm2, v2, v1;
	v42 =	vld [tilespmem:s20+$0x40];
	v39 =	vnsel vm1, $0x0, v36;
	(erf) = vpow2.f32 v38  }
0x126: {  	vm2 =	vlt.s32 v3, $0x191;
	vm1 =	vlt.f32 v57, v37;
	v41 =	vpop (erf);
	v36 =	vld [tilespmem:s20+$0x20];
	v4 =	vadd.f32 v4, v39  }
0x127: {  	v43 =	vnsel vm1, $0x0, v41;
	vm1 =	vlt.f32 v61, v44;
	v45 =	vpop (erf);
	(erf) = vpow2.f32 v10;
	v39 =	vld [tilespmem:s20+$0x30]  }
0x128: {  	v21 =	vsel vm2, v2, v1;
	v5 =	vnsel vm1, $0x0, v45;
	vm1 =	vlt.s32 v3, $0x151  }
0x129: {  	v63 =	vld [tilespmem:s20+$0xFFFFFFF0];
	vm2 =	vlt.s32 v3, $0x1B1;
	v4 =	vadd.f32 v4, v43;
	v51 =	vsel vm1, v2, v1  }
0x12a: {  	v10 =	vmul.f32 $1.442695020e+00, v54;
	(erf) = vpow2.f32 v48;
	vm1 =	vlt.f32 v24, v51  }
0x12b: {  	v58 =	vld [tilespmem:s20+$0x70];
	v51 =	vsub.f32 v42, v1;
	v4 =	vadd.f32 v4, v5;
	v53 =	vpop (erf);
	(erf) = vpow2.f32 v52  }
0x12c: {  	v49 =	vld [tilespmem:s20+$0x50];
	v33 =	vsel vm2, v2, v1;
	v44 =	vsub.f32 v36, v1;
	v48 =	vsub.f32 v39, v1  }
0x12d: {  	v52 =	vmul.f32 $1.442695020e+00, v51;
	v5 =	vnsel vm1, $0x0, v53;
	vm1 =	vlt.f32 v26, v55  }
0x12e: {  	v28 =	vld [tilespmem:s20+$0x0];
	v57 =	vpop (erf);
	(erf) = vpow2.f32 v10;
	v10 =	vmul.f32 $1.442695020e+00, v19;
	v26 =	vsub.f32 v63, v1  }
0x12f: {  	v4 =	vadd.f32 v4, v5;
	v59 =	vnsel vm1, $0x0, v57;
	vm1 =	vlt.s32 v3, $0x171  }
0x130: {  	v53 =	vld [tilespmem:s20+$0x60];
	v19 =	vsub.f32 v58, v1;
	v17 =	vpop (erf);
	(erf) = vpow2.f32 v62;
	v61 =	vsel vm1, v2, v1  }
0x131: {  	v55 =	vsub.f32 v49, v1;
	v4 =	vadd.f32 v4, v59;
	vm1 =	vlt.f32 v31, v61  }
0x132: {  	v62 =	vld [tilespmem:s20+$0x80];
	v30 =	vmul.f32 $1.442695020e+00, v26;
	v22 =	vmul.f32 $1.442695020e+00, v19;
	v6 =	vnsel vm1, $0x0, v17  }
0x133: {  	v20 =	vpop (erf);
	v31 =	vld [tilespmem:s21+$0x4100];
	vm1 =	vlt.f32 v35, v18;
	v35 =	vsub.f32 v28, v1;
	v4 =	vadd.f32 v4, v6  }
0x134: {  	v23 =	vnsel vm1, $0x0, v20;
	vm1 =	vlt.f32 v40, v21;
	v24 =	vpop (erf);
	(erf) = vpow2.f32 v10  }
0x135: {  	v16 =	vsub.f32 v53, v1;
	v9 =	vmul.f32 $1.442695020e+00, v35;
	v4 =	vadd.f32 v4, v23  }
0x136: {  	v27 =	vnsel vm1, $0x0, v24;
	vm1 =	vlt.s32 v3, $0x1A1;
	(erf) = vpow2.f32 v25  }
0x137: {  	v23 =	vsub.f32 v62, v1;
	v32 =	vpop (erf);
	v29 =	vsel vm1, v2, v1;
	(erf) = vpow2.f32 v30  }
0x138: {  	v37 =	vsub.f32 v31, v1;
	v4 =	vadd.f32 v4, v27;
	vm1 =	vlt.f32 v47, v29  }
0x139: {  	v10 =	vmul.f32 $1.442695020e+00, v16;
	v34 =	vpop (erf);
	v6 =	vnsel vm1, $0x0, v32;
	vm1 =	vlt.f32 v50, v33  }
0x13a: {  	v4 =	vadd.f32 v4, v6;
	v6 =	vnsel vm1, $0x0, v34;
	vm1 =	vlt.s32 v3, $0x1C1  }
0x13b: {  	v27 =	vmul.f32 $1.442695020e+00, v23;
	v50 =	vmul.f32 $1.442695020e+00, v48;
	v38 =	vsel vm1, v2, v1  }
0x13c: {  	vm1 =	vlt.s32 v3, $0x1D1;
	v4 =	vadd.f32 v4, v6;
	v6 =	vmul.f32 $1.442695020e+00, v37  }
0x13d: {  	vm2 =	vlt.f32 v56, v38;
	v41 =	vsel vm1, v2, v1;
	v40 =	vpop (erf);
	(erf) = vpow2.f32 v9  }
0x13e: {  	v32 =	vld [tilespmem:s20+$0xB0];
	v7 =	vnsel vm2, $0x0, v40;
	vm2 =	vlt.s32 v3, $0x1E1;
	(erf) = vpow2.f32 v6  }
0x13f: {  	v20 =	vld [tilespmem:s21+$0x4180];
	vm1 =	vlt.f32 v60, v41;
	v43 =	vpop (erf);
	v6 =	vmul.f32 $1.442695020e+00, v44;
	v46 =	vsel vm2, v2, v1  }
0x140: {  	v35 =	vld [tilespmem:s20+$0xC0];
	v4 =	vadd.f32 v4, v7;
	v45 =	vnsel vm1, $0x0, v43;
	v47 =	vpop (erf);
	vm1 =	vlt.f32 v63, v46  }
0x141: {  	(erf) = vpow2.f32 v6;
	v5 =	vnsel vm1, $0x0, v47;
	vm1 =	vlt.s32 v3, $0x1F1  }
0x142: {  	(erf) = vpow2.f32 v50;
	v50 =	vld [tilespmem:s20+$0xE0];
	v54 =	vsel vm1, v2, v1;
	vm1 =	vlt.s32 v3, $0x201  }
0x143: {  	v60 =	vmul.f32 $1.442695020e+00, v55;
	v41 =	vsub.f32 v32, v1;
	v57 =	vsel vm1, v2, v1  }
0x144: {  	v4 =	vadd.f32 v4, v45;
	vm1 =	vlt.f32 v31, v57;
	v31 =	vsub.f32 v20, v1  }
0x145: {  	v44 =	vmul.f32 $1.442695020e+00, v41;
	v45 =	vsub.f32 v35, v1;
	vm2 =	vlt.f32 v28, v54;
	v28 =	vld [tilespmem:s20+$0xA0]  }
0x146: {  	v4 =	vadd.f32 v4, v5;
	v56 =	vpop (erf);
	(erf) = vpow2.f32 v52;
	v34 =	vmul.f32 $1.442695020e+00, v31  }
0x147: {  	v57 =	vsub.f32 v50, v1;
	v7 =	vnsel vm2, $0x0, v56;
	v59 =	vpop (erf);
	(erf) = vpow2.f32 v60  }
0x148: {  	vm2 =	vlt.s32 v3, $0x221;
	v4 =	vadd.f32 v4, v7;
	v61 =	vnsel vm1, $0x0, v59  }
0x149: {  	vm1 =	vlt.s32 v3, $0x211;
	v18 =	vsel vm2, v2, v1;
	vm2 =	vlt.s32 v3, $0x231  }
0x14a: {  	v37 =	vsub.f32 v28, v1;
	v13 =	vmul.f32 $1.442695020e+00, v57;
	v63 =	vsel vm1, v2, v1  }
0x14b: {  	v17 =	vpop (erf);
	(erf) = vpow2.f32 v10;
	v25 =	vsel vm2, v2, v1;
	vm2 =	vlt.s32 v3, $0x261  }
0x14c: {  	v4 =	vadd.f32 v4, v61;
	vm1 =	vlt.f32 v36, v63;
	v21 =	vpop (erf);
	(erf) = vpow2.f32 v22  }
0x14d: {  	v7 =	vnsel vm1, $0x0, v17;
	vm1 =	vlt.f32 v39, v18;
	v39 =	vsel vm2, v2, v1  }
0x14e: {  	v22 =	vld [tilespmem:s20+$0x120];
	vm2 =	vlt.s32 v3, $0x271;
	v4 =	vadd.f32 v4, v7;
	v24 =	vnsel vm1, $0x0, v21  }
0x14f: {  	v47 =	vsel vm2, v2, v1;
	vm2 =	vlt.s32 v3, $0x291;
	v26 =	vpop (erf);
	(erf) = vpow2.f32 v27  }
0x150: {  	vm1 =	vlt.f32 v42, v25;
	v42 =	vld [tilespmem:s20+$0xD0];
	v56 =	vsel vm2, v2, v1;
	vm2 =	vlt.s32 v3, $0x2A1  }
0x151: {  	v40 =	vmul.f32 $1.442695020e+00, v37;
	v60 =	vsel vm2, v2, v1;
	vm2 =	vlt.s32 v3, $0x2B1  }
0x152: {  	v4 =	vadd.f32 v4, v24;
	v19 =	vsel vm2, v2, v1;
	vm2 =	vlt.s32 v3, $0x2D1  }
0x153: {  	v31 =	vsub.f32 v22, v1;
	v29 =	vnsel vm1, $0x0, v26;
	vm1 =	vlt.s32 v3, $0x241  }
0x154: {  	v63 =	vld [tilespmem:s21+$0x4200];
	v33 =	vpop (erf);
	(erf) = vpow2.f32 v34;
	v30 =	vsel vm1, v2, v1;
	v4 =	vadd.f32 v4, v29  }
0x155: {  	v52 =	vsub.f32 v42, v1;
	vm1 =	vlt.f32 v49, v30;
	v38 =	vpop (erf);
	(erf) = vpow2.f32 v40  }
0x156: {  	v29 =	vld [tilespmem:s20+$0x140];
	v49 =	vmul.f32 $1.442695020e+00, v45;
	v7 =	vnsel vm1, $0x0, v33;
	vm1 =	vlt.s32 v3, $0x251  }
0x157: {  	v30 =	vsel vm2, v2, v1;
	v43 =	vpop (erf);
	(erf) = vpow2.f32 v44;
	v36 =	vsel vm1, v2, v1  }
0x158: {  	vm2 =	vlt.s32 v3, $0x2E1;
	vm1 =	vlt.f32 v53, v36;
	v53 =	vld [tilespmem:s20+$0xF0];
	v48 =	vpop (erf);
	(erf) = vpow2.f32 v49  }
0x159: {  	v25 =	vsub.f32 v63, v1;
	v34 =	vmul.f32 $1.442695020e+00, v31;
	v33 =	vsel vm2, v2, v1  }
0x15a: {  	vm2 =	vlt.s32 v3, $0x301;
	v4 =	vadd.f32 v4, v7;
	v7 =	vmul.f32 $1.442695020e+00, v52  }
0x15b: {  	v6 =	vnsel vm1, $0x0, v38;
	vm1 =	vlt.f32 v58, v39;
	v40 =	vsub.f32 v29, v1  }
0x15c: {  	v41 =	vld [tilespmem:s20+$0x160];
	v4 =	vadd.f32 v4, v6;
	v46 =	vnsel vm1, $0x0, v43;
	vm1 =	vlt.f32 v62, v47  }
0x15d: {  	v58 =	vld [tilespmem:s20+$0x100];
	v47 =	vsel vm2, v2, v1;
	v55 =	vpop (erf);
	(erf) = vpow2.f32 v7;
	v61 =	vsub.f32 v53, v1  }
0x15e: {  	v37 =	vld [tilespmem:s20+$0x150];
	v4 =	vadd.f32 v4, v46;
	v51 =	vnsel vm1, $0x0, v48;
	vm1 =	vlt.s32 v3, $0x281  }
0x15f: {  	vm2 =	vlt.s32 v3, $0x321;
	v54 =	vsel vm1, v2, v1;
	v59 =	vpop (erf);
	v17 =	vmul.f32 $1.442695020e+00, v61  }
0x160: {  	v4 =	vadd.f32 v4, v51;
	vm1 =	vlt.f32 v20, v54;
	(erf) = vpow2.f32 v13;
	v16 =	vpop (erf)  }
0x161: {  	v44 =	vmul.f32 $1.442695020e+00, v40;
	v6 =	vnsel vm1, $0x0, v55;
	v20 =	vpop (erf);
	(erf) = vpow2.f32 v17  }
0x162: {  	v21 =	vsub.f32 v58, v1;
	vm1 =	vlt.f32 v28, v56;
	v4 =	vadd.f32 v4, v6  }
0x163: {  	v46 =	vsub.f32 v37, v1;
	v48 =	vsub.f32 v41, v1;
	v62 =	vnsel vm1, $0x0, v59  }
0x164: {  	v26 =	vld [tilespmem:s20+$0x130];
	vm1 =	vlt.f32 v32, v60;
	v12 =	vmul.f32 $1.442695020e+00, v21;
	v4 =	vadd.f32 v4, v62  }
0x165: {  	v52 =	vld [tilespmem:s20+$0x180];
	v7 =	vmul.f32 $1.442695020e+00, v46;
	v28 =	vmul.f32 $1.442695020e+00, v25;
	v18 =	vnsel vm1, $0x0, v16  }
0x166: {  	vm1 =	vlt.f32 v35, v19;
	v4 =	vadd.f32 v4, v18;
	v27 =	vpop (erf);
	(erf) = vpow2.f32 v12  }
0x167: {  	v9 =	vmul.f32 $1.442695020e+00, v48;
	v23 =	vnsel vm1, $0x0, v20;
	(erf) = vpow2.f32 v28  }
0x168: {  	v54 =	vsel vm2, v2, v1;
	vm1 =	vlt.s32 v3, $0x2C1;
	v4 =	vadd.f32 v4, v23;
	v23 =	vld [tilespmem:s20+$0x1B0]  }
0x169: {  	vm2 =	vlt.f32 v26, v54;
	v35 =	vsub.f32 v26, v1;
	v24 =	vsel vm1, v2, v1;
	v32 =	vpop (erf)  }
0x16a: {  	v62 =	vsub.f32 v52, v1;
	vm1 =	vlt.f32 v42, v24;
	v38 =	vpop (erf);
	(erf) = vpow2.f32 v34  }
0x16b: {  	v39 =	vmul.f32 $1.442695020e+00, v35;
	v5 =	vnsel vm1, $0x0, v27;
	vm1 =	vlt.f32 v50, v30  }
0x16c: {  	v21 =	vmul.f32 $1.442695020e+00, v62;
	v50 =	vld [tilespmem:s20+$0x170];
	v4 =	vadd.f32 v4, v5;
	v36 =	vnsel vm1, $0x0, v32  }
0x16d: {  	vm1 =	vlt.f32 v53, v33;
	v33 =	vsub.f32 v23, v1;
	(erf) = vpow2.f32 v39  }
0x16e: {  	v35 =	vld [tilespmem:s20+$0x1E0];
	v4 =	vadd.f32 v4, v36;
	v42 =	vnsel vm1, $0x0, v38;
	vm1 =	vlt.s32 v3, $0x2F1  }
0x16f: {  	v55 =	vld [tilespmem:s21+$0x4280];
	v36 =	vmul.f32 $1.442695020e+00, v33;
	v45 =	vpop (erf);
	v43 =	vsel vm1, v2, v1;
	(erf) = vpow2.f32 v44  }
0x170: {  	v4 =	vadd.f32 v4, v42;
	v49 =	vpop (erf);
	vm1 =	vlt.f32 v58, v43;
	(erf) = vpow2.f32 v7  }
0x171: {  	v58 =	vsub.f32 v50, v1;
	v5 =	vnsel vm1, $0x0, v45;
	vm1 =	vlt.f32 v63, v47  }
0x172: {  	v4 =	vadd.f32 v4, v5;
	v5 =	vnsel vm1, $0x0, v49;
	vm1 =	vlt.s32 v3, $0x311  }
0x173: {  	v45 =	vsub.f32 v35, v1;
	v51 =	vsel vm1, v2, v1;
	v53 =	vpop (erf);
	(erf) = vpow2.f32 v9  }
0x174: {  	v63 =	vld [tilespmem:s20+$0x1A0];
	v61 =	vmul.f32 $1.442695020e+00, v58;
	vm1 =	vlt.f32 v22, v51;
	v22 =	vsub.f32 v55, v1  }
0x175: {  	v4 =	vadd.f32 v4, v5;
	v5 =	vnsel vm1, $0x0, v53;
	vm1 =	vlt.s32 v3, $0x331  }
0x176: {  	v27 =	vld [tilespmem:s20+$0x1C0];
	v26 =	vmul.f32 $1.442695020e+00, v22;
	v56 =	vpop (erf);
	(erf) = vpow2.f32 v61;
	v57 =	vsel vm1, v2, v1  }
0x177: {  	v31 =	vld [tilespmem:s20+$0x1D0];
	v4 =	vadd.f32 v4, v5;
	v59 =	vnsel vm2, $0x0, v56;
	vm2 =	vlt.s32 v3, $0x341  }
0x178: {  	v39 =	vld [tilespmem:s20+$0x1F0];
	v60 =	vpop (erf);
	(erf) = vpow2.f32 v21;
	vm1 =	vlt.f32 v29, v57;
	v20 =	vsel vm2, v2, v1  }
0x179: {  	vm2 =	vlt.s32 v3, $0x351;
	v29 =	vsub.f32 v63, v1;
	v4 =	vadd.f32 v4, v59  }
0x17a: {  	v24 =	vpop (erf);
	v19 =	vnsel vm1, $0x0, v60;
	vm1 =	vlt.f32 v37, v20;
	v25 =	vsel vm2, v2, v1  }
0x17b: {  	v37 =	vsub.f32 v27, v1;
	v5 =	vnsel vm1, $0x0, v24;
	vm1 =	vlt.f32 v41, v25  }
0x17c: {  	v41 =	vsub.f32 v31, v1;
	v4 =	vadd.f32 v4, v19;
	v28 =	vpop (erf);
	(erf) = vpow2.f32 v26  }
0x17d: {  	v48 =	vmul.f32 $1.442695020e+00, v45;
	v49 =	vsub.f32 v39, v1;
	v32 =	vmul.f32 $1.442695020e+00, v29  }
0x17e: {  	v40 =	vmul.f32 $1.442695020e+00, v37;
	v44 =	vmul.f32 $1.442695020e+00, v41;
	v4 =	vadd.f32 v4, v5  }
0x17f: {  	v30 =	vnsel vm1, $0x0, v28;
	vm1 =	vlt.s32 v3, $0x361;
	(erf) = vpow2.f32 v32  }
0x180: {  	v4 =	vadd.f32 v4, v30;
	v34 =	vsel vm1, v2, v1;
	vm1 =	vlt.s32 v3, $0x371  }
0x181: {  	v16 =	vpop (erf);
	(erf) = vpow2.f32 v36;
	vm2 =	vlt.f32 v50, v34;
	v38 =	vsel vm1, v2, v1  }
0x182: {  	v43 =	vpop (erf);
	vm1 =	vlt.s32 v3, $0x381;
	(erf) = vpow2.f32 v40;
	v16 =	vnsel vm2, $0x0, v16  }
0x183: {  	vm2 =	vlt.f32 v52, v38;
	v42 =	vsel vm1, v2, v1;
	(erf) = vpow2.f32 v44  }
0x184: {  	v52 =	vmul.f32 $1.442695020e+00, v49;
	vm1 =	vlt.f32 v55, v42;
	v4 =	vadd.f32 v4, v16  }
0x185: {  	v46 =	vnsel vm2, $0x0, v43;
	vm2 =	vlt.s32 v3, $0x3A1;
	v47 =	vpop (erf);
	(erf) = vpow2.f32 v48  }
0x186: {  	v4 =	vadd.f32 v4, v46;
	v50 =	vnsel vm1, $0x0, v47;
	vm1 =	vlt.s32 v3, $0x391  }
0x187: {  	v54 =	vsel vm2, v2, v1;
	vm2 =	vlt.s32 v3, $0x3B1;
	v51 =	vsel vm1, v2, v1  }
0x188: {  	v57 =	vsel vm2, v2, v1;
	v53 =	vpop (erf);
	v4 =	vadd.f32 v4, v50;
	vm1 =	vlt.f32 v63, v51  }
0x189: {  	vm2 =	vlt.s32 v3, $0x3C1;
	(erf) = vpow2.f32 v52;
	v5 =	vnsel vm1, $0x0, v53  }
0x18a: {  	v60 =	vsel vm2, v2, v1;
	v55 =	vpop (erf);
	vm1 =	vlt.f32 v23, v54;
	v4 =	vadd.f32 v4, v5  }
0x18b: {  	vm2 =	vlt.s32 v3, $0x3D1;
	v58 =	vpop (erf);
	v56 =	vnsel vm1, $0x0, v55;
	vm1 =	vlt.f32 v27, v57  }
0x18c: {  	v61 =	vpop (erf);
	v59 =	vnsel vm1, $0x0, v58;
	vm1 =	vlt.f32 v31, v60;
	v4 =	vadd.f32 v4, v56  }
0x18d: {  	v63 =	vsel vm2, v2, v1;
	v62 =	vnsel vm1, $0x0, v61;
	vm1 =	vlt.s32 v3, $0x3E1  }
0x18e: {  	v1 =	vsel vm1, v2, v1;
	vm1 =	vlt.f32 v35, v63;
	v4 =	vadd.f32 v4, v59;
	v3 =	vpop (erf)  }
0x18f: {  	v2 =	vnsel vm1, $0x0, v3  }
0x190: {  	v4 =	vadd.f32 v4, v62  }
0x191: {  	p0 =	sne.s32 s17, $0x1F;
	vm1 =	vlt.f32 v39, v1  }
.Ltmp1:
0x192: {  	vm1 =	vmand vm1, vm0;
	v1 =	vadd.f32 v4, v2;
	v2 =	vpop (erf);
	(pc) =	sbr.rel @p0 .LBB2_4-.Ltmp1, $4  }
0x193: {  	v2 =	vnsel vm1, $0x0, v2  }
0x194: {  	v1 =	vadd.f32 v1, v2  }
0x195: {  	s17 =	sadd.s32 $0x1, s17  }
0x196: {  	s18 =	sadd.s32 $0x3E8, s18;
	s20 =	sadd.s32 $0x3E8, s20;
	[tilespmem:s19+$0x0] =	vst v1;
	s19 =	sadd.s32 $0x10, s19  }
0x197: {  	s16 =	sadd.s32 $0x1, s16  }
0x198: {  	p0 =	sne.s32 s16, s7  }
.Ltmp2:
0x199: {  	_ = 	snop;
	(pc) =	sbr.rel @p0 .LBB2_1-.Ltmp2, $4  }
0x19a: {  	[hbm4b:s6+s13] =	stream.strided.scatter [tilespmem:s15], [sflag:$0x3], $0x200, s14, s13, $0x38;
	[tilespmem:$0x8080] =	vst v63  }
0x19b: {  	_ =	swait.ge [sflag:s9], $0x200  }
0x19c: {  	[sflag:s9] =	ssyncset.done $0x0  }
0x19d: {  	[sflag:s9] =	ssyncadd.s32 $0xFFFFFE00  }
0x19e: {  	_ =	sfence.sel $0x180000  }
0x19f: {  	[bflag:$0x0] =	sbarrier.arrive $0xFFFF  }
0x1a0: {  	p0 =	sne.s32 s1, $0x0;
	_ =	strace $0x90000047  }
0x1a1: {  	s0 =	sadd.s32 @!p0 $0x100000, s0;
	[bflag:$0x2] =	sbarrier.arrive $0xFFFF  }
0x1a2: {  	[sflag:s0] =	ssyncadd.tile.s32 @!p0 $0x1;
	_ =	shalt  }
.Lfunc_end2:
_tile_overlayer_lowered:
.L_overlay_start_2:
0x1a3: {  	(tag) =	ssettag $0x2  }
0x1a4: {  	s0 =	rddreg [dreg:$0x0];
	s2 =	stileid.u32  }
0x1a5: {  	s1 =	rddreg [dreg:$0x1];
	p0 =	sne.s32 s2, $0x0  }
0x1a6: {  	s3 =	rddreg [dreg:$0x2];
	[bflag:$0x3] =	sbarrier.arrive $0xFFFF;
	s2 =	simm.s32 @!p0 $0x1C03  }
0x1a7: {  	[timem:s3], [sflag:s2] =	dma.local @!p0 [hbm:s0], s1  }
0x1a8: {  	s0 =	simm.s32 @!p0 $0x3  }
0x1a9: {  	_ =	swait.ge @!p0 [sflag:s0], s1  }
0x1aa: {  	s1 =	ssub.s32 @!p0 $0x0, s1;
	[sflag:s0] =	ssyncset.done @!p0 $0x0  }
0x1ab: {  	[sflag:s0] =	ssyncadd.s32 @!p0 s1  }
0x1ac: {  	[bflag:$0x3] =	sbarrier.arrive $0xFFFF  }
0x1ad: {  	_ =	shalt  }

</sc_bundles>
